<compile_context>
chip_gen: v7x
topology: tpu7x:2x2x1
jax: 0.10.2.dev20260603
libtpu: 0.0.44.dev20260713+nightly
codegen_flags: <defaults>
</compile_context>

<pallas_src>
import functools

import jax
import jax.numpy as jnp
from jax import lax
from jax.experimental import pallas as pl
from jax.experimental.pallas import tpu as pltpu
from jax.experimental.pallas import tpu_sc as plsc

B = 16384
K = 64
NUM_WORKERS = 32
BPW = B // NUM_WORKERS
LANES = 16


def _sc_kernel_body(f0_hbm, f1_hbm, f2_hbm, i0_hbm, i1_hbm, i2_hbm, out_hbm,
                    i0_v, i1_v, i2_v, r0_v, r1_v, r2_v, out_v, sem):
    wid = lax.axis_index("s") * 2 + lax.axis_index("c")
    base = wid * BPW

    pltpu.sync_copy(i0_hbm.at[pl.ds(base, BPW)], i0_v)
    pltpu.sync_copy(i1_hbm.at[pl.ds(base, BPW)], i1_v)
    pltpu.sync_copy(i2_hbm.at[pl.ds(base, BPW)], i2_v)

    c0 = pltpu.async_copy(f0_hbm.at[i0_v], r0_v, sem)
    c1 = pltpu.async_copy(f1_hbm.at[i1_v], r1_v, sem)
    c2 = pltpu.async_copy(f2_hbm.at[i2_v], r2_v, sem)
    c0.wait()
    c1.wait()
    c2.wait()

    lane_iota = lax.iota(jnp.int32, LANES)

    def body(g, carry):
        vec = jnp.zeros((LANES,), jnp.float32)
        gbase = g * jnp.int32(LANES)
        for l in range(LANES):
            b = gbase + jnp.int32(l)
            acc = None
            for j in range(K // LANES):
                sl = pl.ds(j * LANES, LANES)
                p = (plsc.bitcast(r0_v[b, sl], jnp.float32)
                     * plsc.bitcast(r1_v[b, sl], jnp.float32)
                     * plsc.bitcast(r2_v[b, sl], jnp.float32))
                acc = p if acc is None else acc + p
            vec = jnp.where(lane_iota == jnp.int32(l), jnp.sum(acc), vec)
        out_v[pl.ds(gbase, LANES)] = vec
        return carry

    lax.fori_loop(jnp.int32(0), jnp.int32(BPW // LANES), body, jnp.int32(0))

    pltpu.sync_copy(out_v, out_hbm.at[pl.ds(base, BPW)])


@jax.jit
def _run(f0, f1, f2, i0, i1, i2):
    mesh = plsc.VectorSubcoreMesh(core_axis_name="c", subcore_axis_name="s")
    kern = functools.partial(
        pl.kernel,
        out_type=jax.ShapeDtypeStruct((B,), jnp.float32),
        mesh=mesh,
        scratch_types=[
            pltpu.VMEM((BPW,), jnp.int32),
            pltpu.VMEM((BPW,), jnp.int32),
            pltpu.VMEM((BPW,), jnp.int32),
            pltpu.VMEM((BPW, K), jnp.int32),
            pltpu.VMEM((BPW, K), jnp.int32),
            pltpu.VMEM((BPW, K), jnp.int32),
            pltpu.VMEM((BPW,), jnp.float32),
            pltpu.SemaphoreType.DMA,
        ],
        compiler_params=pltpu.CompilerParams(
            needs_layout_passes=False, use_tc_tiling_on_sc=False),
    )(_sc_kernel_body)
    return kern(f0, f1, f2, i0, i1, i2)


def _hi_plane(f):
    from jax.experimental import layout as jex_layout
    hi = f.astype(jnp.float32)
    hi = jex_layout.with_layout_constraint(hi, jex_layout.Layout((1, 0)))
    return lax.bitcast_convert_type(hi, jnp.int32)


def kernel(indices, F0, F1, F2):
    idx = indices.astype(jnp.int32)
    out = _run(_hi_plane(F0), _hi_plane(F1), _hi_plane(F2),
               idx[:, 0], idx[:, 1], idx[:, 2])
    return out.astype(jnp.float64)

# --- scband reference (transcript-rebuilt; emitter-appended) ---
"""Pipeline reference for scband-value-parafac-9861244912302 (READ-ONLY COPY).

The authoritative reference and input builder live on the scoring server;
editing this copy changes nothing except your own understanding.
"""

import jax, jax.numpy as jnp
import numpy as np
jax.config.update("jax_enable_x64", True)

DIMS = [100000, 100000, 100000]
K = 64
BATCH = 16384

def setup_inputs(seed: int = 0) -> dict:
    key = jax.random.key(seed)
    k_idx, k0, k1, k2 = jax.random.split(key, 4)
    indices = jax.random.randint(k_idx, (BATCH, 3), 0, 100000, dtype=jnp.int64)
    F0 = 1.0 * (jax.random.normal(k0, (DIMS[0], K), dtype=jnp.float64) + 0.0)
    F1 = 1.0 * (jax.random.normal(k1, (DIMS[1], K), dtype=jnp.float64) + 0.0)
    F2 = 1.0 * (jax.random.normal(k2, (DIMS[2], K), dtype=jnp.float64) + 0.0)
    return {"indices": indices, "F0": F0, "F1": F1, "F2": F2}

def reference(indices, F0, F1, F2):
    factors = [F0, F1, F2]
    bsz = indices.shape[0]
    prod = jnp.ones((bsz, K), dtype=jnp.float64)
    for i in range(indices.shape[1]):
        idx = indices[:, i]
        prod = prod * jnp.take(factors[i], idx, axis=0)
    if indices.shape[1] < len(factors):
        return jnp.matmul(prod, factors[-1].T)
    return jnp.sum(prod, axis=-1)

if __name__ == "__main__":
    import jax
    _d = setup_inputs()
    print(jax.jit(kernel)(*tuple(_d.values())))

</pallas_src>

<mosaic_0001>
#map = affine_map<(d0, d1) -> (0, 0)>
#map1 = affine_map<(d0, d1) -> (0)>
module attributes {stable_mosaic.version = 14 : i64} {
  func.func @_sc_kernel_body(%arg0: i32, %arg1: i32, %arg2: memref<100000x64xi32, #tpu.memory_space<hbm>>, %arg3: memref<100000x64xi32, #tpu.memory_space<hbm>>, %arg4: memref<100000x64xi32, #tpu.memory_space<hbm>>, %arg5: memref<16384xi32, #tpu.memory_space<hbm>>, %arg6: memref<16384xi32, #tpu.memory_space<hbm>>, %arg7: memref<16384xi32, #tpu.memory_space<hbm>>, %arg8: memref<16384xf32, #tpu.memory_space<hbm>>, %arg9: memref<512xi32, #tpu.memory_space<vmem>>, %arg10: memref<512xi32, #tpu.memory_space<vmem>>, %arg11: memref<512xi32, #tpu.memory_space<vmem>>, %arg12: memref<512x64xi32, #tpu.memory_space<vmem>>, %arg13: memref<512x64xi32, #tpu.memory_space<vmem>>, %arg14: memref<512x64xi32, #tpu.memory_space<vmem>>, %arg15: memref<512xf32, #tpu.memory_space<vmem>>, %arg16: memref<!tpu.dma_semaphore, #tpu.memory_space<semaphore_mem>>) attributes {dimension_semantics = [#tpu.dimension_semantics<core_parallel>, #tpu.dimension_semantics<subcore_parallel>], iteration_bounds = array<i64: 2, 16>, scalar_prefetch = 0 : i64, scratch_operands = 8 : i64, tpu.core_type = #tpu.core_type<sc_vector_subcore>, window_params = [{transform_indices = #map}, {transform_indices = #map}, {transform_indices = #map}, {transform_indices = #map1}, {transform_indices = #map1}, {transform_indices = #map1}, {transform_indices = #map1}]} {
    %mul3A = arith.constant 2 : i32
    %mul3A_0 = arith.muli %arg1, %mul3A : i32
    %add3A = arith.addi %mul3A_0, %arg0 : i32
    %mul3A_1 = arith.constant 512 : i32
    %mul3A_2 = arith.muli %add3A, %mul3A_1 : i32
    "tpu.region"() ({
      %run_scoped3A = tpu.sem_alloc : memref<!tpu.dma_semaphore, #tpu.memory_space<semaphore_mem>>
      %dma_start3A_29 = tpu.memref_slice %arg5[%mul3A_2] : memref<16384xi32, #tpu.memory_space<hbm>> -> memref<512xi32, #tpu.memory_space<hbm>>
      %dma_start3A_30 = tpu.memref_slice %arg5[%mul3A_2] : memref<16384xi32, #tpu.memory_space<hbm>> -> memref<512xi32, #tpu.memory_space<hbm>>
      tpu.enqueue_dma source(%dma_start3A_30 : memref<512xi32, #tpu.memory_space<hbm>>) target(%arg9 : memref<512xi32, #tpu.memory_space<vmem>>) target_semaphore(%run_scoped3A : memref<!tpu.dma_semaphore, #tpu.memory_space<semaphore_mem>>)
      %dma_wait3A_31 = tpu.memref_slice %arg5[%mul3A_2] : memref<16384xi32, #tpu.memory_space<hbm>> -> memref<512xi32, #tpu.memory_space<hbm>>
      %dma_wait3A_32 = tpu.memref_slice %arg5[%mul3A_2] : memref<16384xi32, #tpu.memory_space<hbm>> -> memref<512xi32, #tpu.memory_space<hbm>>
      tpu.wait_dma2 semaphore(%run_scoped3A : memref<!tpu.dma_semaphore, #tpu.memory_space<semaphore_mem>>) src(%dma_wait3A_32 : memref<512xi32, #tpu.memory_space<hbm>>) dst(%arg9 : memref<512xi32, #tpu.memory_space<vmem>>)
      tpu.yield
    }) : () -> ()
    "tpu.region"() ({
      %run_scoped3A = tpu.sem_alloc : memref<!tpu.dma_semaphore, #tpu.memory_space<semaphore_mem>>
      %dma_start3A_29 = tpu.memref_slice %arg6[%mul3A_2] : memref<16384xi32, #tpu.memory_space<hbm>> -> memref<512xi32, #tpu.memory_space<hbm>>
      %dma_start3A_30 = tpu.memref_slice %arg6[%mul3A_2] : memref<16384xi32, #tpu.memory_space<hbm>> -> memref<512xi32, #tpu.memory_space<hbm>>
      tpu.enqueue_dma source(%dma_start3A_30 : memref<512xi32, #tpu.memory_space<hbm>>) target(%arg10 : memref<512xi32, #tpu.memory_space<vmem>>) target_semaphore(%run_scoped3A : memref<!tpu.dma_semaphore, #tpu.memory_space<semaphore_mem>>)
      %dma_wait3A_31 = tpu.memref_slice %arg6[%mul3A_2] : memref<16384xi32, #tpu.memory_space<hbm>> -> memref<512xi32, #tpu.memory_space<hbm>>
      %dma_wait3A_32 = tpu.memref_slice %arg6[%mul3A_2] : memref<16384xi32, #tpu.memory_space<hbm>> -> memref<512xi32, #tpu.memory_space<hbm>>
      tpu.wait_dma2 semaphore(%run_scoped3A : memref<!tpu.dma_semaphore, #tpu.memory_space<semaphore_mem>>) src(%dma_wait3A_32 : memref<512xi32, #tpu.memory_space<hbm>>) dst(%arg10 : memref<512xi32, #tpu.memory_space<vmem>>)
      tpu.yield
    }) : () -> ()
    "tpu.region"() ({
      %run_scoped3A = tpu.sem_alloc : memref<!tpu.dma_semaphore, #tpu.memory_space<semaphore_mem>>
      %dma_start3A_29 = tpu.memref_slice %arg7[%mul3A_2] : memref<16384xi32, #tpu.memory_space<hbm>> -> memref<512xi32, #tpu.memory_space<hbm>>
      %dma_start3A_30 = tpu.memref_slice %arg7[%mul3A_2] : memref<16384xi32, #tpu.memory_space<hbm>> -> memref<512xi32, #tpu.memory_space<hbm>>
      tpu.enqueue_dma source(%dma_start3A_30 : memref<512xi32, #tpu.memory_space<hbm>>) target(%arg11 : memref<512xi32, #tpu.memory_space<vmem>>) target_semaphore(%run_scoped3A : memref<!tpu.dma_semaphore, #tpu.memory_space<semaphore_mem>>)
      %dma_wait3A_31 = tpu.memref_slice %arg7[%mul3A_2] : memref<16384xi32, #tpu.memory_space<hbm>> -> memref<512xi32, #tpu.memory_space<hbm>>
      %dma_wait3A_32 = tpu.memref_slice %arg7[%mul3A_2] : memref<16384xi32, #tpu.memory_space<hbm>> -> memref<512xi32, #tpu.memory_space<hbm>>
      tpu.wait_dma2 semaphore(%run_scoped3A : memref<!tpu.dma_semaphore, #tpu.memory_space<semaphore_mem>>) src(%dma_wait3A_32 : memref<512xi32, #tpu.memory_space<hbm>>) dst(%arg11 : memref<512xi32, #tpu.memory_space<vmem>>)
      tpu.yield
    }) : () -> ()
    %dma_start3A = arith.constant 0 : i32
    %dma_start3A_3 = arith.constant 0 : i32
    %dma_start3A_4 = tpu.memref_slice %arg2[%dma_start3A, %dma_start3A_3] : memref<100000x64xi32, #tpu.memory_space<hbm>> -> memref<100000x64xi32, #tpu.memory_space<hbm>>
    tpu.enqueue_indirect_dma source(%dma_start3A_4 : memref<100000x64xi32, #tpu.memory_space<hbm>>) target(%arg12 : memref<512x64xi32, #tpu.memory_space<vmem>>) offsets(%arg9 : memref<512xi32, #tpu.memory_space<vmem>>) semaphore(%arg16 : memref<!tpu.dma_semaphore, #tpu.memory_space<semaphore_mem>>)
    %dma_start3A_5 = arith.constant 0 : i32
    %dma_start3A_6 = arith.constant 0 : i32
    %dma_start3A_7 = tpu.memref_slice %arg3[%dma_start3A_5, %dma_start3A_6] : memref<100000x64xi32, #tpu.memory_space<hbm>> -> memref<100000x64xi32, #tpu.memory_space<hbm>>
    tpu.enqueue_indirect_dma source(%dma_start3A_7 : memref<100000x64xi32, #tpu.memory_space<hbm>>) target(%arg13 : memref<512x64xi32, #tpu.memory_space<vmem>>) offsets(%arg10 : memref<512xi32, #tpu.memory_space<vmem>>) semaphore(%arg16 : memref<!tpu.dma_semaphore, #tpu.memory_space<semaphore_mem>>)
    %dma_start3A_8 = arith.constant 0 : i32
    %dma_start3A_9 = arith.constant 0 : i32
    %dma_start3A_10 = tpu.memref_slice %arg4[%dma_start3A_8, %dma_start3A_9] : memref<100000x64xi32, #tpu.memory_space<hbm>> -> memref<100000x64xi32, #tpu.memory_space<hbm>>
    tpu.enqueue_indirect_dma source(%dma_start3A_10 : memref<100000x64xi32, #tpu.memory_space<hbm>>) target(%arg14 : memref<512x64xi32, #tpu.memory_space<vmem>>) offsets(%arg11 : memref<512xi32, #tpu.memory_space<vmem>>) semaphore(%arg16 : memref<!tpu.dma_semaphore, #tpu.memory_space<semaphore_mem>>)
    %dma_wait3A = arith.constant 0 : i32
    %dma_wait3A_11 = arith.constant 0 : i32
    %dma_wait3A_12 = tpu.memref_slice %arg2[%dma_wait3A, %dma_wait3A_11] : memref<100000x64xi32, #tpu.memory_space<hbm>> -> memref<100000x64xi32, #tpu.memory_space<hbm>>
    tpu.wait_indirect_dma semaphore(%arg16 : memref<!tpu.dma_semaphore, #tpu.memory_space<semaphore_mem>>) src(%dma_wait3A_12 : memref<100000x64xi32, #tpu.memory_space<hbm>>) dst(%arg12 : memref<512x64xi32, #tpu.memory_space<vmem>>)
    %dma_wait3A_13 = arith.constant 0 : i32
    %dma_wait3A_14 = arith.constant 0 : i32
    %dma_wait3A_15 = tpu.memref_slice %arg3[%dma_wait3A_13, %dma_wait3A_14] : memref<100000x64xi32, #tpu.memory_space<hbm>> -> memref<100000x64xi32, #tpu.memory_space<hbm>>
    tpu.wait_indirect_dma semaphore(%arg16 : memref<!tpu.dma_semaphore, #tpu.memory_space<semaphore_mem>>) src(%dma_wait3A_15 : memref<100000x64xi32, #tpu.memory_space<hbm>>) dst(%arg13 : memref<512x64xi32, #tpu.memory_space<vmem>>)
    %dma_wait3A_16 = arith.constant 0 : i32
    %dma_wait3A_17 = arith.constant 0 : i32
    %dma_wait3A_18 = tpu.memref_slice %arg4[%dma_wait3A_16, %dma_wait3A_17] : memref<100000x64xi32, #tpu.memory_space<hbm>> -> memref<100000x64xi32, #tpu.memory_space<hbm>>
    tpu.wait_indirect_dma semaphore(%arg16 : memref<!tpu.dma_semaphore, #tpu.memory_space<semaphore_mem>>) src(%dma_wait3A_18 : memref<100000x64xi32, #tpu.memory_space<hbm>>) dst(%arg14 : memref<512x64xi32, #tpu.memory_space<vmem>>)
    %iota3A = tpu.iota {dimensions = array<i32: 0>} : vector<16xi32>
    %while3A = arith.constant 0 : i32
    %while3A_19 = arith.constant 0 : i32
    %while3A_20 = arith.constant 32 : i32
    %while3A_21 = arith.subi %while3A_20, %while3A_19 : i32
    %while3A_22 = arith.addi %while3A_19, %while3A_21 : i32
    %while3A_23 = arith.constant 1 : i32
    %while3A_24 = arith.divsi %while3A_21, %while3A_23 : i32
    %while3A_25 = arith.muli %while3A_24, %while3A_23 : i32
    %while3A_26 = arith.addi %while3A_19, %while3A_25 : i32
    %while3A_27 = arith.constant 1 : i32
    scf.for %while3A_29 = %while3A_19 to %while3A_26 step %while3A_27  : i32 {
      %broadcast_in_dim3A = arith.constant 0.000000e+00 : f32
      %broadcast_in_dim3A_30 = vector.broadcast %broadcast_in_dim3A : f32 to vector<16xf32>
      %mul3A_31 = arith.constant 16 : i32
      %mul3A_32 = arith.muli %while3A_29, %mul3A_31 : i32
      %add3A_33 = arith.constant 0 : i32
      %add3A_34 = arith.addi %mul3A_32, %add3A_33 : i32
      %get3A = arith.index_cast %add3A_34 : i32 to index
      %get3A_35 = arith.constant 0 : index
      %get3A_36 = tpu.vector_load %arg12[%get3A, %get3A_35] {strides = array<i32>} : memref<512x64xi32, #tpu.memory_space<vmem>>, vector<16xi32>,
      %bitcast3A = vector.bitcast %get3A_36 : vector<16xi32> to vector<16xf32>
      %get3A_37 = arith.index_cast %add3A_34 : i32 to index
      %get3A_38 = arith.constant 0 : index
      %get3A_39 = tpu.vector_load %arg13[%get3A_37, %get3A_38] {strides = array<i32>} : memref<512x64xi32, #tpu.memory_space<vmem>>, vector<16xi32>,
      %bitcast3A_40 = vector.bitcast %get3A_39 : vector<16xi32> to vector<16xf32>
      %mul3A_41 = arith.mulf %bitcast3A, %bitcast3A_40 : vector<16xf32>
      %get3A_42 = arith.index_cast %add3A_34 : i32 to index
      %get3A_43 = arith.constant 0 : index
      %get3A_44 = tpu.vector_load %arg14[%get3A_42, %get3A_43] {strides = array<i32>} : memref<512x64xi32, #tpu.memory_space<vmem>>, vector<16xi32>,
      %bitcast3A_45 = vector.bitcast %get3A_44 : vector<16xi32> to vector<16xf32>
      %mul3A_46 = arith.mulf %mul3A_41, %bitcast3A_45 : vector<16xf32>
      %get3A_47 = arith.index_cast %add3A_34 : i32 to index
      %get3A_48 = arith.constant 16 : index
      %get3A_49 = tpu.vector_load %arg12[%get3A_47, %get3A_48] {strides = array<i32>} : memref<512x64xi32, #tpu.memory_space<vmem>>, vector<16xi32>,
      %bitcast3A_50 = vector.bitcast %get3A_49 : vector<16xi32> to vector<16xf32>
      %get3A_51 = arith.index_cast %add3A_34 : i32 to index
      %get3A_52 = arith.constant 16 : index
      %get3A_53 = tpu.vector_load %arg13[%get3A_51, %get3A_52] {strides = array<i32>} : memref<512x64xi32, #tpu.memory_space<vmem>>, vector<16xi32>,
      %bitcast3A_54 = vector.bitcast %get3A_53 : vector<16xi32> to vector<16xf32>
      %mul3A_55 = arith.mulf %bitcast3A_50, %bitcast3A_54 : vector<16xf32>
      %get3A_56 = arith.index_cast %add3A_34 : i32 to index
      %get3A_57 = arith.constant 16 : index
      %get3A_58 = tpu.vector_load %arg14[%get3A_56, %get3A_57] {strides = array<i32>} : memref<512x64xi32, #tpu.memory_space<vmem>>, vector<16xi32>,
      %bitcast3A_59 = vector.bitcast %get3A_58 : vector<16xi32> to vector<16xf32>
      %mul3A_60 = arith.mulf %mul3A_55, %bitcast3A_59 : vector<16xf32>
      %add3A_61 = arith.addf %mul3A_46, %mul3A_60 : vector<16xf32>
      %get3A_62 = arith.index_cast %add3A_34 : i32 to index
      %get3A_63 = arith.constant 32 : index
      %get3A_64 = tpu.vector_load %arg12[%get3A_62, %get3A_63] {strides = array<i32>} : memref<512x64xi32, #tpu.memory_space<vmem>>, vector<16xi32>,
      %bitcast3A_65 = vector.bitcast %get3A_64 : vector<16xi32> to vector<16xf32>
      %get3A_66 = arith.index_cast %add3A_34 : i32 to index
      %get3A_67 = arith.constant 32 : index
      %get3A_68 = tpu.vector_load %arg13[%get3A_66, %get3A_67] {strides = array<i32>} : memref<512x64xi32, #tpu.memory_space<vmem>>, vector<16xi32>,
      %bitcast3A_69 = vector.bitcast %get3A_68 : vector<16xi32> to vector<16xf32>
      %mul3A_70 = arith.mulf %bitcast3A_65, %bitcast3A_69 : vector<16xf32>
      %get3A_71 = arith.index_cast %add3A_34 : i32 to index
      %get3A_72 = arith.constant 32 : index
      %get3A_73 = tpu.vector_load %arg14[%get3A_71, %get3A_72] {strides = array<i32>} : memref<512x64xi32, #tpu.memory_space<vmem>>, vector<16xi32>,
      %bitcast3A_74 = vector.bitcast %get3A_73 : vector<16xi32> to vector<16xf32>
      %mul3A_75 = arith.mulf %mul3A_70, %bitcast3A_74 : vector<16xf32>
      %add3A_76 = arith.addf %add3A_61, %mul3A_75 : vector<16xf32>
      %get3A_77 = arith.index_cast %add3A_34 : i32 to index
      %get3A_78 = arith.constant 48 : index
      %get3A_79 = tpu.vector_load %arg12[%get3A_77, %get3A_78] {strides = array<i32>} : memref<512x64xi32, #tpu.memory_space<vmem>>, vector<16xi32>,
      %bitcast3A_80 = vector.bitcast %get3A_79 : vector<16xi32> to vector<16xf32>
      %get3A_81 = arith.index_cast %add3A_34 : i32 to index
      %get3A_82 = arith.constant 48 : index
      %get3A_83 = tpu.vector_load %arg13[%get3A_81, %get3A_82] {strides = array<i32>} : memref<512x64xi32, #tpu.memory_space<vmem>>, vector<16xi32>,
      %bitcast3A_84 = vector.bitcast %get3A_83 : vector<16xi32> to vector<16xf32>
      %mul3A_85 = arith.mulf %bitcast3A_80, %bitcast3A_84 : vector<16xf32>
      %get3A_86 = arith.index_cast %add3A_34 : i32 to index
      %get3A_87 = arith.constant 48 : index
      %get3A_88 = tpu.vector_load %arg14[%get3A_86, %get3A_87] {strides = array<i32>} : memref<512x64xi32, #tpu.memory_space<vmem>>, vector<16xi32>,
      %bitcast3A_89 = vector.bitcast %get3A_88 : vector<16xi32> to vector<16xf32>
      %mul3A_90 = arith.mulf %mul3A_85, %bitcast3A_89 : vector<16xf32>
      %add3A_91 = arith.addf %add3A_76, %mul3A_90 : vector<16xf32>
      %eq3A = arith.constant 0 : i32
      %eq3A_92 = vector.broadcast %eq3A : i32 to vector<16xi32>
      %eq3A_93 = arith.cmpi eq, %iota3A, %eq3A_92 : vector<16xi32>
      %reduce_sum3A = arith.constant true
      %reduce_sum3A_94 = vector.broadcast %reduce_sum3A : i1 to vector<16xi1>
      %reduce_sum3A_95 = tpu.scan <sum>, %add3A_91 masked %reduce_sum3A_94 : vector<16xf32>, vector<16xi1> -> vector<16xf32>
      %reduce_sum3A_96 = vector.extract %reduce_sum3A_95[15] : f32 from vector<16xf32>
      %broadcast_in_dim3A_97 = vector.broadcast %reduce_sum3A_96 : f32 to vector<16xf32>
      %select_n3A = arith.select %eq3A_93, %broadcast_in_dim3A_97, %broadcast_in_dim3A_30 : vector<16xi1>, vector<16xf32>
      %add3A_98 = arith.constant 1 : i32
      %add3A_99 = arith.addi %mul3A_32, %add3A_98 : i32
      %get3A_100 = arith.index_cast %add3A_99 : i32 to index
      %get3A_101 = arith.constant 0 : index
      %get3A_102 = tpu.vector_load %arg12[%get3A_100, %get3A_101] {strides = array<i32>} : memref<512x64xi32, #tpu.memory_space<vmem>>, vector<16xi32>,
      %bitcast3A_103 = vector.bitcast %get3A_102 : vector<16xi32> to vector<16xf32>
      %get3A_104 = arith.index_cast %add3A_99 : i32 to index
      %get3A_105 = arith.constant 0 : index
      %get3A_106 = tpu.vector_load %arg13[%get3A_104, %get3A_105] {strides = array<i32>} : memref<512x64xi32, #tpu.memory_space<vmem>>, vector<16xi32>,
      %bitcast3A_107 = vector.bitcast %get3A_106 : vector<16xi32> to vector<16xf32>
      %mul3A_108 = arith.mulf %bitcast3A_103, %bitcast3A_107 : vector<16xf32>
      %get3A_109 = arith.index_cast %add3A_99 : i32 to index
      %get3A_110 = arith.constant 0 : index
      %get3A_111 = tpu.vector_load %arg14[%get3A_109, %get3A_110] {strides = array<i32>} : memref<512x64xi32, #tpu.memory_space<vmem>>, vector<16xi32>,
      %bitcast3A_112 = vector.bitcast %get3A_111 : vector<16xi32> to vector<16xf32>
      %mul3A_113 = arith.mulf %mul3A_108, %bitcast3A_112 : vector<16xf32>
      %get3A_114 = arith.index_cast %add3A_99 : i32 to index
      %get3A_115 = arith.constant 16 : index
      %get3A_116 = tpu.vector_load %arg12[%get3A_114, %get3A_115] {strides = array<i32>} : memref<512x64xi32, #tpu.memory_space<vmem>>, vector<16xi32>,
      %bitcast3A_117 = vector.bitcast %get3A_116 : vector<16xi32> to vector<16xf32>
      %get3A_118 = arith.index_cast %add3A_99 : i32 to index
      %get3A_119 = arith.constant 16 : index
      %get3A_120 = tpu.vector_load %arg13[%get3A_118, %get3A_119] {strides = array<i32>} : memref<512x64xi32, #tpu.memory_space<vmem>>, vector<16xi32>,
      %bitcast3A_121 = vector.bitcast %get3A_120 : vector<16xi32> to vector<16xf32>
      %mul3A_122 = arith.mulf %bitcast3A_117, %bitcast3A_121 : vector<16xf32>
      %get3A_123 = arith.index_cast %add3A_99 : i32 to index
      %get3A_124 = arith.constant 16 : index
      %get3A_125 = tpu.vector_load %arg14[%get3A_123, %get3A_124] {strides = array<i32>} : memref<512x64xi32, #tpu.memory_space<vmem>>, vector<16xi32>,
      %bitcast3A_126 = vector.bitcast %get3A_125 : vector<16xi32> to vector<16xf32>
      %mul3A_127 = arith.mulf %mul3A_122, %bitcast3A_126 : vector<16xf32>
      %add3A_128 = arith.addf %mul3A_113, %mul3A_127 : vector<16xf32>
      %get3A_129 = arith.index_cast %add3A_99 : i32 to index
      %get3A_130 = arith.constant 32 : index
      %get3A_131 = tpu.vector_load %arg12[%get3A_129, %get3A_130] {strides = array<i32>} : memref<512x64xi32, #tpu.memory_space<vmem>>, vector<16xi32>,
      %bitcast3A_132 = vector.bitcast %get3A_131 : vector<16xi32> to vector<16xf32>
      %get3A_133 = arith.index_cast %add3A_99 : i32 to index
      %get3A_134 = arith.constant 32 : index
      %get3A_135 = tpu.vector_load %arg13[%get3A_133, %get3A_134] {strides = array<i32>} : memref<512x64xi32, #tpu.memory_space<vmem>>, vector<16xi32>,
      %bitcast3A_136 = vector.bitcast %get3A_135 : vector<16xi32> to vector<16xf32>
      %mul3A_137 = arith.mulf %bitcast3A_132, %bitcast3A_136 : vector<16xf32>
      %get3A_138 = arith.index_cast %add3A_99 : i32 to index
      %get3A_139 = arith.constant 32 : index
      %get3A_140 = tpu.vector_load %arg14[%get3A_138, %get3A_139] {strides = array<i32>} : memref<512x64xi32, #tpu.memory_space<vmem>>, vector<16xi32>,
      %bitcast3A_141 = vector.bitcast %get3A_140 : vector<16xi32> to vector<16xf32>
      %mul3A_142 = arith.mulf %mul3A_137, %bitcast3A_141 : vector<16xf32>
      %add3A_143 = arith.addf %add3A_128, %mul3A_142 : vector<16xf32>
      %get3A_144 = arith.index_cast %add3A_99 : i32 to index
      %get3A_145 = arith.constant 48 : index
      %get3A_146 = tpu.vector_load %arg12[%get3A_144, %get3A_145] {strides = array<i32>} : memref<512x64xi32, #tpu.memory_space<vmem>>, vector<16xi32>,
      %bitcast3A_147 = vector.bitcast %get3A_146 : vector<16xi32> to vector<16xf32>
      %get3A_148 = arith.index_cast %add3A_99 : i32 to index
      %get3A_149 = arith.constant 48 : index
      %get3A_150 = tpu.vector_load %arg13[%get3A_148, %get3A_149] {strides = array<i32>} : memref<512x64xi32, #tpu.memory_space<vmem>>, vector<16xi32>,
      %bitcast3A_151 = vector.bitcast %get3A_150 : vector<16xi32> to vector<16xf32>
      %mul3A_152 = arith.mulf %bitcast3A_147, %bitcast3A_151 : vector<16xf32>
      %get3A_153 = arith.index_cast %add3A_99 : i32 to index
      %get3A_154 = arith.constant 48 : index
      %get3A_155 = tpu.vector_load %arg14[%get3A_153, %get3A_154] {strides = array<i32>} : memref<512x64xi32, #tpu.memory_space<vmem>>, vector<16xi32>,
      %bitcast3A_156 = vector.bitcast %get3A_155 : vector<16xi32> to vector<16xf32>
      %mul3A_157 = arith.mulf %mul3A_152, %bitcast3A_156 : vector<16xf32>
      %add3A_158 = arith.addf %add3A_143, %mul3A_157 : vector<16xf32>
      %eq3A_159 = arith.constant 1 : i32
      %eq3A_160 = vector.broadcast %eq3A_159 : i32 to vector<16xi32>
      %eq3A_161 = arith.cmpi eq, %iota3A, %eq3A_160 : vector<16xi32>
      %reduce_sum3A_162 = arith.constant true
      %reduce_sum3A_163 = vector.broadcast %reduce_sum3A_162 : i1 to vector<16xi1>
      %reduce_sum3A_164 = tpu.scan <sum>, %add3A_158 masked %reduce_sum3A_163 : vector<16xf32>, vector<16xi1> -> vector<16xf32>
      %reduce_sum3A_165 = vector.extract %reduce_sum3A_164[15] : f32 from vector<16xf32>
      %broadcast_in_dim3A_166 = vector.broadcast %reduce_sum3A_165 : f32 to vector<16xf32>
      %select_n3A_167 = arith.select %eq3A_161, %broadcast_in_dim3A_166, %select_n3A : vector<16xi1>, vector<16xf32>
      %add3A_168 = arith.constant 2 : i32
      %add3A_169 = arith.addi %mul3A_32, %add3A_168 : i32
      %get3A_170 = arith.index_cast %add3A_169 : i32 to index
      %get3A_171 = arith.constant 0 : index
      %get3A_172 = tpu.vector_load %arg12[%get3A_170, %get3A_171] {strides = array<i32>} : memref<512x64xi32, #tpu.memory_space<vmem>>, vector<16xi32>,
      %bitcast3A_173 = vector.bitcast %get3A_172 : vector<16xi32> to vector<16xf32>
      %get3A_174 = arith.index_cast %add3A_169 : i32 to index
      %get3A_175 = arith.constant 0 : index
      %get3A_176 = tpu.vector_load %arg13[%get3A_174, %get3A_175] {strides = array<i32>} : memref<512x64xi32, #tpu.memory_space<vmem>>, vector<16xi32>,
      %bitcast3A_177 = vector.bitcast %get3A_176 : vector<16xi32> to vector<16xf32>
      %mul3A_178 = arith.mulf %bitcast3A_173, %bitcast3A_177 : vector<16xf32>
      %get3A_179 = arith.index_cast %add3A_169 : i32 to index
      %get3A_180 = arith.constant 0 : index
      %get3A_181 = tpu.vector_load %arg14[%get3A_179, %get3A_180] {strides = array<i32>} : memref<512x64xi32, #tpu.memory_space<vmem>>, vector<16xi32>,
      %bitcast3A_182 = vector.bitcast %get3A_181 : vector<16xi32> to vector<16xf32>
      %mul3A_183 = arith.mulf %mul3A_178, %bitcast3A_182 : vector<16xf32>
      %get3A_184 = arith.index_cast %add3A_169 : i32 to index
      %get3A_185 = arith.constant 16 : index
      %get3A_186 = tpu.vector_load %arg12[%get3A_184, %get3A_185] {strides = array<i32>} : memref<512x64xi32, #tpu.memory_space<vmem>>, vector<16xi32>,
      %bitcast3A_187 = vector.bitcast %get3A_186 : vector<16xi32> to vector<16xf32>
      %get3A_188 = arith.index_cast %add3A_169 : i32 to index
      %get3A_189 = arith.constant 16 : index
      %get3A_190 = tpu.vector_load %arg13[%get3A_188, %get3A_189] {strides = array<i32>} : memref<512x64xi32, #tpu.memory_space<vmem>>, vector<16xi32>,
      %bitcast3A_191 = vector.bitcast %get3A_190 : vector<16xi32> to vector<16xf32>
      %mul3A_192 = arith.mulf %bitcast3A_187, %bitcast3A_191 : vector<16xf32>
      %get3A_193 = arith.index_cast %add3A_169 : i32 to index
      %get3A_194 = arith.constant 16 : index
      %get3A_195 = tpu.vector_load %arg14[%get3A_193, %get3A_194] {strides = array<i32>} : memref<512x64xi32, #tpu.memory_space<vmem>>, vector<16xi32>,
      %bitcast3A_196 = vector.bitcast %get3A_195 : vector<16xi32> to vector<16xf32>
      %mul3A_197 = arith.mulf %mul3A_192, %bitcast3A_196 : vector<16xf32>
      %add3A_198 = arith.addf %mul3A_183, %mul3A_197 : vector<16xf32>
      %get3A_199 = arith.index_cast %add3A_169 : i32 to index
      %get3A_200 = arith.constant 32 : index
      %get3A_201 = tpu.vector_load %arg12[%get3A_199, %get3A_200] {strides = array<i32>} : memref<512x64xi32, #tpu.memory_space<vmem>>, vector<16xi32>,
      %bitcast3A_202 = vector.bitcast %get3A_201 : vector<16xi32> to vector<16xf32>
      %get3A_203 = arith.index_cast %add3A_169 : i32 to index
      %get3A_204 = arith.constant 32 : index
      %get3A_205 = tpu.vector_load %arg13[%get3A_203, %get3A_204] {strides = array<i32>} : memref<512x64xi32, #tpu.memory_space<vmem>>, vector<16xi32>,
      %bitcast3A_206 = vector.bitcast %get3A_205 : vector<16xi32> to vector<16xf32>
      %mul3A_207 = arith.mulf %bitcast3A_202, %bitcast3A_206 : vector<16xf32>
      %get3A_208 = arith.index_cast %add3A_169 : i32 to index
      %get3A_209 = arith.constant 32 : index
      %get3A_210 = tpu.vector_load %arg14[%get3A_208, %get3A_209] {strides = array<i32>} : memref<512x64xi32, #tpu.memory_space<vmem>>, vector<16xi32>,
      %bitcast3A_211 = vector.bitcast %get3A_210 : vector<16xi32> to vector<16xf32>
      %mul3A_212 = arith.mulf %mul3A_207, %bitcast3A_211 : vector<16xf32>
      %add3A_213 = arith.addf %add3A_198, %mul3A_212 : vector<16xf32>
      %get3A_214 = arith.index_cast %add3A_169 : i32 to index
      %get3A_215 = arith.constant 48 : index
      %get3A_216 = tpu.vector_load %arg12[%get3A_214, %get3A_215] {strides = array<i32>} : memref<512x64xi32, #tpu.memory_space<vmem>>, vector<16xi32>,
      %bitcast3A_217 = vector.bitcast %get3A_216 : vector<16xi32> to vector<16xf32>
      %get3A_218 = arith.index_cast %add3A_169 : i32 to index
      %get3A_219 = arith.constant 48 : index
      %get3A_220 = tpu.vector_load %arg13[%get3A_218, %get3A_219] {strides = array<i32>} : memref<512x64xi32, #tpu.memory_space<vmem>>, vector<16xi32>,
      %bitcast3A_221 = vector.bitcast %get3A_220 : vector<16xi32> to vector<16xf32>
      %mul3A_222 = arith.mulf %bitcast3A_217, %bitcast3A_221 : vector<16xf32>
      %get3A_223 = arith.index_cast %add3A_169 : i32 to index
      %get3A_224 = arith.constant 48 : index
      %get3A_225 = tpu.vector_load %arg14[%get3A_223, %get3A_224] {strides = array<i32>} : memref<512x64xi32, #tpu.memory_space<vmem>>, vector<16xi32>,
      %bitcast3A_226 = vector.bitcast %get3A_225 : vector<16xi32> to vector<16xf32>
      %mul3A_227 = arith.mulf %mul3A_222, %bitcast3A_226 : vector<16xf32>
      %add3A_228 = arith.addf %add3A_213, %mul3A_227 : vector<16xf32>
      %eq3A_229 = arith.constant 2 : i32
      %eq3A_230 = vector.broadcast %eq3A_229 : i32 to vector<16xi32>
      %eq3A_231 = arith.cmpi eq, %iota3A, %eq3A_230 : vector<16xi32>
      %reduce_sum3A_232 = arith.constant true
      %reduce_sum3A_233 = vector.broadcast %reduce_sum3A_232 : i1 to vector<16xi1>
      %reduce_sum3A_234 = tpu.scan <sum>, %add3A_228 masked %reduce_sum3A_233 : vector<16xf32>, vector<16xi1> -> vector<16xf32>
      %reduce_sum3A_235 = vector.extract %reduce_sum3A_234[15] : f32 from vector<16xf32>
      %broadcast_in_dim3A_236 = vector.broadcast %reduce_sum3A_235 : f32 to vector<16xf32>
      %select_n3A_237 = arith.select %eq3A_231, %broadcast_in_dim3A_236, %select_n3A_167 : vector<16xi1>, vector<16xf32>
      %add3A_238 = arith.constant 3 : i32
      %add3A_239 = arith.addi %mul3A_32, %add3A_238 : i32
      %get3A_240 = arith.index_cast %add3A_239 : i32 to index
      %get3A_241 = arith.constant 0 : index
      %get3A_242 = tpu.vector_load %arg12[%get3A_240, %get3A_241] {strides = array<i32>} : memref<512x64xi32, #tpu.memory_space<vmem>>, vector<16xi32>,
      %bitcast3A_243 = vector.bitcast %get3A_242 : vector<16xi32> to vector<16xf32>
      %get3A_244 = arith.index_cast %add3A_239 : i32 to index
      %get3A_245 = arith.constant 0 : index
      %get3A_246 = tpu.vector_load %arg13[%get3A_244, %get3A_245] {strides = array<i32>} : memref<512x64xi32, #tpu.memory_space<vmem>>, vector<16xi32>,
      %bitcast3A_247 = vector.bitcast %get3A_246 : vector<16xi32> to vector<16xf32>
      %mul3A_248 = arith.mulf %bitcast3A_243, %bitcast3A_247 : vector<16xf32>
      %get3A_249 = arith.index_cast %add3A_239 : i32 to index
      %get3A_250 = arith.constant 0 : index
      %get3A_251 = tpu.vector_load %arg14[%get3A_249, %get3A_250] {strides = array<i32>} : memref<512x64xi32, #tpu.memory_space<vmem>>, vector<16xi32>,
      %bitcast3A_252 = vector.bitcast %get3A_251 : vector<16xi32> to vector<16xf32>
      %mul3A_253 = arith.mulf %mul3A_248, %bitcast3A_252 : vector<16xf32>
      %get3A_254 = arith.index_cast %add3A_239 : i32 to index
      %get3A_255 = arith.constant 16 : index
      %get3A_256 = tpu.vector_load %arg12[%get3A_254, %get3A_255] {strides = array<i32>} : memref<512x64xi32, #tpu.memory_space<vmem>>, vector<16xi32>,
      %bitcast3A_257 = vector.bitcast %get3A_256 : vector<16xi32> to vector<16xf32>
      %get3A_258 = arith.index_cast %add3A_239 : i32 to index
      %get3A_259 = arith.constant 16 : index
      %get3A_260 = tpu.vector_load %arg13[%get3A_258, %get3A_259] {strides = array<i32>} : memref<512x64xi32, #tpu.memory_space<vmem>>, vector<16xi32>,
      %bitcast3A_261 = vector.bitcast %get3A_260 : vector<16xi32> to vector<16xf32>
      %mul3A_262 = arith.mulf %bitcast3A_257, %bitcast3A_261 : vector<16xf32>
      %get3A_263 = arith.index_cast %add3A_239 : i32 to index
      %get3A_264 = arith.constant 16 : index
      %get3A_265 = tpu.vector_load %arg14[%get3A_263, %get3A_264] {strides = array<i32>} : memref<512x64xi32, #tpu.memory_space<vmem>>, vector<16xi32>,
      %bitcast3A_266 = vector.bitcast %get3A_265 : vector<16xi32> to vector<16xf32>
      %mul3A_267 = arith.mulf %mul3A_262, %bitcast3A_266 : vector<16xf32>
      %add3A_268 = arith.addf %mul3A_253, %mul3A_267 : vector<16xf32>
      %get3A_269 = arith.index_cast %add3A_239 : i32 to index
      %get3A_270 = arith.constant 32 : index
      %get3A_271 = tpu.vector_load %arg12[%get3A_269, %get3A_270] {strides = array<i32>} : memref<512x64xi32, #tpu.memory_space<vmem>>, vector<16xi32>,
      %bitcast3A_272 = vector.bitcast %get3A_271 : vector<16xi32> to vector<16xf32>
      %get3A_273 = arith.index_cast %add3A_239 : i32 to index
      %get3A_274 = arith.constant 32 : index
      %get3A_275 = tpu.vector_load %arg13[%get3A_273, %get3A_274] {strides = array<i32>} : memref<512x64xi32, #tpu.memory_space<vmem>>, vector<16xi32>,
      %bitcast3A_276 = vector.bitcast %get3A_275 : vector<16xi32> to vector<16xf32>
      %mul3A_277 = arith.mulf %bitcast3A_272, %bitcast3A_276 : vector<16xf32>
      %get3A_278 = arith.index_cast %add3A_239 : i32 to index
      %get3A_279 = arith.constant 32 : index
      %get3A_280 = tpu.vector_load %arg14[%get3A_278, %get3A_279] {strides = array<i32>} : memref<512x64xi32, #tpu.memory_space<vmem>>, vector<16xi32>,
      %bitcast3A_281 = vector.bitcast %get3A_280 : vector<16xi32> to vector<16xf32>
      %mul3A_282 = arith.mulf %mul3A_277, %bitcast3A_281 : vector<16xf32>
      %add3A_283 = arith.addf %add3A_268, %mul3A_282 : vector<16xf32>
      %get3A_284 = arith.index_cast %add3A_239 : i32 to index
      %get3A_285 = arith.constant 48 : index
      %get3A_286 = tpu.vector_load %arg12[%get3A_284, %get3A_285] {strides = array<i32>} : memref<512x64xi32, #tpu.memory_space<vmem>>, vector<16xi32>,
      %bitcast3A_287 = vector.bitcast %get3A_286 : vector<16xi32> to vector<16xf32>
      %get3A_288 = arith.index_cast %add3A_239 : i32 to index
      %get3A_289 = arith.constant 48 : index
      %get3A_290 = tpu.vector_load %arg13[%get3A_288, %get3A_289] {strides = array<i32>} : memref<512x64xi32, #tpu.memory_space<vmem>>, vector<16xi32>,
      %bitcast3A_291 = vector.bitcast %get3A_290 : vector<16xi32> to vector<16xf32>
      %mul3A_292 = arith.mulf %bitcast3A_287, %bitcast3A_291 : vector<16xf32>
      %get3A_293 = arith.index_cast %add3A_239 : i32 to index
      %get3A_294 = arith.constant 48 : index
      %get3A_295 = tpu.vector_load %arg14[%get3A_293, %get3A_294] {strides = array<i32>} : memref<512x64xi32, #tpu.memory_space<vmem>>, vector<16xi32>,
      %bitcast3A_296 = vector.bitcast %get3A_295 : vector<16xi32> to vector<16xf32>
      %mul3A_297 = arith.mulf %mul3A_292, %bitcast3A_296 : vector<16xf32>
      %add3A_298 = arith.addf %add3A_283, %mul3A_297 : vector<16xf32>
      %eq3A_299 = arith.constant 3 : i32
      %eq3A_300 = vector.broadcast %eq3A_299 : i32 to vector<16xi32>
      %eq3A_301 = arith.cmpi eq, %iota3A, %eq3A_300 : vector<16xi32>
      %reduce_sum3A_302 = arith.constant true
      %reduce_sum3A_303 = vector.broadcast %reduce_sum3A_302 : i1 to vector<16xi1>
      %reduce_sum3A_304 = tpu.scan <sum>, %add3A_298 masked %reduce_sum3A_303 : vector<16xf32>, vector<16xi1> -> vector<16xf32>
      %reduce_sum3A_305 = vector.extract %reduce_sum3A_304[15] : f32 from vector<16xf32>
      %broadcast_in_dim3A_306 = vector.broadcast %reduce_sum3A_305 : f32 to vector<16xf32>
      %select_n3A_307 = arith.select %eq3A_301, %broadcast_in_dim3A_306, %select_n3A_237 : vector<16xi1>, vector<16xf32>
      %add3A_308 = arith.constant 4 : i32
      %add3A_309 = arith.addi %mul3A_32, %add3A_308 : i32
      %get3A_310 = arith.index_cast %add3A_309 : i32 to index
      %get3A_311 = arith.constant 0 : index
      %get3A_312 = tpu.vector_load %arg12[%get3A_310, %get3A_311] {strides = array<i32>} : memref<512x64xi32, #tpu.memory_space<vmem>>, vector<16xi32>,
      %bitcast3A_313 = vector.bitcast %get3A_312 : vector<16xi32> to vector<16xf32>
      %get3A_314 = arith.index_cast %add3A_309 : i32 to index
      %get3A_315 = arith.constant 0 : index
      %get3A_316 = tpu.vector_load %arg13[%get3A_314, %get3A_315] {strides = array<i32>} : memref<512x64xi32, #tpu.memory_space<vmem>>, vector<16xi32>,
      %bitcast3A_317 = vector.bitcast %get3A_316 : vector<16xi32> to vector<16xf32>
      %mul3A_318 = arith.mulf %bitcast3A_313, %bitcast3A_317 : vector<16xf32>
      %get3A_319 = arith.index_cast %add3A_309 : i32 to index
      %get3A_320 = arith.constant 0 : index
      %get3A_321 = tpu.vector_load %arg14[%get3A_319, %get3A_320] {strides = array<i32>} : memref<512x64xi32, #tpu.memory_space<vmem>>, vector<16xi32>,
      %bitcast3A_322 = vector.bitcast %get3A_321 : vector<16xi32> to vector<16xf32>
      %mul3A_323 = arith.mulf %mul3A_318, %bitcast3A_322 : vector<16xf32>
      %get3A_324 = arith.index_cast %add3A_309 : i32 to index
      %get3A_325 = arith.constant 16 : index
      %get3A_326 = tpu.vector_load %arg12[%get3A_324, %get3A_325] {strides = array<i32>} : memref<512x64xi32, #tpu.memory_space<vmem>>, vector<16xi32>,
      %bitcast3A_327 = vector.bitcast %get3A_326 : vector<16xi32> to vector<16xf32>
      %get3A_328 = arith.index_cast %add3A_309 : i32 to index
      %get3A_329 = arith.constant 16 : index
      %get3A_330 = tpu.vector_load %arg13[%get3A_328, %get3A_329] {strides = array<i32>} : memref<512x64xi32, #tpu.memory_space<vmem>>, vector<16xi32>,
      %bitcast3A_331 = vector.bitcast %get3A_330 : vector<16xi32> to vector<16xf32>
      %mul3A_332 = arith.mulf %bitcast3A_327, %bitcast3A_331 : vector<16xf32>
      %get3A_333 = arith.index_cast %add3A_309 : i32 to index
      %get3A_334 = arith.constant 16 : index
      %get3A_335 = tpu.vector_load %arg14[%get3A_333, %get3A_334] {strides = array<i32>} : memref<512x64xi32, #tpu.memory_space<vmem>>, vector<16xi32>,
      %bitcast3A_336 = vector.bitcast %get3A_335 : vector<16xi32> to vector<16xf32>
      %mul3A_337 = arith.mulf %mul3A_332, %bitcast3A_336 : vector<16xf32>
      %add3A_338 = arith.addf %mul3A_323, %mul3A_337 : vector<16xf32>
      %get3A_339 = arith.index_cast %add3A_309 : i32 to index
      %get3A_340 = arith.constant 32 : index
      %get3A_341 = tpu.vector_load %arg12[%get3A_339, %get3A_340] {strides = array<i32>} : memref<512x64xi32, #tpu.memory_space<vmem>>, vector<16xi32>,
      %bitcast3A_342 = vector.bitcast %get3A_341 : vector<16xi32> to vector<16xf32>
      %get3A_343 = arith.index_cast %add3A_309 : i32 to index
      %get3A_344 = arith.constant 32 : index
      %get3A_345 = tpu.vector_load %arg13[%get3A_343, %get3A_344] {strides = array<i32>} : memref<512x64xi32, #tpu.memory_space<vmem>>, vector<16xi32>,
      %bitcast3A_346 = vector.bitcast %get3A_345 : vector<16xi32> to vector<16xf32>
      %mul3A_347 = arith.mulf %bitcast3A_342, %bitcast3A_346 : vector<16xf32>
      %get3A_348 = arith.index_cast %add3A_309 : i32 to index
      %get3A_349 = arith.constant 32 : index
      %get3A_350 = tpu.vector_load %arg14[%get3A_348, %get3A_349] {strides = array<i32>} : memref<512x64xi32, #tpu.memory_space<vmem>>, vector<16xi32>,
      %bitcast3A_351 = vector.bitcast %get3A_350 : vector<16xi32> to vector<16xf32>
      %mul3A_352 = arith.mulf %mul3A_347, %bitcast3A_351 : vector<16xf32>
      %add3A_353 = arith.addf %add3A_338, %mul3A_352 : vector<16xf32>
      %get3A_354 = arith.index_cast %add3A_309 : i32 to index
      %get3A_355 = arith.constant 48 : index
      %get3A_356 = tpu.vector_load %arg12[%get3A_354, %get3A_355] {strides = array<i32>} : memref<512x64xi32, #tpu.memory_space<vmem>>, vector<16xi32>,
      %bitcast3A_357 = vector.bitcast %get3A_356 : vector<16xi32> to vector<16xf32>
      %get3A_358 = arith.index_cast %add3A_309 : i32 to index
      %get3A_359 = arith.constant 48 : index
      %get3A_360 = tpu.vector_load %arg13[%get3A_358, %get3A_359] {strides = array<i32>} : memref<512x64xi32, #tpu.memory_space<vmem>>, vector<16xi32>,
      %bitcast3A_361 = vector.bitcast %get3A_360 : vector<16xi32> to vector<16xf32>
      %mul3A_362 = arith.mulf %bitcast3A_357, %bitcast3A_361 : vector<16xf32>
      %get3A_363 = arith.index_cast %add3A_309 : i32 to index
      %get3A_364 = arith.constant 48 : index
      %get3A_365 = tpu.vector_load %arg14[%get3A_363, %get3A_364] {strides = array<i32>} : memref<512x64xi32, #tpu.memory_space<vmem>>, vector<16xi32>,
      %bitcast3A_366 = vector.bitcast %get3A_365 : vector<16xi32> to vector<16xf32>
      %mul3A_367 = arith.mulf %mul3A_362, %bitcast3A_366 : vector<16xf32>
      %add3A_368 = arith.addf %add3A_353, %mul3A_367 : vector<16xf32>
      %eq3A_369 = arith.constant 4 : i32
      %eq3A_370 = vector.broadcast %eq3A_369 : i32 to vector<16xi32>
      %eq3A_371 = arith.cmpi eq, %iota3A, %eq3A_370 : vector<16xi32>
      %reduce_sum3A_372 = arith.constant true
      %reduce_sum3A_373 = vector.broadcast %reduce_sum3A_372 : i1 to vector<16xi1>
      %reduce_sum3A_374 = tpu.scan <sum>, %add3A_368 masked %reduce_sum3A_373 : vector<16xf32>, vector<16xi1> -> vector<16xf32>
      %reduce_sum3A_375 = vector.extract %reduce_sum3A_374[15] : f32 from vector<16xf32>
      %broadcast_in_dim3A_376 = vector.broadcast %reduce_sum3A_375 : f32 to vector<16xf32>
      %select_n3A_377 = arith.select %eq3A_371, %broadcast_in_dim3A_376, %select_n3A_307 : vector<16xi1>, vector<16xf32>
      %add3A_378 = arith.constant 5 : i32
      %add3A_379 = arith.addi %mul3A_32, %add3A_378 : i32
      %get3A_380 = arith.index_cast %add3A_379 : i32 to index
      %get3A_381 = arith.constant 0 : index
      %get3A_382 = tpu.vector_load %arg12[%get3A_380, %get3A_381] {strides = array<i32>} : memref<512x64xi32, #tpu.memory_space<vmem>>, vector<16xi32>,
      %bitcast3A_383 = vector.bitcast %get3A_382 : vector<16xi32> to vector<16xf32>
      %get3A_384 = arith.index_cast %add3A_379 : i32 to index
      %get3A_385 = arith.constant 0 : index
      %get3A_386 = tpu.vector_load %arg13[%get3A_384, %get3A_385] {strides = array<i32>} : memref<512x64xi32, #tpu.memory_space<vmem>>, vector<16xi32>,
      %bitcast3A_387 = vector.bitcast %get3A_386 : vector<16xi32> to vector<16xf32>
      %mul3A_388 = arith.mulf %bitcast3A_383, %bitcast3A_387 : vector<16xf32>
      %get3A_389 = arith.index_cast %add3A_379 : i32 to index
      %get3A_390 = arith.constant 0 : index
      %get3A_391 = tpu.vector_load %arg14[%get3A_389, %get3A_390] {strides = array<i32>} : memref<512x64xi32, #tpu.memory_space<vmem>>, vector<16xi32>,
      %bitcast3A_392 = vector.bitcast %get3A_391 : vector<16xi32> to vector<16xf32>
      %mul3A_393 = arith.mulf %mul3A_388, %bitcast3A_392 : vector<16xf32>
      %get3A_394 = arith.index_cast %add3A_379 : i32 to index
      %get3A_395 = arith.constant 16 : index
      %get3A_396 = tpu.vector_load %arg12[%get3A_394, %get3A_395] {strides = array<i32>} : memref<512x64xi32, #tpu.memory_space<vmem>>, vector<16xi32>,
      %bitcast3A_397 = vector.bitcast %get3A_396 : vector<16xi32> to vector<16xf32>
      %get3A_398 = arith.index_cast %add3A_379 : i32 to index
      %get3A_399 = arith.constant 16 : index
      %get3A_400 = tpu.vector_load %arg13[%get3A_398, %get3A_399] {strides = array<i32>} : memref<512x64xi32, #tpu.memory_space<vmem>>, vector<16xi32>,
      %bitcast3A_401 = vector.bitcast %get3A_400 : vector<16xi32> to vector<16xf32>
      %mul3A_402 = arith.mulf %bitcast3A_397, %bitcast3A_401 : vector<16xf32>
      %get3A_403 = arith.index_cast %add3A_379 : i32 to index
      %get3A_404 = arith.constant 16 : index
      %get3A_405 = tpu.vector_load %arg14[%get3A_403, %get3A_404] {strides = array<i32>} : memref<512x64xi32, #tpu.memory_space<vmem>>, vector<16xi32>,
      %bitcast3A_406 = vector.bitcast %get3A_405 : vector<16xi32> to vector<16xf32>
      %mul3A_407 = arith.mulf %mul3A_402, %bitcast3A_406 : vector<16xf32>
      %add3A_408 = arith.addf %mul3A_393, %mul3A_407 : vector<16xf32>
      %get3A_409 = arith.index_cast %add3A_379 : i32 to index
      %get3A_410 = arith.constant 32 : index
      %get3A_411 = tpu.vector_load %arg12[%get3A_409, %get3A_410] {strides = array<i32>} : memref<512x64xi32, #tpu.memory_space<vmem>>, vector<16xi32>,
      %bitcast3A_412 = vector.bitcast %get3A_411 : vector<16xi32> to vector<16xf32>
      %get3A_413 = arith.index_cast %add3A_379 : i32 to index
      %get3A_414 = arith.constant 32 : index
      %get3A_415 = tpu.vector_load %arg13[%get3A_413, %get3A_414] {strides = array<i32>} : memref<512x64xi32, #tpu.memory_space<vmem>>, vector<16xi32>,
      %bitcast3A_416 = vector.bitcast %get3A_415 : vector<16xi32> to vector<16xf32>
      %mul3A_417 = arith.mulf %bitcast3A_412, %bitcast3A_416 : vector<16xf32>
      %get3A_418 = arith.index_cast %add3A_379 : i32 to index
      %get3A_419 = arith.constant 32 : index
      %get3A_420 = tpu.vector_load %arg14[%get3A_418, %get3A_419] {strides = array<i32>} : memref<512x64xi32, #tpu.memory_space<vmem>>, vector<16xi32>,
      %bitcast3A_421 = vector.bitcast %get3A_420 : vector<16xi32> to vector<16xf32>
      %mul3A_422 = arith.mulf %mul3A_417, %bitcast3A_421 : vector<16xf32>
      %add3A_423 = arith.addf %add3A_408, %mul3A_422 : vector<16xf32>
      %get3A_424 = arith.index_cast %add3A_379 : i32 to index
      %get3A_425 = arith.constant 48 : index
      %get3A_426 = tpu.vector_load %arg12[%get3A_424, %get3A_425] {strides = array<i32>} : memref<512x64xi32, #tpu.memory_space<vmem>>, vector<16xi32>,
      %bitcast3A_427 = vector.bitcast %get3A_426 : vector<16xi32> to vector<16xf32>
      %get3A_428 = arith.index_cast %add3A_379 : i32 to index
      %get3A_429 = arith.constant 48 : index
      %get3A_430 = tpu.vector_load %arg13[%get3A_428, %get3A_429] {strides = array<i32>} : memref<512x64xi32, #tpu.memory_space<vmem>>, vector<16xi32>,
      %bitcast3A_431 = vector.bitcast %get3A_430 : vector<16xi32> to vector<16xf32>
      %mul3A_432 = arith.mulf %bitcast3A_427, %bitcast3A_431 : vector<16xf32>
      %get3A_433 = arith.index_cast %add3A_379 : i32 to index
      %get3A_434 = arith.constant 48 : index
      %get3A_435 = tpu.vector_load %arg14[%get3A_433, %get3A_434] {strides = array<i32>} : memref<512x64xi32, #tpu.memory_space<vmem>>, vector<16xi32>,
      %bitcast3A_436 = vector.bitcast %get3A_435 : vector<16xi32> to vector<16xf32>
      %mul3A_437 = arith.mulf %mul3A_432, %bitcast3A_436 : vector<16xf32>
      %add3A_438 = arith.addf %add3A_423, %mul3A_437 : vector<16xf32>
      %eq3A_439 = arith.constant 5 : i32
      %eq3A_440 = vector.broadcast %eq3A_439 : i32 to vector<16xi32>
      %eq3A_441 = arith.cmpi eq, %iota3A, %eq3A_440 : vector<16xi32>
      %reduce_sum3A_442 = arith.constant true
      %reduce_sum3A_443 = vector.broadcast %reduce_sum3A_442 : i1 to vector<16xi1>
      %reduce_sum3A_444 = tpu.scan <sum>, %add3A_438 masked %reduce_sum3A_443 : vector<16xf32>, vector<16xi1> -> vector<16xf32>
      %reduce_sum3A_445 = vector.extract %reduce_sum3A_444[15] : f32 from vector<16xf32>
      %broadcast_in_dim3A_446 = vector.broadcast %reduce_sum3A_445 : f32 to vector<16xf32>
      %select_n3A_447 = arith.select %eq3A_441, %broadcast_in_dim3A_446, %select_n3A_377 : vector<16xi1>, vector<16xf32>
      %add3A_448 = arith.constant 6 : i32
      %add3A_449 = arith.addi %mul3A_32, %add3A_448 : i32
      %get3A_450 = arith.index_cast %add3A_449 : i32 to index
      %get3A_451 = arith.constant 0 : index
      %get3A_452 = tpu.vector_load %arg12[%get3A_450, %get3A_451] {strides = array<i32>} : memref<512x64xi32, #tpu.memory_space<vmem>>, vector<16xi32>,
      %bitcast3A_453 = vector.bitcast %get3A_452 : vector<16xi32> to vector<16xf32>
      %get3A_454 = arith.index_cast %add3A_449 : i32 to index
      %get3A_455 = arith.constant 0 : index
      %get3A_456 = tpu.vector_load %arg13[%get3A_454, %get3A_455] {strides = array<i32>} : memref<512x64xi32, #tpu.memory_space<vmem>>, vector<16xi32>,
      %bitcast3A_457 = vector.bitcast %get3A_456 : vector<16xi32> to vector<16xf32>
      %mul3A_458 = arith.mulf %bitcast3A_453, %bitcast3A_457 : vector<16xf32>
      %get3A_459 = arith.index_cast %add3A_449 : i32 to index
      %get3A_460 = arith.constant 0 : index
      %get3A_461 = tpu.vector_load %arg14[%get3A_459, %get3A_460] {strides = array<i32>} : memref<512x64xi32, #tpu.memory_space<vmem>>, vector<16xi32>,
      %bitcast3A_462 = vector.bitcast %get3A_461 : vector<16xi32> to vector<16xf32>
      %mul3A_463 = arith.mulf %mul3A_458, %bitcast3A_462 : vector<16xf32>
      %get3A_464 = arith.index_cast %add3A_449 : i32 to index
      %get3A_465 = arith.constant 16 : index
      %get3A_466 = tpu.vector_load %arg12[%get3A_464, %get3A_465] {strides = array<i32>} : memref<512x64xi32, #tpu.memory_space<vmem>>, vector<16xi32>,
      %bitcast3A_467 = vector.bitcast %get3A_466 : vector<16xi32> to vector<16xf32>
      %get3A_468 = arith.index_cast %add3A_449 : i32 to index
      %get3A_469 = arith.constant 16 : index
      %get3A_470 = tpu.vector_load %arg13[%get3A_468, %get3A_469] {strides = array<i32>} : memref<512x64xi32, #tpu.memory_space<vmem>>, vector<16xi32>,
      %bitcast3A_471 = vector.bitcast %get3A_470 : vector<16xi32> to vector<16xf32>
      %mul3A_472 = arith.mulf %bitcast3A_467, %bitcast3A_471 : vector<16xf32>
      %get3A_473 = arith.index_cast %add3A_449 : i32 to index
      %get3A_474 = arith.constant 16 : index
      %get3A_475 = tpu.vector_load %arg14[%get3A_473, %get3A_474] {strides = array<i32>} : memref<512x64xi32, #tpu.memory_space<vmem>>, vector<16xi32>,
      %bitcast3A_476 = vector.bitcast %get3A_475 : vector<16xi32> to vector<16xf32>
      %mul3A_477 = arith.mulf %mul3A_472, %bitcast3A_476 : vector<16xf32>
      %add3A_478 = arith.addf %mul3A_463, %mul3A_477 : vector<16xf32>
      %get3A_479 = arith.index_cast %add3A_449 : i32 to index
      %get3A_480 = arith.constant 32 : index
      %get3A_481 = tpu.vector_load %arg12[%get3A_479, %get3A_480] {strides = array<i32>} : memref<512x64xi32, #tpu.memory_space<vmem>>, vector<16xi32>,
      %bitcast3A_482 = vector.bitcast %get3A_481 : vector<16xi32> to vector<16xf32>
      %get3A_483 = arith.index_cast %add3A_449 : i32 to index
      %get3A_484 = arith.constant 32 : index
      %get3A_485 = tpu.vector_load %arg13[%get3A_483, %get3A_484] {strides = array<i32>} : memref<512x64xi32, #tpu.memory_space<vmem>>, vector<16xi32>,
      %bitcast3A_486 = vector.bitcast %get3A_485 : vector<16xi32> to vector<16xf32>
      %mul3A_487 = arith.mulf %bitcast3A_482, %bitcast3A_486 : vector<16xf32>
      %get3A_488 = arith.index_cast %add3A_449 : i32 to index
      %get3A_489 = arith.constant 32 : index
      %get3A_490 = tpu.vector_load %arg14[%get3A_488, %get3A_489] {strides = array<i32>} : memref<512x64xi32, #tpu.memory_space<vmem>>, vector<16xi32>,
      %bitcast3A_491 = vector.bitcast %get3A_490 : vector<16xi32> to vector<16xf32>
      %mul3A_492 = arith.mulf %mul3A_487, %bitcast3A_491 : vector<16xf32>
      %add3A_493 = arith.addf %add3A_478, %mul3A_492 : vector<16xf32>
      %get3A_494 = arith.index_cast %add3A_449 : i32 to index
      %get3A_495 = arith.constant 48 : index
      %get3A_496 = tpu.vector_load %arg12[%get3A_494, %get3A_495] {strides = array<i32>} : memref<512x64xi32, #tpu.memory_space<vmem>>, vector<16xi32>,
      %bitcast3A_497 = vector.bitcast %get3A_496 : vector<16xi32> to vector<16xf32>
      %get3A_498 = arith.index_cast %add3A_449 : i32 to index
      %get3A_499 = arith.constant 48 : index
      %get3A_500 = tpu.vector_load %arg13[%get3A_498, %get3A_499] {strides = array<i32>} : memref<512x64xi32, #tpu.memory_space<vmem>>, vector<16xi32>,
      %bitcast3A_501 = vector.bitcast %get3A_500 : vector<16xi32> to vector<16xf32>
      %mul3A_502 = arith.mulf %bitcast3A_497, %bitcast3A_501 : vector<16xf32>
      %get3A_503 = arith.index_cast %add3A_449 : i32 to index
      %get3A_504 = arith.constant 48 : index
      %get3A_505 = tpu.vector_load %arg14[%get3A_503, %get3A_504] {strides = array<i32>} : memref<512x64xi32, #tpu.memory_space<vmem>>, vector<16xi32>,
      %bitcast3A_506 = vector.bitcast %get3A_505 : vector<16xi32> to vector<16xf32>
      %mul3A_507 = arith.mulf %mul3A_502, %bitcast3A_506 : vector<16xf32>
      %add3A_508 = arith.addf %add3A_493, %mul3A_507 : vector<16xf32>
      %eq3A_509 = arith.constant 6 : i32
      %eq3A_510 = vector.broadcast %eq3A_509 : i32 to vector<16xi32>
      %eq3A_511 = arith.cmpi eq, %iota3A, %eq3A_510 : vector<16xi32>
      %reduce_sum3A_512 = arith.constant true
      %reduce_sum3A_513 = vector.broadcast %reduce_sum3A_512 : i1 to vector<16xi1>
      %reduce_sum3A_514 = tpu.scan <sum>, %add3A_508 masked %reduce_sum3A_513 : vector<16xf32>, vector<16xi1> -> vector<16xf32>
      %reduce_sum3A_515 = vector.extract %reduce_sum3A_514[15] : f32 from vector<16xf32>
      %broadcast_in_dim3A_516 = vector.broadcast %reduce_sum3A_515 : f32 to vector<16xf32>
      %select_n3A_517 = arith.select %eq3A_511, %broadcast_in_dim3A_516, %select_n3A_447 : vector<16xi1>, vector<16xf32>
      %add3A_518 = arith.constant 7 : i32
      %add3A_519 = arith.addi %mul3A_32, %add3A_518 : i32
      %get3A_520 = arith.index_cast %add3A_519 : i32 to index
      %get3A_521 = arith.constant 0 : index
      %get3A_522 = tpu.vector_load %arg12[%get3A_520, %get3A_521] {strides = array<i32>} : memref<512x64xi32, #tpu.memory_space<vmem>>, vector<16xi32>,
      %bitcast3A_523 = vector.bitcast %get3A_522 : vector<16xi32> to vector<16xf32>
      %get3A_524 = arith.index_cast %add3A_519 : i32 to index
      %get3A_525 = arith.constant 0 : index
      %get3A_526 = tpu.vector_load %arg13[%get3A_524, %get3A_525] {strides = array<i32>} : memref<512x64xi32, #tpu.memory_space<vmem>>, vector<16xi32>,
      %bitcast3A_527 = vector.bitcast %get3A_526 : vector<16xi32> to vector<16xf32>
      %mul3A_528 = arith.mulf %bitcast3A_523, %bitcast3A_527 : vector<16xf32>
      %get3A_529 = arith.index_cast %add3A_519 : i32 to index
      %get3A_530 = arith.constant 0 : index
      %get3A_531 = tpu.vector_load %arg14[%get3A_529, %get3A_530] {strides = array<i32>} : memref<512x64xi32, #tpu.memory_space<vmem>>, vector<16xi32>,
      %bitcast3A_532 = vector.bitcast %get3A_531 : vector<16xi32> to vector<16xf32>
      %mul3A_533 = arith.mulf %mul3A_528, %bitcast3A_532 : vector<16xf32>
      %get3A_534 = arith.index_cast %add3A_519 : i32 to index
      %get3A_535 = arith.constant 16 : index
      %get3A_536 = tpu.vector_load %arg12[%get3A_534, %get3A_535] {strides = array<i32>} : memref<512x64xi32, #tpu.memory_space<vmem>>, vector<16xi32>,
      %bitcast3A_537 = vector.bitcast %get3A_536 : vector<16xi32> to vector<16xf32>
      %get3A_538 = arith.index_cast %add3A_519 : i32 to index
      %get3A_539 = arith.constant 16 : index
      %get3A_540 = tpu.vector_load %arg13[%get3A_538, %get3A_539] {strides = array<i32>} : memref<512x64xi32, #tpu.memory_space<vmem>>, vector<16xi32>,
      %bitcast3A_541 = vector.bitcast %get3A_540 : vector<16xi32> to vector<16xf32>
      %mul3A_542 = arith.mulf %bitcast3A_537, %bitcast3A_541 : vector<16xf32>
      %get3A_543 = arith.index_cast %add3A_519 : i32 to index
      %get3A_544 = arith.constant 16 : index
      %get3A_545 = tpu.vector_load %arg14[%get3A_543, %get3A_544] {strides = array<i32>} : memref<512x64xi32, #tpu.memory_space<vmem>>, vector<16xi32>,
      %bitcast3A_546 = vector.bitcast %get3A_545 : vector<16xi32> to vector<16xf32>
      %mul3A_547 = arith.mulf %mul3A_542, %bitcast3A_546 : vector<16xf32>
      %add3A_548 = arith.addf %mul3A_533, %mul3A_547 : vector<16xf32>
      %get3A_549 = arith.index_cast %add3A_519 : i32 to index
      %get3A_550 = arith.constant 32 : index
      %get3A_551 = tpu.vector_load %arg12[%get3A_549, %get3A_550] {strides = array<i32>} : memref<512x64xi32, #tpu.memory_space<vmem>>, vector<16xi32>,
      %bitcast3A_552 = vector.bitcast %get3A_551 : vector<16xi32> to vector<16xf32>
      %get3A_553 = arith.index_cast %add3A_519 : i32 to index
      %get3A_554 = arith.constant 32 : index
      %get3A_555 = tpu.vector_load %arg13[%get3A_553, %get3A_554] {strides = array<i32>} : memref<512x64xi32, #tpu.memory_space<vmem>>, vector<16xi32>,
      %bitcast3A_556 = vector.bitcast %get3A_555 : vector<16xi32> to vector<16xf32>
      %mul3A_557 = arith.mulf %bitcast3A_552, %bitcast3A_556 : vector<16xf32>
      %get3A_558 = arith.index_cast %add3A_519 : i32 to index
      %get3A_559 = arith.constant 32 : index
      %get3A_560 = tpu.vector_load %arg14[%get3A_558, %get3A_559] {strides = array<i32>} : memref<512x64xi32, #tpu.memory_space<vmem>>, vector<16xi32>,
      %bitcast3A_561 = vector.bitcast %get3A_560 : vector<16xi32> to vector<16xf32>
      %mul3A_562 = arith.mulf %mul3A_557, %bitcast3A_561 : vector<16xf32>
      %add3A_563 = arith.addf %add3A_548, %mul3A_562 : vector<16xf32>
      %get3A_564 = arith.index_cast %add3A_519 : i32 to index
      %get3A_565 = arith.constant 48 : index
      %get3A_566 = tpu.vector_load %arg12[%get3A_564, %get3A_565] {strides = array<i32>} : memref<512x64xi32, #tpu.memory_space<vmem>>, vector<16xi32>,
      %bitcast3A_567 = vector.bitcast %get3A_566 : vector<16xi32> to vector<16xf32>
      %get3A_568 = arith.index_cast %add3A_519 : i32 to index
      %get3A_569 = arith.constant 48 : index
      %get3A_570 = tpu.vector_load %arg13[%get3A_568, %get3A_569] {strides = array<i32>} : memref<512x64xi32, #tpu.memory_space<vmem>>, vector<16xi32>,
      %bitcast3A_571 = vector.bitcast %get3A_570 : vector<16xi32> to vector<16xf32>
      %mul3A_572 = arith.mulf %bitcast3A_567, %bitcast3A_571 : vector<16xf32>
      %get3A_573 = arith.index_cast %add3A_519 : i32 to index
      %get3A_574 = arith.constant 48 : index
      %get3A_575 = tpu.vector_load %arg14[%get3A_573, %get3A_574] {strides = array<i32>} : memref<512x64xi32, #tpu.memory_space<vmem>>, vector<16xi32>,
      %bitcast3A_576 = vector.bitcast %get3A_575 : vector<16xi32> to vector<16xf32>
      %mul3A_577 = arith.mulf %mul3A_572, %bitcast3A_576 : vector<16xf32>
      %add3A_578 = arith.addf %add3A_563, %mul3A_577 : vector<16xf32>
      %eq3A_579 = arith.constant 7 : i32
      %eq3A_580 = vector.broadcast %eq3A_579 : i32 to vector<16xi32>
      %eq3A_581 = arith.cmpi eq, %iota3A, %eq3A_580 : vector<16xi32>
      %reduce_sum3A_582 = arith.constant true
      %reduce_sum3A_583 = vector.broadcast %reduce_sum3A_582 : i1 to vector<16xi1>
      %reduce_sum3A_584 = tpu.scan <sum>, %add3A_578 masked %reduce_sum3A_583 : vector<16xf32>, vector<16xi1> -> vector<16xf32>
      %reduce_sum3A_585 = vector.extract %reduce_sum3A_584[15] : f32 from vector<16xf32>
      %broadcast_in_dim3A_586 = vector.broadcast %reduce_sum3A_585 : f32 to vector<16xf32>
      %select_n3A_587 = arith.select %eq3A_581, %broadcast_in_dim3A_586, %select_n3A_517 : vector<16xi1>, vector<16xf32>
      %add3A_588 = arith.constant 8 : i32
      %add3A_589 = arith.addi %mul3A_32, %add3A_588 : i32
      %get3A_590 = arith.index_cast %add3A_589 : i32 to index
      %get3A_591 = arith.constant 0 : index
      %get3A_592 = tpu.vector_load %arg12[%get3A_590, %get3A_591] {strides = array<i32>} : memref<512x64xi32, #tpu.memory_space<vmem>>, vector<16xi32>,
      %bitcast3A_593 = vector.bitcast %get3A_592 : vector<16xi32> to vector<16xf32>
      %get3A_594 = arith.index_cast %add3A_589 : i32 to index
      %get3A_595 = arith.constant 0 : index
      %get3A_596 = tpu.vector_load %arg13[%get3A_594, %get3A_595] {strides = array<i32>} : memref<512x64xi32, #tpu.memory_space<vmem>>, vector<16xi32>,
      %bitcast3A_597 = vector.bitcast %get3A_596 : vector<16xi32> to vector<16xf32>
      %mul3A_598 = arith.mulf %bitcast3A_593, %bitcast3A_597 : vector<16xf32>
      %get3A_599 = arith.index_cast %add3A_589 : i32 to index
      %get3A_600 = arith.constant 0 : index
      %get3A_601 = tpu.vector_load %arg14[%get3A_599, %get3A_600] {strides = array<i32>} : memref<512x64xi32, #tpu.memory_space<vmem>>, vector<16xi32>,
      %bitcast3A_602 = vector.bitcast %get3A_601 : vector<16xi32> to vector<16xf32>
      %mul3A_603 = arith.mulf %mul3A_598, %bitcast3A_602 : vector<16xf32>
      %get3A_604 = arith.index_cast %add3A_589 : i32 to index
      %get3A_605 = arith.constant 16 : index
      %get3A_606 = tpu.vector_load %arg12[%get3A_604, %get3A_605] {strides = array<i32>} : memref<512x64xi32, #tpu.memory_space<vmem>>, vector<16xi32>,
      %bitcast3A_607 = vector.bitcast %get3A_606 : vector<16xi32> to vector<16xf32>
      %get3A_608 = arith.index_cast %add3A_589 : i32 to index
      %get3A_609 = arith.constant 16 : index
      %get3A_610 = tpu.vector_load %arg13[%get3A_608, %get3A_609] {strides = array<i32>} : memref<512x64xi32, #tpu.memory_space<vmem>>, vector<16xi32>,
      %bitcast3A_611 = vector.bitcast %get3A_610 : vector<16xi32> to vector<16xf32>
      %mul3A_612 = arith.mulf %bitcast3A_607, %bitcast3A_611 : vector<16xf32>
      %get3A_613 = arith.index_cast %add3A_589 : i32 to index
      %get3A_614 = arith.constant 16 : index
      %get3A_615 = tpu.vector_load %arg14[%get3A_613, %get3A_614] {strides = array<i32>} : memref<512x64xi32, #tpu.memory_space<vmem>>, vector<16xi32>,
      %bitcast3A_616 = vector.bitcast %get3A_615 : vector<16xi32> to vector<16xf32>
      %mul3A_617 = arith.mulf %mul3A_612, %bitcast3A_616 : vector<16xf32>
      %add3A_618 = arith.addf %mul3A_603, %mul3A_617 : vector<16xf32>
      %get3A_619 = arith.index_cast %add3A_589 : i32 to index
      %get3A_620 = arith.constant 32 : index
      %get3A_621 = tpu.vector_load %arg12[%get3A_619, %get3A_620] {strides = array<i32>} : memref<512x64xi32, #tpu.memory_space<vmem>>, vector<16xi32>,
      %bitcast3A_622 = vector.bitcast %get3A_621 : vector<16xi32> to vector<16xf32>
      %get3A_623 = arith.index_cast %add3A_589 : i32 to index
      %get3A_624 = arith.constant 32 : index
      %get3A_625 = tpu.vector_load %arg13[%get3A_623, %get3A_624] {strides = array<i32>} : memref<512x64xi32, #tpu.memory_space<vmem>>, vector<16xi32>,
      %bitcast3A_626 = vector.bitcast %get3A_625 : vector<16xi32> to vector<16xf32>
      %mul3A_627 = arith.mulf %bitcast3A_622, %bitcast3A_626 : vector<16xf32>
      %get3A_628 = arith.index_cast %add3A_589 : i32 to index
      %get3A_629 = arith.constant 32 : index
      %get3A_630 = tpu.vector_load %arg14[%get3A_628, %get3A_629] {strides = array<i32>} : memref<512x64xi32, #tpu.memory_space<vmem>>, vector<16xi32>,
      %bitcast3A_631 = vector.bitcast %get3A_630 : vector<16xi32> to vector<16xf32>
      %mul3A_632 = arith.mulf %mul3A_627, %bitcast3A_631 : vector<16xf32>
      %add3A_633 = arith.addf %add3A_618, %mul3A_632 : vector<16xf32>
      %get3A_634 = arith.index_cast %add3A_589 : i32 to index
      %get3A_635 = arith.constant 48 : index
      %get3A_636 = tpu.vector_load %arg12[%get3A_634, %get3A_635] {strides = array<i32>} : memref<512x64xi32, #tpu.memory_space<vmem>>, vector<16xi32>,
      %bitcast3A_637 = vector.bitcast %get3A_636 : vector<16xi32> to vector<16xf32>
      %get3A_638 = arith.index_cast %add3A_589 : i32 to index
      %get3A_639 = arith.constant 48 : index
      %get3A_640 = tpu.vector_load %arg13[%get3A_638, %get3A_639] {strides = array<i32>} : memref<512x64xi32, #tpu.memory_space<vmem>>, vector<16xi32>,
      %bitcast3A_641 = vector.bitcast %get3A_640 : vector<16xi32> to vector<16xf32>
      %mul3A_642 = arith.mulf %bitcast3A_637, %bitcast3A_641 : vector<16xf32>
      %get3A_643 = arith.index_cast %add3A_589 : i32 to index
      %get3A_644 = arith.constant 48 : index
      %get3A_645 = tpu.vector_load %arg14[%get3A_643, %get3A_644] {strides = array<i32>} : memref<512x64xi32, #tpu.memory_space<vmem>>, vector<16xi32>,
      %bitcast3A_646 = vector.bitcast %get3A_645 : vector<16xi32> to vector<16xf32>
      %mul3A_647 = arith.mulf %mul3A_642, %bitcast3A_646 : vector<16xf32>
      %add3A_648 = arith.addf %add3A_633, %mul3A_647 : vector<16xf32>
      %eq3A_649 = arith.constant 8 : i32
      %eq3A_650 = vector.broadcast %eq3A_649 : i32 to vector<16xi32>
      %eq3A_651 = arith.cmpi eq, %iota3A, %eq3A_650 : vector<16xi32>
      %reduce_sum3A_652 = arith.constant true
      %reduce_sum3A_653 = vector.broadcast %reduce_sum3A_652 : i1 to vector<16xi1>
      %reduce_sum3A_654 = tpu.scan <sum>, %add3A_648 masked %reduce_sum3A_653 : vector<16xf32>, vector<16xi1> -> vector<16xf32>
      %reduce_sum3A_655 = vector.extract %reduce_sum3A_654[15] : f32 from vector<16xf32>
      %broadcast_in_dim3A_656 = vector.broadcast %reduce_sum3A_655 : f32 to vector<16xf32>
      %select_n3A_657 = arith.select %eq3A_651, %broadcast_in_dim3A_656, %select_n3A_587 : vector<16xi1>, vector<16xf32>
      %add3A_658 = arith.constant 9 : i32
      %add3A_659 = arith.addi %mul3A_32, %add3A_658 : i32
      %get3A_660 = arith.index_cast %add3A_659 : i32 to index
      %get3A_661 = arith.constant 0 : index
      %get3A_662 = tpu.vector_load %arg12[%get3A_660, %get3A_661] {strides = array<i32>} : memref<512x64xi32, #tpu.memory_space<vmem>>, vector<16xi32>,
      %bitcast3A_663 = vector.bitcast %get3A_662 : vector<16xi32> to vector<16xf32>
      %get3A_664 = arith.index_cast %add3A_659 : i32 to index
      %get3A_665 = arith.constant 0 : index
      %get3A_666 = tpu.vector_load %arg13[%get3A_664, %get3A_665] {strides = array<i32>} : memref<512x64xi32, #tpu.memory_space<vmem>>, vector<16xi32>,
      %bitcast3A_667 = vector.bitcast %get3A_666 : vector<16xi32> to vector<16xf32>
      %mul3A_668 = arith.mulf %bitcast3A_663, %bitcast3A_667 : vector<16xf32>
      %get3A_669 = arith.index_cast %add3A_659 : i32 to index
      %get3A_670 = arith.constant 0 : index
      %get3A_671 = tpu.vector_load %arg14[%get3A_669, %get3A_670] {strides = array<i32>} : memref<512x64xi32, #tpu.memory_space<vmem>>, vector<16xi32>,
      %bitcast3A_672 = vector.bitcast %get3A_671 : vector<16xi32> to vector<16xf32>
      %mul3A_673 = arith.mulf %mul3A_668, %bitcast3A_672 : vector<16xf32>
      %get3A_674 = arith.index_cast %add3A_659 : i32 to index
      %get3A_675 = arith.constant 16 : index
      %get3A_676 = tpu.vector_load %arg12[%get3A_674, %get3A_675] {strides = array<i32>} : memref<512x64xi32, #tpu.memory_space<vmem>>, vector<16xi32>,
      %bitcast3A_677 = vector.bitcast %get3A_676 : vector<16xi32> to vector<16xf32>
      %get3A_678 = arith.index_cast %add3A_659 : i32 to index
      %get3A_679 = arith.constant 16 : index
      %get3A_680 = tpu.vector_load %arg13[%get3A_678, %get3A_679] {strides = array<i32>} : memref<512x64xi32, #tpu.memory_space<vmem>>, vector<16xi32>,
      %bitcast3A_681 = vector.bitcast %get3A_680 : vector<16xi32> to vector<16xf32>
      %mul3A_682 = arith.mulf %bitcast3A_677, %bitcast3A_681 : vector<16xf32>
      %get3A_683 = arith.index_cast %add3A_659 : i32 to index
      %get3A_684 = arith.constant 16 : index
      %get3A_685 = tpu.vector_load %arg14[%get3A_683, %get3A_684] {strides = array<i32>} : memref<512x64xi32, #tpu.memory_space<vmem>>, vector<16xi32>,
      %bitcast3A_686 = vector.bitcast %get3A_685 : vector<16xi32> to vector<16xf32>
      %mul3A_687 = arith.mulf %mul3A_682, %bitcast3A_686 : vector<16xf32>
      %add3A_688 = arith.addf %mul3A_673, %mul3A_687 : vector<16xf32>
      %get3A_689 = arith.index_cast %add3A_659 : i32 to index
      %get3A_690 = arith.constant 32 : index
      %get3A_691 = tpu.vector_load %arg12[%get3A_689, %get3A_690] {strides = array<i32>} : memref<512x64xi32, #tpu.memory_space<vmem>>, vector<16xi32>,
      %bitcast3A_692 = vector.bitcast %get3A_691 : vector<16xi32> to vector<16xf32>
      %get3A_693 = arith.index_cast %add3A_659 : i32 to index
      %get3A_694 = arith.constant 32 : index
      %get3A_695 = tpu.vector_load %arg13[%get3A_693, %get3A_694] {strides = array<i32>} : memref<512x64xi32, #tpu.memory_space<vmem>>, vector<16xi32>,
      %bitcast3A_696 = vector.bitcast %get3A_695 : vector<16xi32> to vector<16xf32>
      %mul3A_697 = arith.mulf %bitcast3A_692, %bitcast3A_696 : vector<16xf32>
      %get3A_698 = arith.index_cast %add3A_659 : i32 to index
      %get3A_699 = arith.constant 32 : index
      %get3A_700 = tpu.vector_load %arg14[%get3A_698, %get3A_699] {strides = array<i32>} : memref<512x64xi32, #tpu.memory_space<vmem>>, vector<16xi32>,
      %bitcast3A_701 = vector.bitcast %get3A_700 : vector<16xi32> to vector<16xf32>
      %mul3A_702 = arith.mulf %mul3A_697, %bitcast3A_701 : vector<16xf32>
      %add3A_703 = arith.addf %add3A_688, %mul3A_702 : vector<16xf32>
      %get3A_704 = arith.index_cast %add3A_659 : i32 to index
      %get3A_705 = arith.constant 48 : index
      %get3A_706 = tpu.vector_load %arg12[%get3A_704, %get3A_705] {strides = array<i32>} : memref<512x64xi32, #tpu.memory_space<vmem>>, vector<16xi32>,
      %bitcast3A_707 = vector.bitcast %get3A_706 : vector<16xi32> to vector<16xf32>
      %get3A_708 = arith.index_cast %add3A_659 : i32 to index
      %get3A_709 = arith.constant 48 : index
      %get3A_710 = tpu.vector_load %arg13[%get3A_708, %get3A_709] {strides = array<i32>} : memref<512x64xi32, #tpu.memory_space<vmem>>, vector<16xi32>,
      %bitcast3A_711 = vector.bitcast %get3A_710 : vector<16xi32> to vector<16xf32>
      %mul3A_712 = arith.mulf %bitcast3A_707, %bitcast3A_711 : vector<16xf32>
      %get3A_713 = arith.index_cast %add3A_659 : i32 to index
      %get3A_714 = arith.constant 48 : index
      %get3A_715 = tpu.vector_load %arg14[%get3A_713, %get3A_714] {strides = array<i32>} : memref<512x64xi32, #tpu.memory_space<vmem>>, vector<16xi32>,
      %bitcast3A_716 = vector.bitcast %get3A_715 : vector<16xi32> to vector<16xf32>
      %mul3A_717 = arith.mulf %mul3A_712, %bitcast3A_716 : vector<16xf32>
      %add3A_718 = arith.addf %add3A_703, %mul3A_717 : vector<16xf32>
      %eq3A_719 = arith.constant 9 : i32
      %eq3A_720 = vector.broadcast %eq3A_719 : i32 to vector<16xi32>
      %eq3A_721 = arith.cmpi eq, %iota3A, %eq3A_720 : vector<16xi32>
      %reduce_sum3A_722 = arith.constant true
      %reduce_sum3A_723 = vector.broadcast %reduce_sum3A_722 : i1 to vector<16xi1>
      %reduce_sum3A_724 = tpu.scan <sum>, %add3A_718 masked %reduce_sum3A_723 : vector<16xf32>, vector<16xi1> -> vector<16xf32>
      %reduce_sum3A_725 = vector.extract %reduce_sum3A_724[15] : f32 from vector<16xf32>
      %broadcast_in_dim3A_726 = vector.broadcast %reduce_sum3A_725 : f32 to vector<16xf32>
      %select_n3A_727 = arith.select %eq3A_721, %broadcast_in_dim3A_726, %select_n3A_657 : vector<16xi1>, vector<16xf32>
      %add3A_728 = arith.constant 10 : i32
      %add3A_729 = arith.addi %mul3A_32, %add3A_728 : i32
      %get3A_730 = arith.index_cast %add3A_729 : i32 to index
      %get3A_731 = arith.constant 0 : index
      %get3A_732 = tpu.vector_load %arg12[%get3A_730, %get3A_731] {strides = array<i32>} : memref<512x64xi32, #tpu.memory_space<vmem>>, vector<16xi32>,
      %bitcast3A_733 = vector.bitcast %get3A_732 : vector<16xi32> to vector<16xf32>
      %get3A_734 = arith.index_cast %add3A_729 : i32 to index
      %get3A_735 = arith.constant 0 : index
      %get3A_736 = tpu.vector_load %arg13[%get3A_734, %get3A_735] {strides = array<i32>} : memref<512x64xi32, #tpu.memory_space<vmem>>, vector<16xi32>,
      %bitcast3A_737 = vector.bitcast %get3A_736 : vector<16xi32> to vector<16xf32>
      %mul3A_738 = arith.mulf %bitcast3A_733, %bitcast3A_737 : vector<16xf32>
      %get3A_739 = arith.index_cast %add3A_729 : i32 to index
      %get3A_740 = arith.constant 0 : index
      %get3A_741 = tpu.vector_load %arg14[%get3A_739, %get3A_740] {strides = array<i32>} : memref<512x64xi32, #tpu.memory_space<vmem>>, vector<16xi32>,
      %bitcast3A_742 = vector.bitcast %get3A_741 : vector<16xi32> to vector<16xf32>
      %mul3A_743 = arith.mulf %mul3A_738, %bitcast3A_742 : vector<16xf32>
      %get3A_744 = arith.index_cast %add3A_729 : i32 to index
      %get3A_745 = arith.constant 16 : index
      %get3A_746 = tpu.vector_load %arg12[%get3A_744, %get3A_745] {strides = array<i32>} : memref<512x64xi32, #tpu.memory_space<vmem>>, vector<16xi32>,
      %bitcast3A_747 = vector.bitcast %get3A_746 : vector<16xi32> to vector<16xf32>
      %get3A_748 = arith.index_cast %add3A_729 : i32 to index
      %get3A_749 = arith.constant 16 : index
      %get3A_750 = tpu.vector_load %arg13[%get3A_748, %get3A_749] {strides = array<i32>} : memref<512x64xi32, #tpu.memory_space<vmem>>, vector<16xi32>,
      %bitcast3A_751 = vector.bitcast %get3A_750 : vector<16xi32> to vector<16xf32>
      %mul3A_752 = arith.mulf %bitcast3A_747, %bitcast3A_751 : vector<16xf32>
      %get3A_753 = arith.index_cast %add3A_729 : i32 to index
      %get3A_754 = arith.constant 16 : index
      %get3A_755 = tpu.vector_load %arg14[%get3A_753, %get3A_754] {strides = array<i32>} : memref<512x64xi32, #tpu.memory_space<vmem>>, vector<16xi32>,
      %bitcast3A_756 = vector.bitcast %get3A_755 : vector<16xi32> to vector<16xf32>
      %mul3A_757 = arith.mulf %mul3A_752, %bitcast3A_756 : vector<16xf32>
      %add3A_758 = arith.addf %mul3A_743, %mul3A_757 : vector<16xf32>
      %get3A_759 = arith.index_cast %add3A_729 : i32 to index
      %get3A_760 = arith.constant 32 : index
      %get3A_761 = tpu.vector_load %arg12[%get3A_759, %get3A_760] {strides = array<i32>} : memref<512x64xi32, #tpu.memory_space<vmem>>, vector<16xi32>,
      %bitcast3A_762 = vector.bitcast %get3A_761 : vector<16xi32> to vector<16xf32>
      %get3A_763 = arith.index_cast %add3A_729 : i32 to index
      %get3A_764 = arith.constant 32 : index
      %get3A_765 = tpu.vector_load %arg13[%get3A_763, %get3A_764] {strides = array<i32>} : memref<512x64xi32, #tpu.memory_space<vmem>>, vector<16xi32>,
      %bitcast3A_766 = vector.bitcast %get3A_765 : vector<16xi32> to vector<16xf32>
      %mul3A_767 = arith.mulf %bitcast3A_762, %bitcast3A_766 : vector<16xf32>
      %get3A_768 = arith.index_cast %add3A_729 : i32 to index
      %get3A_769 = arith.constant 32 : index
      %get3A_770 = tpu.vector_load %arg14[%get3A_768, %get3A_769] {strides = array<i32>} : memref<512x64xi32, #tpu.memory_space<vmem>>, vector<16xi32>,
      %bitcast3A_771 = vector.bitcast %get3A_770 : vector<16xi32> to vector<16xf32>
      %mul3A_772 = arith.mulf %mul3A_767, %bitcast3A_771 : vector<16xf32>
      %add3A_773 = arith.addf %add3A_758, %mul3A_772 : vector<16xf32>
      %get3A_774 = arith.index_cast %add3A_729 : i32 to index
      %get3A_775 = arith.constant 48 : index
      %get3A_776 = tpu.vector_load %arg12[%get3A_774, %get3A_775] {strides = array<i32>} : memref<512x64xi32, #tpu.memory_space<vmem>>, vector<16xi32>,
      %bitcast3A_777 = vector.bitcast %get3A_776 : vector<16xi32> to vector<16xf32>
      %get3A_778 = arith.index_cast %add3A_729 : i32 to index
      %get3A_779 = arith.constant 48 : index
      %get3A_780 = tpu.vector_load %arg13[%get3A_778, %get3A_779] {strides = array<i32>} : memref<512x64xi32, #tpu.memory_space<vmem>>, vector<16xi32>,
      %bitcast3A_781 = vector.bitcast %get3A_780 : vector<16xi32> to vector<16xf32>
      %mul3A_782 = arith.mulf %bitcast3A_777, %bitcast3A_781 : vector<16xf32>
      %get3A_783 = arith.index_cast %add3A_729 : i32 to index
      %get3A_784 = arith.constant 48 : index
      %get3A_785 = tpu.vector_load %arg14[%get3A_783, %get3A_784] {strides = array<i32>} : memref<512x64xi32, #tpu.memory_space<vmem>>, vector<16xi32>,
      %bitcast3A_786 = vector.bitcast %get3A_785 : vector<16xi32> to vector<16xf32>
      %mul3A_787 = arith.mulf %mul3A_782, %bitcast3A_786 : vector<16xf32>
      %add3A_788 = arith.addf %add3A_773, %mul3A_787 : vector<16xf32>
      %eq3A_789 = arith.constant 10 : i32
      %eq3A_790 = vector.broadcast %eq3A_789 : i32 to vector<16xi32>
      %eq3A_791 = arith.cmpi eq, %iota3A, %eq3A_790 : vector<16xi32>
      %reduce_sum3A_792 = arith.constant true
      %reduce_sum3A_793 = vector.broadcast %reduce_sum3A_792 : i1 to vector<16xi1>
      %reduce_sum3A_794 = tpu.scan <sum>, %add3A_788 masked %reduce_sum3A_793 : vector<16xf32>, vector<16xi1> -> vector<16xf32>
      %reduce_sum3A_795 = vector.extract %reduce_sum3A_794[15] : f32 from vector<16xf32>
      %broadcast_in_dim3A_796 = vector.broadcast %reduce_sum3A_795 : f32 to vector<16xf32>
      %select_n3A_797 = arith.select %eq3A_791, %broadcast_in_dim3A_796, %select_n3A_727 : vector<16xi1>, vector<16xf32>
      %add3A_798 = arith.constant 11 : i32
      %add3A_799 = arith.addi %mul3A_32, %add3A_798 : i32
      %get3A_800 = arith.index_cast %add3A_799 : i32 to index
      %get3A_801 = arith.constant 0 : index
      %get3A_802 = tpu.vector_load %arg12[%get3A_800, %get3A_801] {strides = array<i32>} : memref<512x64xi32, #tpu.memory_space<vmem>>, vector<16xi32>,
      %bitcast3A_803 = vector.bitcast %get3A_802 : vector<16xi32> to vector<16xf32>
      %get3A_804 = arith.index_cast %add3A_799 : i32 to index
      %get3A_805 = arith.constant 0 : index
      %get3A_806 = tpu.vector_load %arg13[%get3A_804, %get3A_805] {strides = array<i32>} : memref<512x64xi32, #tpu.memory_space<vmem>>, vector<16xi32>,
      %bitcast3A_807 = vector.bitcast %get3A_806 : vector<16xi32> to vector<16xf32>
      %mul3A_808 = arith.mulf %bitcast3A_803, %bitcast3A_807 : vector<16xf32>
      %get3A_809 = arith.index_cast %add3A_799 : i32 to index
      %get3A_810 = arith.constant 0 : index
      %get3A_811 = tpu.vector_load %arg14[%get3A_809, %get3A_810] {strides = array<i32>} : memref<512x64xi32, #tpu.memory_space<vmem>>, vector<16xi32>,
      %bitcast3A_812 = vector.bitcast %get3A_811 : vector<16xi32> to vector<16xf32>
      %mul3A_813 = arith.mulf %mul3A_808, %bitcast3A_812 : vector<16xf32>
      %get3A_814 = arith.index_cast %add3A_799 : i32 to index
      %get3A_815 = arith.constant 16 : index
      %get3A_816 = tpu.vector_load %arg12[%get3A_814, %get3A_815] {strides = array<i32>} : memref<512x64xi32, #tpu.memory_space<vmem>>, vector<16xi32>,
      %bitcast3A_817 = vector.bitcast %get3A_816 : vector<16xi32> to vector<16xf32>
      %get3A_818 = arith.index_cast %add3A_799 : i32 to index
      %get3A_819 = arith.constant 16 : index
      %get3A_820 = tpu.vector_load %arg13[%get3A_818, %get3A_819] {strides = array<i32>} : memref<512x64xi32, #tpu.memory_space<vmem>>, vector<16xi32>,
      %bitcast3A_821 = vector.bitcast %get3A_820 : vector<16xi32> to vector<16xf32>
      %mul3A_822 = arith.mulf %bitcast3A_817, %bitcast3A_821 : vector<16xf32>
      %get3A_823 = arith.index_cast %add3A_799 : i32 to index
      %get3A_824 = arith.constant 16 : index
      %get3A_825 = tpu.vector_load %arg14[%get3A_823, %get3A_824] {strides = array<i32>} : memref<512x64xi32, #tpu.memory_space<vmem>>, vector<16xi32>,
      %bitcast3A_826 = vector.bitcast %get3A_825 : vector<16xi32> to vector<16xf32>
      %mul3A_827 = arith.mulf %mul3A_822, %bitcast3A_826 : vector<16xf32>
      %add3A_828 = arith.addf %mul3A_813, %mul3A_827 : vector<16xf32>
      %get3A_829 = arith.index_cast %add3A_799 : i32 to index
      %get3A_830 = arith.constant 32 : index
      %get3A_831 = tpu.vector_load %arg12[%get3A_829, %get3A_830] {strides = array<i32>} : memref<512x64xi32, #tpu.memory_space<vmem>>, vector<16xi32>,
      %bitcast3A_832 = vector.bitcast %get3A_831 : vector<16xi32> to vector<16xf32>
      %get3A_833 = arith.index_cast %add3A_799 : i32 to index
      %get3A_834 = arith.constant 32 : index
      %get3A_835 = tpu.vector_load %arg13[%get3A_833, %get3A_834] {strides = array<i32>} : memref<512x64xi32, #tpu.memory_space<vmem>>, vector<16xi32>,
      %bitcast3A_836 = vector.bitcast %get3A_835 : vector<16xi32> to vector<16xf32>
      %mul3A_837 = arith.mulf %bitcast3A_832, %bitcast3A_836 : vector<16xf32>
      %get3A_838 = arith.index_cast %add3A_799 : i32 to index
      %get3A_839 = arith.constant 32 : index
      %get3A_840 = tpu.vector_load %arg14[%get3A_838, %get3A_839] {strides = array<i32>} : memref<512x64xi32, #tpu.memory_space<vmem>>, vector<16xi32>,
      %bitcast3A_841 = vector.bitcast %get3A_840 : vector<16xi32> to vector<16xf32>
      %mul3A_842 = arith.mulf %mul3A_837, %bitcast3A_841 : vector<16xf32>
      %add3A_843 = arith.addf %add3A_828, %mul3A_842 : vector<16xf32>
      %get3A_844 = arith.index_cast %add3A_799 : i32 to index
      %get3A_845 = arith.constant 48 : index
      %get3A_846 = tpu.vector_load %arg12[%get3A_844, %get3A_845] {strides = array<i32>} : memref<512x64xi32, #tpu.memory_space<vmem>>, vector<16xi32>,
      %bitcast3A_847 = vector.bitcast %get3A_846 : vector<16xi32> to vector<16xf32>
      %get3A_848 = arith.index_cast %add3A_799 : i32 to index
      %get3A_849 = arith.constant 48 : index
      %get3A_850 = tpu.vector_load %arg13[%get3A_848, %get3A_849] {strides = array<i32>} : memref<512x64xi32, #tpu.memory_space<vmem>>, vector<16xi32>,
      %bitcast3A_851 = vector.bitcast %get3A_850 : vector<16xi32> to vector<16xf32>
      %mul3A_852 = arith.mulf %bitcast3A_847, %bitcast3A_851 : vector<16xf32>
      %get3A_853 = arith.index_cast %add3A_799 : i32 to index
      %get3A_854 = arith.constant 48 : index
      %get3A_855 = tpu.vector_load %arg14[%get3A_853, %get3A_854] {strides = array<i32>} : memref<512x64xi32, #tpu.memory_space<vmem>>, vector<16xi32>,
      %bitcast3A_856 = vector.bitcast %get3A_855 : vector<16xi32> to vector<16xf32>
      %mul3A_857 = arith.mulf %mul3A_852, %bitcast3A_856 : vector<16xf32>
      %add3A_858 = arith.addf %add3A_843, %mul3A_857 : vector<16xf32>
      %eq3A_859 = arith.constant 11 : i32
      %eq3A_860 = vector.broadcast %eq3A_859 : i32 to vector<16xi32>
      %eq3A_861 = arith.cmpi eq, %iota3A, %eq3A_860 : vector<16xi32>
      %reduce_sum3A_862 = arith.constant true
      %reduce_sum3A_863 = vector.broadcast %reduce_sum3A_862 : i1 to vector<16xi1>
      %reduce_sum3A_864 = tpu.scan <sum>, %add3A_858 masked %reduce_sum3A_863 : vector<16xf32>, vector<16xi1> -> vector<16xf32>
      %reduce_sum3A_865 = vector.extract %reduce_sum3A_864[15] : f32 from vector<16xf32>
      %broadcast_in_dim3A_866 = vector.broadcast %reduce_sum3A_865 : f32 to vector<16xf32>
      %select_n3A_867 = arith.select %eq3A_861, %broadcast_in_dim3A_866, %select_n3A_797 : vector<16xi1>, vector<16xf32>
      %add3A_868 = arith.constant 12 : i32
      %add3A_869 = arith.addi %mul3A_32, %add3A_868 : i32
      %get3A_870 = arith.index_cast %add3A_869 : i32 to index
      %get3A_871 = arith.constant 0 : index
      %get3A_872 = tpu.vector_load %arg12[%get3A_870, %get3A_871] {strides = array<i32>} : memref<512x64xi32, #tpu.memory_space<vmem>>, vector<16xi32>,
      %bitcast3A_873 = vector.bitcast %get3A_872 : vector<16xi32> to vector<16xf32>
      %get3A_874 = arith.index_cast %add3A_869 : i32 to index
      %get3A_875 = arith.constant 0 : index
      %get3A_876 = tpu.vector_load %arg13[%get3A_874, %get3A_875] {strides = array<i32>} : memref<512x64xi32, #tpu.memory_space<vmem>>, vector<16xi32>,
      %bitcast3A_877 = vector.bitcast %get3A_876 : vector<16xi32> to vector<16xf32>
      %mul3A_878 = arith.mulf %bitcast3A_873, %bitcast3A_877 : vector<16xf32>
      %get3A_879 = arith.index_cast %add3A_869 : i32 to index
      %get3A_880 = arith.constant 0 : index
      %get3A_881 = tpu.vector_load %arg14[%get3A_879, %get3A_880] {strides = array<i32>} : memref<512x64xi32, #tpu.memory_space<vmem>>, vector<16xi32>,
      %bitcast3A_882 = vector.bitcast %get3A_881 : vector<16xi32> to vector<16xf32>
      %mul3A_883 = arith.mulf %mul3A_878, %bitcast3A_882 : vector<16xf32>
      %get3A_884 = arith.index_cast %add3A_869 : i32 to index
      %get3A_885 = arith.constant 16 : index
      %get3A_886 = tpu.vector_load %arg12[%get3A_884, %get3A_885] {strides = array<i32>} : memref<512x64xi32, #tpu.memory_space<vmem>>, vector<16xi32>,
      %bitcast3A_887 = vector.bitcast %get3A_886 : vector<16xi32> to vector<16xf32>
      %get3A_888 = arith.index_cast %add3A_869 : i32 to index
      %get3A_889 = arith.constant 16 : index
      %get3A_890 = tpu.vector_load %arg13[%get3A_888, %get3A_889] {strides = array<i32>} : memref<512x64xi32, #tpu.memory_space<vmem>>, vector<16xi32>,
      %bitcast3A_891 = vector.bitcast %get3A_890 : vector<16xi32> to vector<16xf32>
      %mul3A_892 = arith.mulf %bitcast3A_887, %bitcast3A_891 : vector<16xf32>
      %get3A_893 = arith.index_cast %add3A_869 : i32 to index
      %get3A_894 = arith.constant 16 : index
      %get3A_895 = tpu.vector_load %arg14[%get3A_893, %get3A_894] {strides = array<i32>} : memref<512x64xi32, #tpu.memory_space<vmem>>, vector<16xi32>,
      %bitcast3A_896 = vector.bitcast %get3A_895 : vector<16xi32> to vector<16xf32>
      %mul3A_897 = arith.mulf %mul3A_892, %bitcast3A_896 : vector<16xf32>
      %add3A_898 = arith.addf %mul3A_883, %mul3A_897 : vector<16xf32>
      %get3A_899 = arith.index_cast %add3A_869 : i32 to index
      %get3A_900 = arith.constant 32 : index
      %get3A_901 = tpu.vector_load %arg12[%get3A_899, %get3A_900] {strides = array<i32>} : memref<512x64xi32, #tpu.memory_space<vmem>>, vector<16xi32>,
      %bitcast3A_902 = vector.bitcast %get3A_901 : vector<16xi32> to vector<16xf32>
      %get3A_903 = arith.index_cast %add3A_869 : i32 to index
      %get3A_904 = arith.constant 32 : index
      %get3A_905 = tpu.vector_load %arg13[%get3A_903, %get3A_904] {strides = array<i32>} : memref<512x64xi32, #tpu.memory_space<vmem>>, vector<16xi32>,
      %bitcast3A_906 = vector.bitcast %get3A_905 : vector<16xi32> to vector<16xf32>
      %mul3A_907 = arith.mulf %bitcast3A_902, %bitcast3A_906 : vector<16xf32>
      %get3A_908 = arith.index_cast %add3A_869 : i32 to index
      %get3A_909 = arith.constant 32 : index
      %get3A_910 = tpu.vector_load %arg14[%get3A_908, %get3A_909] {strides = array<i32>} : memref<512x64xi32, #tpu.memory_space<vmem>>, vector<16xi32>,
      %bitcast3A_911 = vector.bitcast %get3A_910 : vector<16xi32> to vector<16xf32>
      %mul3A_912 = arith.mulf %mul3A_907, %bitcast3A_911 : vector<16xf32>
      %add3A_913 = arith.addf %add3A_898, %mul3A_912 : vector<16xf32>
      %get3A_914 = arith.index_cast %add3A_869 : i32 to index
      %get3A_915 = arith.constant 48 : index
      %get3A_916 = tpu.vector_load %arg12[%get3A_914, %get3A_915] {strides = array<i32>} : memref<512x64xi32, #tpu.memory_space<vmem>>, vector<16xi32>,
      %bitcast3A_917 = vector.bitcast %get3A_916 : vector<16xi32> to vector<16xf32>
      %get3A_918 = arith.index_cast %add3A_869 : i32 to index
      %get3A_919 = arith.constant 48 : index
      %get3A_920 = tpu.vector_load %arg13[%get3A_918, %get3A_919] {strides = array<i32>} : memref<512x64xi32, #tpu.memory_space<vmem>>, vector<16xi32>,
      %bitcast3A_921 = vector.bitcast %get3A_920 : vector<16xi32> to vector<16xf32>
      %mul3A_922 = arith.mulf %bitcast3A_917, %bitcast3A_921 : vector<16xf32>
      %get3A_923 = arith.index_cast %add3A_869 : i32 to index
      %get3A_924 = arith.constant 48 : index
      %get3A_925 = tpu.vector_load %arg14[%get3A_923, %get3A_924] {strides = array<i32>} : memref<512x64xi32, #tpu.memory_space<vmem>>, vector<16xi32>,
      %bitcast3A_926 = vector.bitcast %get3A_925 : vector<16xi32> to vector<16xf32>
      %mul3A_927 = arith.mulf %mul3A_922, %bitcast3A_926 : vector<16xf32>
      %add3A_928 = arith.addf %add3A_913, %mul3A_927 : vector<16xf32>
      %eq3A_929 = arith.constant 12 : i32
      %eq3A_930 = vector.broadcast %eq3A_929 : i32 to vector<16xi32>
      %eq3A_931 = arith.cmpi eq, %iota3A, %eq3A_930 : vector<16xi32>
      %reduce_sum3A_932 = arith.constant true
      %reduce_sum3A_933 = vector.broadcast %reduce_sum3A_932 : i1 to vector<16xi1>
      %reduce_sum3A_934 = tpu.scan <sum>, %add3A_928 masked %reduce_sum3A_933 : vector<16xf32>, vector<16xi1> -> vector<16xf32>
      %reduce_sum3A_935 = vector.extract %reduce_sum3A_934[15] : f32 from vector<16xf32>
      %broadcast_in_dim3A_936 = vector.broadcast %reduce_sum3A_935 : f32 to vector<16xf32>
      %select_n3A_937 = arith.select %eq3A_931, %broadcast_in_dim3A_936, %select_n3A_867 : vector<16xi1>, vector<16xf32>
      %add3A_938 = arith.constant 13 : i32
      %add3A_939 = arith.addi %mul3A_32, %add3A_938 : i32
      %get3A_940 = arith.index_cast %add3A_939 : i32 to index
      %get3A_941 = arith.constant 0 : index
      %get3A_942 = tpu.vector_load %arg12[%get3A_940, %get3A_941] {strides = array<i32>} : memref<512x64xi32, #tpu.memory_space<vmem>>, vector<16xi32>,
      %bitcast3A_943 = vector.bitcast %get3A_942 : vector<16xi32> to vector<16xf32>
      %get3A_944 = arith.index_cast %add3A_939 : i32 to index
      %get3A_945 = arith.constant 0 : index
      %get3A_946 = tpu.vector_load %arg13[%get3A_944, %get3A_945] {strides = array<i32>} : memref<512x64xi32, #tpu.memory_space<vmem>>, vector<16xi32>,
      %bitcast3A_947 = vector.bitcast %get3A_946 : vector<16xi32> to vector<16xf32>
      %mul3A_948 = arith.mulf %bitcast3A_943, %bitcast3A_947 : vector<16xf32>
      %get3A_949 = arith.index_cast %add3A_939 : i32 to index
      %get3A_950 = arith.constant 0 : index
      %get3A_951 = tpu.vector_load %arg14[%get3A_949, %get3A_950] {strides = array<i32>} : memref<512x64xi32, #tpu.memory_space<vmem>>, vector<16xi32>,
      %bitcast3A_952 = vector.bitcast %get3A_951 : vector<16xi32> to vector<16xf32>
      %mul3A_953 = arith.mulf %mul3A_948, %bitcast3A_952 : vector<16xf32>
      %get3A_954 = arith.index_cast %add3A_939 : i32 to index
      %get3A_955 = arith.constant 16 : index
      %get3A_956 = tpu.vector_load %arg12[%get3A_954, %get3A_955] {strides = array<i32>} : memref<512x64xi32, #tpu.memory_space<vmem>>, vector<16xi32>,
      %bitcast3A_957 = vector.bitcast %get3A_956 : vector<16xi32> to vector<16xf32>
      %get3A_958 = arith.index_cast %add3A_939 : i32 to index
      %get3A_959 = arith.constant 16 : index
      %get3A_960 = tpu.vector_load %arg13[%get3A_958, %get3A_959] {strides = array<i32>} : memref<512x64xi32, #tpu.memory_space<vmem>>, vector<16xi32>,
      %bitcast3A_961 = vector.bitcast %get3A_960 : vector<16xi32> to vector<16xf32>
      %mul3A_962 = arith.mulf %bitcast3A_957, %bitcast3A_961 : vector<16xf32>
      %get3A_963 = arith.index_cast %add3A_939 : i32 to index
      %get3A_964 = arith.constant 16 : index
      %get3A_965 = tpu.vector_load %arg14[%get3A_963, %get3A_964] {strides = array<i32>} : memref<512x64xi32, #tpu.memory_space<vmem>>, vector<16xi32>,
      %bitcast3A_966 = vector.bitcast %get3A_965 : vector<16xi32> to vector<16xf32>
      %mul3A_967 = arith.mulf %mul3A_962, %bitcast3A_966 : vector<16xf32>
      %add3A_968 = arith.addf %mul3A_953, %mul3A_967 : vector<16xf32>
      %get3A_969 = arith.index_cast %add3A_939 : i32 to index
      %get3A_970 = arith.constant 32 : index
      %get3A_971 = tpu.vector_load %arg12[%get3A_969, %get3A_970] {strides = array<i32>} : memref<512x64xi32, #tpu.memory_space<vmem>>, vector<16xi32>,
      %bitcast3A_972 = vector.bitcast %get3A_971 : vector<16xi32> to vector<16xf32>
      %get3A_973 = arith.index_cast %add3A_939 : i32 to index
      %get3A_974 = arith.constant 32 : index
      %get3A_975 = tpu.vector_load %arg13[%get3A_973, %get3A_974] {strides = array<i32>} : memref<512x64xi32, #tpu.memory_space<vmem>>, vector<16xi32>,
      %bitcast3A_976 = vector.bitcast %get3A_975 : vector<16xi32> to vector<16xf32>
      %mul3A_977 = arith.mulf %bitcast3A_972, %bitcast3A_976 : vector<16xf32>
      %get3A_978 = arith.index_cast %add3A_939 : i32 to index
      %get3A_979 = arith.constant 32 : index
      %get3A_980 = tpu.vector_load %arg14[%get3A_978, %get3A_979] {strides = array<i32>} : memref<512x64xi32, #tpu.memory_space<vmem>>, vector<16xi32>,
      %bitcast3A_981 = vector.bitcast %get3A_980 : vector<16xi32> to vector<16xf32>
      %mul3A_982 = arith.mulf %mul3A_977, %bitcast3A_981 : vector<16xf32>
      %add3A_983 = arith.addf %add3A_968, %mul3A_982 : vector<16xf32>
      %get3A_984 = arith.index_cast %add3A_939 : i32 to index
      %get3A_985 = arith.constant 48 : index
      %get3A_986 = tpu.vector_load %arg12[%get3A_984, %get3A_985] {strides = array<i32>} : memref<512x64xi32, #tpu.memory_space<vmem>>, vector<16xi32>,
      %bitcast3A_987 = vector.bitcast %get3A_986 : vector<16xi32> to vector<16xf32>
      %get3A_988 = arith.index_cast %add3A_939 : i32 to index
      %get3A_989 = arith.constant 48 : index
      %get3A_990 = tpu.vector_load %arg13[%get3A_988, %get3A_989] {strides = array<i32>} : memref<512x64xi32, #tpu.memory_space<vmem>>, vector<16xi32>,
      %bitcast3A_991 = vector.bitcast %get3A_990 : vector<16xi32> to vector<16xf32>
      %mul3A_992 = arith.mulf %bitcast3A_987, %bitcast3A_991 : vector<16xf32>
      %get3A_993 = arith.index_cast %add3A_939 : i32 to index
      %get3A_994 = arith.constant 48 : index
      %get3A_995 = tpu.vector_load %arg14[%get3A_993, %get3A_994] {strides = array<i32>} : memref<512x64xi32, #tpu.memory_space<vmem>>, vector<16xi32>,
      %bitcast3A_996 = vector.bitcast %get3A_995 : vector<16xi32> to vector<16xf32>
      %mul3A_997 = arith.mulf %mul3A_992, %bitcast3A_996 : vector<16xf32>
      %add3A_998 = arith.addf %add3A_983, %mul3A_997 : vector<16xf32>
      %eq3A_999 = arith.constant 13 : i32
      %eq3A_1000 = vector.broadcast %eq3A_999 : i32 to vector<16xi32>
      %eq3A_1001 = arith.cmpi eq, %iota3A, %eq3A_1000 : vector<16xi32>
      %reduce_sum3A_1002 = arith.constant true
      %reduce_sum3A_1003 = vector.broadcast %reduce_sum3A_1002 : i1 to vector<16xi1>
      %reduce_sum3A_1004 = tpu.scan <sum>, %add3A_998 masked %reduce_sum3A_1003 : vector<16xf32>, vector<16xi1> -> vector<16xf32>
      %reduce_sum3A_1005 = vector.extract %reduce_sum3A_1004[15] : f32 from vector<16xf32>
      %broadcast_in_dim3A_1006 = vector.broadcast %reduce_sum3A_1005 : f32 to vector<16xf32>
      %select_n3A_1007 = arith.select %eq3A_1001, %broadcast_in_dim3A_1006, %select_n3A_937 : vector<16xi1>, vector<16xf32>
      %add3A_1008 = arith.constant 14 : i32
      %add3A_1009 = arith.addi %mul3A_32, %add3A_1008 : i32
      %get3A_1010 = arith.index_cast %add3A_1009 : i32 to index
      %get3A_1011 = arith.constant 0 : index
      %get3A_1012 = tpu.vector_load %arg12[%get3A_1010, %get3A_1011] {strides = array<i32>} : memref<512x64xi32, #tpu.memory_space<vmem>>, vector<16xi32>,
      %bitcast3A_1013 = vector.bitcast %get3A_1012 : vector<16xi32> to vector<16xf32>
      %get3A_1014 = arith.index_cast %add3A_1009 : i32 to index
      %get3A_1015 = arith.constant 0 : index
      %get3A_1016 = tpu.vector_load %arg13[%get3A_1014, %get3A_1015] {strides = array<i32>} : memref<512x64xi32, #tpu.memory_space<vmem>>, vector<16xi32>,
      %bitcast3A_1017 = vector.bitcast %get3A_1016 : vector<16xi32> to vector<16xf32>
      %mul3A_1018 = arith.mulf %bitcast3A_1013, %bitcast3A_1017 : vector<16xf32>
      %get3A_1019 = arith.index_cast %add3A_1009 : i32 to index
      %get3A_1020 = arith.constant 0 : index
      %get3A_1021 = tpu.vector_load %arg14[%get3A_1019, %get3A_1020] {strides = array<i32>} : memref<512x64xi32, #tpu.memory_space<vmem>>, vector<16xi32>,
      %bitcast3A_1022 = vector.bitcast %get3A_1021 : vector<16xi32> to vector<16xf32>
      %mul3A_1023 = arith.mulf %mul3A_1018, %bitcast3A_1022 : vector<16xf32>
      %get3A_1024 = arith.index_cast %add3A_1009 : i32 to index
      %get3A_1025 = arith.constant 16 : index
      %get3A_1026 = tpu.vector_load %arg12[%get3A_1024, %get3A_1025] {strides = array<i32>} : memref<512x64xi32, #tpu.memory_space<vmem>>, vector<16xi32>,
      %bitcast3A_1027 = vector.bitcast %get3A_1026 : vector<16xi32> to vector<16xf32>
      %get3A_1028 = arith.index_cast %add3A_1009 : i32 to index
      %get3A_1029 = arith.constant 16 : index
      %get3A_1030 = tpu.vector_load %arg13[%get3A_1028, %get3A_1029] {strides = array<i32>} : memref<512x64xi32, #tpu.memory_space<vmem>>, vector<16xi32>,
      %bitcast3A_1031 = vector.bitcast %get3A_1030 : vector<16xi32> to vector<16xf32>
      %mul3A_1032 = arith.mulf %bitcast3A_1027, %bitcast3A_1031 : vector<16xf32>
      %get3A_1033 = arith.index_cast %add3A_1009 : i32 to index
      %get3A_1034 = arith.constant 16 : index
      %get3A_1035 = tpu.vector_load %arg14[%get3A_1033, %get3A_1034] {strides = array<i32>} : memref<512x64xi32, #tpu.memory_space<vmem>>, vector<16xi32>,
      %bitcast3A_1036 = vector.bitcast %get3A_1035 : vector<16xi32> to vector<16xf32>
      %mul3A_1037 = arith.mulf %mul3A_1032, %bitcast3A_1036 : vector<16xf32>
      %add3A_1038 = arith.addf %mul3A_1023, %mul3A_1037 : vector<16xf32>
      %get3A_1039 = arith.index_cast %add3A_1009 : i32 to index
      %get3A_1040 = arith.constant 32 : index
      %get3A_1041 = tpu.vector_load %arg12[%get3A_1039, %get3A_1040] {strides = array<i32>} : memref<512x64xi32, #tpu.memory_space<vmem>>, vector<16xi32>,
      %bitcast3A_1042 = vector.bitcast %get3A_1041 : vector<16xi32> to vector<16xf32>
      %get3A_1043 = arith.index_cast %add3A_1009 : i32 to index
      %get3A_1044 = arith.constant 32 : index
      %get3A_1045 = tpu.vector_load %arg13[%get3A_1043, %get3A_1044] {strides = array<i32>} : memref<512x64xi32, #tpu.memory_space<vmem>>, vector<16xi32>,
      %bitcast3A_1046 = vector.bitcast %get3A_1045 : vector<16xi32> to vector<16xf32>
      %mul3A_1047 = arith.mulf %bitcast3A_1042, %bitcast3A_1046 : vector<16xf32>
      %get3A_1048 = arith.index_cast %add3A_1009 : i32 to index
      %get3A_1049 = arith.constant 32 : index
      %get3A_1050 = tpu.vector_load %arg14[%get3A_1048, %get3A_1049] {strides = array<i32>} : memref<512x64xi32, #tpu.memory_space<vmem>>, vector<16xi32>,
      %bitcast3A_1051 = vector.bitcast %get3A_1050 : vector<16xi32> to vector<16xf32>
      %mul3A_1052 = arith.mulf %mul3A_1047, %bitcast3A_1051 : vector<16xf32>
      %add3A_1053 = arith.addf %add3A_1038, %mul3A_1052 : vector<16xf32>
      %get3A_1054 = arith.index_cast %add3A_1009 : i32 to index
      %get3A_1055 = arith.constant 48 : index
      %get3A_1056 = tpu.vector_load %arg12[%get3A_1054, %get3A_1055] {strides = array<i32>} : memref<512x64xi32, #tpu.memory_space<vmem>>, vector<16xi32>,
      %bitcast3A_1057 = vector.bitcast %get3A_1056 : vector<16xi32> to vector<16xf32>
      %get3A_1058 = arith.index_cast %add3A_1009 : i32 to index
      %get3A_1059 = arith.constant 48 : index
      %get3A_1060 = tpu.vector_load %arg13[%get3A_1058, %get3A_1059] {strides = array<i32>} : memref<512x64xi32, #tpu.memory_space<vmem>>, vector<16xi32>,
      %bitcast3A_1061 = vector.bitcast %get3A_1060 : vector<16xi32> to vector<16xf32>
      %mul3A_1062 = arith.mulf %bitcast3A_1057, %bitcast3A_1061 : vector<16xf32>
      %get3A_1063 = arith.index_cast %add3A_1009 : i32 to index
      %get3A_1064 = arith.constant 48 : index
      %get3A_1065 = tpu.vector_load %arg14[%get3A_1063, %get3A_1064] {strides = array<i32>} : memref<512x64xi32, #tpu.memory_space<vmem>>, vector<16xi32>,
      %bitcast3A_1066 = vector.bitcast %get3A_1065 : vector<16xi32> to vector<16xf32>
      %mul3A_1067 = arith.mulf %mul3A_1062, %bitcast3A_1066 : vector<16xf32>
      %add3A_1068 = arith.addf %add3A_1053, %mul3A_1067 : vector<16xf32>
      %eq3A_1069 = arith.constant 14 : i32
      %eq3A_1070 = vector.broadcast %eq3A_1069 : i32 to vector<16xi32>
      %eq3A_1071 = arith.cmpi eq, %iota3A, %eq3A_1070 : vector<16xi32>
      %reduce_sum3A_1072 = arith.constant true
      %reduce_sum3A_1073 = vector.broadcast %reduce_sum3A_1072 : i1 to vector<16xi1>
      %reduce_sum3A_1074 = tpu.scan <sum>, %add3A_1068 masked %reduce_sum3A_1073 : vector<16xf32>, vector<16xi1> -> vector<16xf32>
      %reduce_sum3A_1075 = vector.extract %reduce_sum3A_1074[15] : f32 from vector<16xf32>
      %broadcast_in_dim3A_1076 = vector.broadcast %reduce_sum3A_1075 : f32 to vector<16xf32>
      %select_n3A_1077 = arith.select %eq3A_1071, %broadcast_in_dim3A_1076, %select_n3A_1007 : vector<16xi1>, vector<16xf32>
      %add3A_1078 = arith.constant 15 : i32
      %add3A_1079 = arith.addi %mul3A_32, %add3A_1078 : i32
      %get3A_1080 = arith.index_cast %add3A_1079 : i32 to index
      %get3A_1081 = arith.constant 0 : index
      %get3A_1082 = tpu.vector_load %arg12[%get3A_1080, %get3A_1081] {strides = array<i32>} : memref<512x64xi32, #tpu.memory_space<vmem>>, vector<16xi32>,
      %bitcast3A_1083 = vector.bitcast %get3A_1082 : vector<16xi32> to vector<16xf32>
      %get3A_1084 = arith.index_cast %add3A_1079 : i32 to index
      %get3A_1085 = arith.constant 0 : index
      %get3A_1086 = tpu.vector_load %arg13[%get3A_1084, %get3A_1085] {strides = array<i32>} : memref<512x64xi32, #tpu.memory_space<vmem>>, vector<16xi32>,
      %bitcast3A_1087 = vector.bitcast %get3A_1086 : vector<16xi32> to vector<16xf32>
      %mul3A_1088 = arith.mulf %bitcast3A_1083, %bitcast3A_1087 : vector<16xf32>
      %get3A_1089 = arith.index_cast %add3A_1079 : i32 to index
      %get3A_1090 = arith.constant 0 : index
      %get3A_1091 = tpu.vector_load %arg14[%get3A_1089, %get3A_1090] {strides = array<i32>} : memref<512x64xi32, #tpu.memory_space<vmem>>, vector<16xi32>,
      %bitcast3A_1092 = vector.bitcast %get3A_1091 : vector<16xi32> to vector<16xf32>
      %mul3A_1093 = arith.mulf %mul3A_1088, %bitcast3A_1092 : vector<16xf32>
      %get3A_1094 = arith.index_cast %add3A_1079 : i32 to index
      %get3A_1095 = arith.constant 16 : index
      %get3A_1096 = tpu.vector_load %arg12[%get3A_1094, %get3A_1095] {strides = array<i32>} : memref<512x64xi32, #tpu.memory_space<vmem>>, vector<16xi32>,
      %bitcast3A_1097 = vector.bitcast %get3A_1096 : vector<16xi32> to vector<16xf32>
      %get3A_1098 = arith.index_cast %add3A_1079 : i32 to index
      %get3A_1099 = arith.constant 16 : index
      %get3A_1100 = tpu.vector_load %arg13[%get3A_1098, %get3A_1099] {strides = array<i32>} : memref<512x64xi32, #tpu.memory_space<vmem>>, vector<16xi32>,
      %bitcast3A_1101 = vector.bitcast %get3A_1100 : vector<16xi32> to vector<16xf32>
      %mul3A_1102 = arith.mulf %bitcast3A_1097, %bitcast3A_1101 : vector<16xf32>
      %get3A_1103 = arith.index_cast %add3A_1079 : i32 to index
      %get3A_1104 = arith.constant 16 : index
      %get3A_1105 = tpu.vector_load %arg14[%get3A_1103, %get3A_1104] {strides = array<i32>} : memref<512x64xi32, #tpu.memory_space<vmem>>, vector<16xi32>,
      %bitcast3A_1106 = vector.bitcast %get3A_1105 : vector<16xi32> to vector<16xf32>
      %mul3A_1107 = arith.mulf %mul3A_1102, %bitcast3A_1106 : vector<16xf32>
      %add3A_1108 = arith.addf %mul3A_1093, %mul3A_1107 : vector<16xf32>
      %get3A_1109 = arith.index_cast %add3A_1079 : i32 to index
      %get3A_1110 = arith.constant 32 : index
      %get3A_1111 = tpu.vector_load %arg12[%get3A_1109, %get3A_1110] {strides = array<i32>} : memref<512x64xi32, #tpu.memory_space<vmem>>, vector<16xi32>,
      %bitcast3A_1112 = vector.bitcast %get3A_1111 : vector<16xi32> to vector<16xf32>
      %get3A_1113 = arith.index_cast %add3A_1079 : i32 to index
      %get3A_1114 = arith.constant 32 : index
      %get3A_1115 = tpu.vector_load %arg13[%get3A_1113, %get3A_1114] {strides = array<i32>} : memref<512x64xi32, #tpu.memory_space<vmem>>, vector<16xi32>,
      %bitcast3A_1116 = vector.bitcast %get3A_1115 : vector<16xi32> to vector<16xf32>
      %mul3A_1117 = arith.mulf %bitcast3A_1112, %bitcast3A_1116 : vector<16xf32>
      %get3A_1118 = arith.index_cast %add3A_1079 : i32 to index
      %get3A_1119 = arith.constant 32 : index
      %get3A_1120 = tpu.vector_load %arg14[%get3A_1118, %get3A_1119] {strides = array<i32>} : memref<512x64xi32, #tpu.memory_space<vmem>>, vector<16xi32>,
      %bitcast3A_1121 = vector.bitcast %get3A_1120 : vector<16xi32> to vector<16xf32>
      %mul3A_1122 = arith.mulf %mul3A_1117, %bitcast3A_1121 : vector<16xf32>
      %add3A_1123 = arith.addf %add3A_1108, %mul3A_1122 : vector<16xf32>
      %get3A_1124 = arith.index_cast %add3A_1079 : i32 to index
      %get3A_1125 = arith.constant 48 : index
      %get3A_1126 = tpu.vector_load %arg12[%get3A_1124, %get3A_1125] {strides = array<i32>} : memref<512x64xi32, #tpu.memory_space<vmem>>, vector<16xi32>,
      %bitcast3A_1127 = vector.bitcast %get3A_1126 : vector<16xi32> to vector<16xf32>
      %get3A_1128 = arith.index_cast %add3A_1079 : i32 to index
      %get3A_1129 = arith.constant 48 : index
      %get3A_1130 = tpu.vector_load %arg13[%get3A_1128, %get3A_1129] {strides = array<i32>} : memref<512x64xi32, #tpu.memory_space<vmem>>, vector<16xi32>,
      %bitcast3A_1131 = vector.bitcast %get3A_1130 : vector<16xi32> to vector<16xf32>
      %mul3A_1132 = arith.mulf %bitcast3A_1127, %bitcast3A_1131 : vector<16xf32>
      %get3A_1133 = arith.index_cast %add3A_1079 : i32 to index
      %get3A_1134 = arith.constant 48 : index
      %get3A_1135 = tpu.vector_load %arg14[%get3A_1133, %get3A_1134] {strides = array<i32>} : memref<512x64xi32, #tpu.memory_space<vmem>>, vector<16xi32>,
      %bitcast3A_1136 = vector.bitcast %get3A_1135 : vector<16xi32> to vector<16xf32>
      %mul3A_1137 = arith.mulf %mul3A_1132, %bitcast3A_1136 : vector<16xf32>
      %add3A_1138 = arith.addf %add3A_1123, %mul3A_1137 : vector<16xf32>
      %eq3A_1139 = arith.constant 15 : i32
      %eq3A_1140 = vector.broadcast %eq3A_1139 : i32 to vector<16xi32>
      %eq3A_1141 = arith.cmpi eq, %iota3A, %eq3A_1140 : vector<16xi32>
      %reduce_sum3A_1142 = arith.constant true
      %reduce_sum3A_1143 = vector.broadcast %reduce_sum3A_1142 : i1 to vector<16xi1>
      %reduce_sum3A_1144 = tpu.scan <sum>, %add3A_1138 masked %reduce_sum3A_1143 : vector<16xf32>, vector<16xi1> -> vector<16xf32>
      %reduce_sum3A_1145 = vector.extract %reduce_sum3A_1144[15] : f32 from vector<16xf32>
      %broadcast_in_dim3A_1146 = vector.broadcast %reduce_sum3A_1145 : f32 to vector<16xf32>
      %select_n3A_1147 = arith.select %eq3A_1141, %broadcast_in_dim3A_1146, %select_n3A_1077 : vector<16xi1>, vector<16xf32>
      %swap3A = arith.index_cast %mul3A_32 : i32 to index
      %swap3A_1148 = tpu.vector_load %arg15[%swap3A] {strides = array<i32>} : memref<512xf32, #tpu.memory_space<vmem>>, vector<16xf32>,
      tpu.vector_store %arg15[%swap3A], %select_n3A_1147 {strides = array<i32>} : memref<512xf32, #tpu.memory_space<vmem>>, vector<16xf32>,
    }
    %while3A_28 = arith.constant 1 : i32
    scf.for %while3A_29 = %while3A_26 to %while3A_22 step %while3A_28  : i32 {
      %broadcast_in_dim3A = arith.constant 0.000000e+00 : f32
      %broadcast_in_dim3A_30 = vector.broadcast %broadcast_in_dim3A : f32 to vector<16xf32>
      %mul3A_31 = arith.constant 16 : i32
      %mul3A_32 = arith.muli %while3A_29, %mul3A_31 : i32
      %add3A_33 = arith.constant 0 : i32
      %add3A_34 = arith.addi %mul3A_32, %add3A_33 : i32
      %get3A = arith.index_cast %add3A_34 : i32 to index
      %get3A_35 = arith.constant 0 : index
      %get3A_36 = tpu.vector_load %arg12[%get3A, %get3A_35] {strides = array<i32>} : memref<512x64xi32, #tpu.memory_space<vmem>>, vector<16xi32>,
      %bitcast3A = vector.bitcast %get3A_36 : vector<16xi32> to vector<16xf32>
      %get3A_37 = arith.index_cast %add3A_34 : i32 to index
      %get3A_38 = arith.constant 0 : index
      %get3A_39 = tpu.vector_load %arg13[%get3A_37, %get3A_38] {strides = array<i32>} : memref<512x64xi32, #tpu.memory_space<vmem>>, vector<16xi32>,
      %bitcast3A_40 = vector.bitcast %get3A_39 : vector<16xi32> to vector<16xf32>
      %mul3A_41 = arith.mulf %bitcast3A, %bitcast3A_40 : vector<16xf32>
      %get3A_42 = arith.index_cast %add3A_34 : i32 to index
      %get3A_43 = arith.constant 0 : index
      %get3A_44 = tpu.vector_load %arg14[%get3A_42, %get3A_43] {strides = array<i32>} : memref<512x64xi32, #tpu.memory_space<vmem>>, vector<16xi32>,
      %bitcast3A_45 = vector.bitcast %get3A_44 : vector<16xi32> to vector<16xf32>
      %mul3A_46 = arith.mulf %mul3A_41, %bitcast3A_45 : vector<16xf32>
      %get3A_47 = arith.index_cast %add3A_34 : i32 to index
      %get3A_48 = arith.constant 16 : index
      %get3A_49 = tpu.vector_load %arg12[%get3A_47, %get3A_48] {strides = array<i32>} : memref<512x64xi32, #tpu.memory_space<vmem>>, vector<16xi32>,
      %bitcast3A_50 = vector.bitcast %get3A_49 : vector<16xi32> to vector<16xf32>
      %get3A_51 = arith.index_cast %add3A_34 : i32 to index
      %get3A_52 = arith.constant 16 : index
      %get3A_53 = tpu.vector_load %arg13[%get3A_51, %get3A_52] {strides = array<i32>} : memref<512x64xi32, #tpu.memory_space<vmem>>, vector<16xi32>,
      %bitcast3A_54 = vector.bitcast %get3A_53 : vector<16xi32> to vector<16xf32>
      %mul3A_55 = arith.mulf %bitcast3A_50, %bitcast3A_54 : vector<16xf32>
      %get3A_56 = arith.index_cast %add3A_34 : i32 to index
      %get3A_57 = arith.constant 16 : index
      %get3A_58 = tpu.vector_load %arg14[%get3A_56, %get3A_57] {strides = array<i32>} : memref<512x64xi32, #tpu.memory_space<vmem>>, vector<16xi32>,
      %bitcast3A_59 = vector.bitcast %get3A_58 : vector<16xi32> to vector<16xf32>
      %mul3A_60 = arith.mulf %mul3A_55, %bitcast3A_59 : vector<16xf32>
      %add3A_61 = arith.addf %mul3A_46, %mul3A_60 : vector<16xf32>
      %get3A_62 = arith.index_cast %add3A_34 : i32 to index
      %get3A_63 = arith.constant 32 : index
      %get3A_64 = tpu.vector_load %arg12[%get3A_62, %get3A_63] {strides = array<i32>} : memref<512x64xi32, #tpu.memory_space<vmem>>, vector<16xi32>,
      %bitcast3A_65 = vector.bitcast %get3A_64 : vector<16xi32> to vector<16xf32>
      %get3A_66 = arith.index_cast %add3A_34 : i32 to index
      %get3A_67 = arith.constant 32 : index
      %get3A_68 = tpu.vector_load %arg13[%get3A_66, %get3A_67] {strides = array<i32>} : memref<512x64xi32, #tpu.memory_space<vmem>>, vector<16xi32>,
      %bitcast3A_69 = vector.bitcast %get3A_68 : vector<16xi32> to vector<16xf32>
      %mul3A_70 = arith.mulf %bitcast3A_65, %bitcast3A_69 : vector<16xf32>
      %get3A_71 = arith.index_cast %add3A_34 : i32 to index
      %get3A_72 = arith.constant 32 : index
      %get3A_73 = tpu.vector_load %arg14[%get3A_71, %get3A_72] {strides = array<i32>} : memref<512x64xi32, #tpu.memory_space<vmem>>, vector<16xi32>,
      %bitcast3A_74 = vector.bitcast %get3A_73 : vector<16xi32> to vector<16xf32>
      %mul3A_75 = arith.mulf %mul3A_70, %bitcast3A_74 : vector<16xf32>
      %add3A_76 = arith.addf %add3A_61, %mul3A_75 : vector<16xf32>
      %get3A_77 = arith.index_cast %add3A_34 : i32 to index
      %get3A_78 = arith.constant 48 : index
      %get3A_79 = tpu.vector_load %arg12[%get3A_77, %get3A_78] {strides = array<i32>} : memref<512x64xi32, #tpu.memory_space<vmem>>, vector<16xi32>,
      %bitcast3A_80 = vector.bitcast %get3A_79 : vector<16xi32> to vector<16xf32>
      %get3A_81 = arith.index_cast %add3A_34 : i32 to index
      %get3A_82 = arith.constant 48 : index
      %get3A_83 = tpu.vector_load %arg13[%get3A_81, %get3A_82] {strides = array<i32>} : memref<512x64xi32, #tpu.memory_space<vmem>>, vector<16xi32>,
      %bitcast3A_84 = vector.bitcast %get3A_83 : vector<16xi32> to vector<16xf32>
      %mul3A_85 = arith.mulf %bitcast3A_80, %bitcast3A_84 : vector<16xf32>
      %get3A_86 = arith.index_cast %add3A_34 : i32 to index
      %get3A_87 = arith.constant 48 : index
      %get3A_88 = tpu.vector_load %arg14[%get3A_86, %get3A_87] {strides = array<i32>} : memref<512x64xi32, #tpu.memory_space<vmem>>, vector<16xi32>,
      %bitcast3A_89 = vector.bitcast %get3A_88 : vector<16xi32> to vector<16xf32>
      %mul3A_90 = arith.mulf %mul3A_85, %bitcast3A_89 : vector<16xf32>
      %add3A_91 = arith.addf %add3A_76, %mul3A_90 : vector<16xf32>
      %eq3A = arith.constant 0 : i32
      %eq3A_92 = vector.broadcast %eq3A : i32 to vector<16xi32>
      %eq3A_93 = arith.cmpi eq, %iota3A, %eq3A_92 : vector<16xi32>
      %reduce_sum3A = arith.constant true
      %reduce_sum3A_94 = vector.broadcast %reduce_sum3A : i1 to vector<16xi1>
      %reduce_sum3A_95 = tpu.scan <sum>, %add3A_91 masked %reduce_sum3A_94 : vector<16xf32>, vector<16xi1> -> vector<16xf32>
      %reduce_sum3A_96 = vector.extract %reduce_sum3A_95[15] : f32 from vector<16xf32>
      %broadcast_in_dim3A_97 = vector.broadcast %reduce_sum3A_96 : f32 to vector<16xf32>
      %select_n3A = arith.select %eq3A_93, %broadcast_in_dim3A_97, %broadcast_in_dim3A_30 : vector<16xi1>, vector<16xf32>
      %add3A_98 = arith.constant 1 : i32
      %add3A_99 = arith.addi %mul3A_32, %add3A_98 : i32
      %get3A_100 = arith.index_cast %add3A_99 : i32 to index
      %get3A_101 = arith.constant 0 : index
      %get3A_102 = tpu.vector_load %arg12[%get3A_100, %get3A_101] {strides = array<i32>} : memref<512x64xi32, #tpu.memory_space<vmem>>, vector<16xi32>,
      %bitcast3A_103 = vector.bitcast %get3A_102 : vector<16xi32> to vector<16xf32>
      %get3A_104 = arith.index_cast %add3A_99 : i32 to index
      %get3A_105 = arith.constant 0 : index
      %get3A_106 = tpu.vector_load %arg13[%get3A_104, %get3A_105] {strides = array<i32>} : memref<512x64xi32, #tpu.memory_space<vmem>>, vector<16xi32>,
      %bitcast3A_107 = vector.bitcast %get3A_106 : vector<16xi32> to vector<16xf32>
      %mul3A_108 = arith.mulf %bitcast3A_103, %bitcast3A_107 : vector<16xf32>
      %get3A_109 = arith.index_cast %add3A_99 : i32 to index
      %get3A_110 = arith.constant 0 : index
      %get3A_111 = tpu.vector_load %arg14[%get3A_109, %get3A_110] {strides = array<i32>} : memref<512x64xi32, #tpu.memory_space<vmem>>, vector<16xi32>,
      %bitcast3A_112 = vector.bitcast %get3A_111 : vector<16xi32> to vector<16xf32>
      %mul3A_113 = arith.mulf %mul3A_108, %bitcast3A_112 : vector<16xf32>
      %get3A_114 = arith.index_cast %add3A_99 : i32 to index
      %get3A_115 = arith.constant 16 : index
      %get3A_116 = tpu.vector_load %arg12[%get3A_114, %get3A_115] {strides = array<i32>} : memref<512x64xi32, #tpu.memory_space<vmem>>, vector<16xi32>,
      %bitcast3A_117 = vector.bitcast %get3A_116 : vector<16xi32> to vector<16xf32>
      %get3A_118 = arith.index_cast %add3A_99 : i32 to index
      %get3A_119 = arith.constant 16 : index
      %get3A_120 = tpu.vector_load %arg13[%get3A_118, %get3A_119] {strides = array<i32>} : memref<512x64xi32, #tpu.memory_space<vmem>>, vector<16xi32>,
      %bitcast3A_121 = vector.bitcast %get3A_120 : vector<16xi32> to vector<16xf32>
      %mul3A_122 = arith.mulf %bitcast3A_117, %bitcast3A_121 : vector<16xf32>
      %get3A_123 = arith.index_cast %add3A_99 : i32 to index
      %get3A_124 = arith.constant 16 : index
      %get3A_125 = tpu.vector_load %arg14[%get3A_123, %get3A_124] {strides = array<i32>} : memref<512x64xi32, #tpu.memory_space<vmem>>, vector<16xi32>,
      %bitcast3A_126 = vector.bitcast %get3A_125 : vector<16xi32> to vector<16xf32>
      %mul3A_127 = arith.mulf %mul3A_122, %bitcast3A_126 : vector<16xf32>
      %add3A_128 = arith.addf %mul3A_113, %mul3A_127 : vector<16xf32>
      %get3A_129 = arith.index_cast %add3A_99 : i32 to index
      %get3A_130 = arith.constant 32 : index
      %get3A_131 = tpu.vector_load %arg12[%get3A_129, %get3A_130] {strides = array<i32>} : memref<512x64xi32, #tpu.memory_space<vmem>>, vector<16xi32>,
      %bitcast3A_132 = vector.bitcast %get3A_131 : vector<16xi32> to vector<16xf32>
      %get3A_133 = arith.index_cast %add3A_99 : i32 to index
      %get3A_134 = arith.constant 32 : index
      %get3A_135 = tpu.vector_load %arg13[%get3A_133, %get3A_134] {strides = array<i32>} : memref<512x64xi32, #tpu.memory_space<vmem>>, vector<16xi32>,
      %bitcast3A_136 = vector.bitcast %get3A_135 : vector<16xi32> to vector<16xf32>
      %mul3A_137 = arith.mulf %bitcast3A_132, %bitcast3A_136 : vector<16xf32>
      %get3A_138 = arith.index_cast %add3A_99 : i32 to index
      %get3A_139 = arith.constant 32 : index
      %get3A_140 = tpu.vector_load %arg14[%get3A_138, %get3A_139] {strides = array<i32>} : memref<512x64xi32, #tpu.memory_space<vmem>>, vector<16xi32>,
      %bitcast3A_141 = vector.bitcast %get3A_140 : vector<16xi32> to vector<16xf32>
      %mul3A_142 = arith.mulf %mul3A_137, %bitcast3A_141 : vector<16xf32>
      %add3A_143 = arith.addf %add3A_128, %mul3A_142 : vector<16xf32>
      %get3A_144 = arith.index_cast %add3A_99 : i32 to index
      %get3A_145 = arith.constant 48 : index
      %get3A_146 = tpu.vector_load %arg12[%get3A_144, %get3A_145] {strides = array<i32>} : memref<512x64xi32, #tpu.memory_space<vmem>>, vector<16xi32>,
      %bitcast3A_147 = vector.bitcast %get3A_146 : vector<16xi32> to vector<16xf32>
      %get3A_148 = arith.index_cast %add3A_99 : i32 to index
      %get3A_149 = arith.constant 48 : index
      %get3A_150 = tpu.vector_load %arg13[%get3A_148, %get3A_149] {strides = array<i32>} : memref<512x64xi32, #tpu.memory_space<vmem>>, vector<16xi32>,
      %bitcast3A_151 = vector.bitcast %get3A_150 : vector<16xi32> to vector<16xf32>
      %mul3A_152 = arith.mulf %bitcast3A_147, %bitcast3A_151 : vector<16xf32>
      %get3A_153 = arith.index_cast %add3A_99 : i32 to index
      %get3A_154 = arith.constant 48 : index
      %get3A_155 = tpu.vector_load %arg14[%get3A_153, %get3A_154] {strides = array<i32>} : memref<512x64xi32, #tpu.memory_space<vmem>>, vector<16xi32>,
      %bitcast3A_156 = vector.bitcast %get3A_155 : vector<16xi32> to vector<16xf32>
      %mul3A_157 = arith.mulf %mul3A_152, %bitcast3A_156 : vector<16xf32>
      %add3A_158 = arith.addf %add3A_143, %mul3A_157 : vector<16xf32>
      %eq3A_159 = arith.constant 1 : i32
      %eq3A_160 = vector.broadcast %eq3A_159 : i32 to vector<16xi32>
      %eq3A_161 = arith.cmpi eq, %iota3A, %eq3A_160 : vector<16xi32>
      %reduce_sum3A_162 = arith.constant true
      %reduce_sum3A_163 = vector.broadcast %reduce_sum3A_162 : i1 to vector<16xi1>
      %reduce_sum3A_164 = tpu.scan <sum>, %add3A_158 masked %reduce_sum3A_163 : vector<16xf32>, vector<16xi1> -> vector<16xf32>
      %reduce_sum3A_165 = vector.extract %reduce_sum3A_164[15] : f32 from vector<16xf32>
      %broadcast_in_dim3A_166 = vector.broadcast %reduce_sum3A_165 : f32 to vector<16xf32>
      %select_n3A_167 = arith.select %eq3A_161, %broadcast_in_dim3A_166, %select_n3A : vector<16xi1>, vector<16xf32>
      %add3A_168 = arith.constant 2 : i32
      %add3A_169 = arith.addi %mul3A_32, %add3A_168 : i32
      %get3A_170 = arith.index_cast %add3A_169 : i32 to index
      %get3A_171 = arith.constant 0 : index
      %get3A_172 = tpu.vector_load %arg12[%get3A_170, %get3A_171] {strides = array<i32>} : memref<512x64xi32, #tpu.memory_space<vmem>>, vector<16xi32>,
      %bitcast3A_173 = vector.bitcast %get3A_172 : vector<16xi32> to vector<16xf32>
      %get3A_174 = arith.index_cast %add3A_169 : i32 to index
      %get3A_175 = arith.constant 0 : index
      %get3A_176 = tpu.vector_load %arg13[%get3A_174, %get3A_175] {strides = array<i32>} : memref<512x64xi32, #tpu.memory_space<vmem>>, vector<16xi32>,
      %bitcast3A_177 = vector.bitcast %get3A_176 : vector<16xi32> to vector<16xf32>
      %mul3A_178 = arith.mulf %bitcast3A_173, %bitcast3A_177 : vector<16xf32>
      %get3A_179 = arith.index_cast %add3A_169 : i32 to index
      %get3A_180 = arith.constant 0 : index
      %get3A_181 = tpu.vector_load %arg14[%get3A_179, %get3A_180] {strides = array<i32>} : memref<512x64xi32, #tpu.memory_space<vmem>>, vector<16xi32>,
      %bitcast3A_182 = vector.bitcast %get3A_181 : vector<16xi32> to vector<16xf32>
      %mul3A_183 = arith.mulf %mul3A_178, %bitcast3A_182 : vector<16xf32>
      %get3A_184 = arith.index_cast %add3A_169 : i32 to index
      %get3A_185 = arith.constant 16 : index
      %get3A_186 = tpu.vector_load %arg12[%get3A_184, %get3A_185] {strides = array<i32>} : memref<512x64xi32, #tpu.memory_space<vmem>>, vector<16xi32>,
      %bitcast3A_187 = vector.bitcast %get3A_186 : vector<16xi32> to vector<16xf32>
      %get3A_188 = arith.index_cast %add3A_169 : i32 to index
      %get3A_189 = arith.constant 16 : index
      %get3A_190 = tpu.vector_load %arg13[%get3A_188, %get3A_189] {strides = array<i32>} : memref<512x64xi32, #tpu.memory_space<vmem>>, vector<16xi32>,
      %bitcast3A_191 = vector.bitcast %get3A_190 : vector<16xi32> to vector<16xf32>
      %mul3A_192 = arith.mulf %bitcast3A_187, %bitcast3A_191 : vector<16xf32>
      %get3A_193 = arith.index_cast %add3A_169 : i32 to index
      %get3A_194 = arith.constant 16 : index
      %get3A_195 = tpu.vector_load %arg14[%get3A_193, %get3A_194] {strides = array<i32>} : memref<512x64xi32, #tpu.memory_space<vmem>>, vector<16xi32>,
      %bitcast3A_196 = vector.bitcast %get3A_195 : vector<16xi32> to vector<16xf32>
      %mul3A_197 = arith.mulf %mul3A_192, %bitcast3A_196 : vector<16xf32>
      %add3A_198 = arith.addf %mul3A_183, %mul3A_197 : vector<16xf32>
      %get3A_199 = arith.index_cast %add3A_169 : i32 to index
      %get3A_200 = arith.constant 32 : index
      %get3A_201 = tpu.vector_load %arg12[%get3A_199, %get3A_200] {strides = array<i32>} : memref<512x64xi32, #tpu.memory_space<vmem>>, vector<16xi32>,
      %bitcast3A_202 = vector.bitcast %get3A_201 : vector<16xi32> to vector<16xf32>
      %get3A_203 = arith.index_cast %add3A_169 : i32 to index
      %get3A_204 = arith.constant 32 : index
      %get3A_205 = tpu.vector_load %arg13[%get3A_203, %get3A_204] {strides = array<i32>} : memref<512x64xi32, #tpu.memory_space<vmem>>, vector<16xi32>,
      %bitcast3A_206 = vector.bitcast %get3A_205 : vector<16xi32> to vector<16xf32>
      %mul3A_207 = arith.mulf %bitcast3A_202, %bitcast3A_206 : vector<16xf32>
      %get3A_208 = arith.index_cast %add3A_169 : i32 to index
      %get3A_209 = arith.constant 32 : index
      %get3A_210 = tpu.vector_load %arg14[%get3A_208, %get3A_209] {strides = array<i32>} : memref<512x64xi32, #tpu.memory_space<vmem>>, vector<16xi32>,
      %bitcast3A_211 = vector.bitcast %get3A_210 : vector<16xi32> to vector<16xf32>
      %mul3A_212 = arith.mulf %mul3A_207, %bitcast3A_211 : vector<16xf32>
      %add3A_213 = arith.addf %add3A_198, %mul3A_212 : vector<16xf32>
      %get3A_214 = arith.index_cast %add3A_169 : i32 to index
      %get3A_215 = arith.constant 48 : index
      %get3A_216 = tpu.vector_load %arg12[%get3A_214, %get3A_215] {strides = array<i32>} : memref<512x64xi32, #tpu.memory_space<vmem>>, vector<16xi32>,
      %bitcast3A_217 = vector.bitcast %get3A_216 : vector<16xi32> to vector<16xf32>
      %get3A_218 = arith.index_cast %add3A_169 : i32 to index
      %get3A_219 = arith.constant 48 : index
      %get3A_220 = tpu.vector_load %arg13[%get3A_218, %get3A_219] {strides = array<i32>} : memref<512x64xi32, #tpu.memory_space<vmem>>, vector<16xi32>,
      %bitcast3A_221 = vector.bitcast %get3A_220 : vector<16xi32> to vector<16xf32>
      %mul3A_222 = arith.mulf %bitcast3A_217, %bitcast3A_221 : vector<16xf32>
      %get3A_223 = arith.index_cast %add3A_169 : i32 to index
      %get3A_224 = arith.constant 48 : index
      %get3A_225 = tpu.vector_load %arg14[%get3A_223, %get3A_224] {strides = array<i32>} : memref<512x64xi32, #tpu.memory_space<vmem>>, vector<16xi32>,
      %bitcast3A_226 = vector.bitcast %get3A_225 : vector<16xi32> to vector<16xf32>
      %mul3A_227 = arith.mulf %mul3A_222, %bitcast3A_226 : vector<16xf32>
      %add3A_228 = arith.addf %add3A_213, %mul3A_227 : vector<16xf32>
      %eq3A_229 = arith.constant 2 : i32
      %eq3A_230 = vector.broadcast %eq3A_229 : i32 to vector<16xi32>
      %eq3A_231 = arith.cmpi eq, %iota3A, %eq3A_230 : vector<16xi32>
      %reduce_sum3A_232 = arith.constant true
      %reduce_sum3A_233 = vector.broadcast %reduce_sum3A_232 : i1 to vector<16xi1>
      %reduce_sum3A_234 = tpu.scan <sum>, %add3A_228 masked %reduce_sum3A_233 : vector<16xf32>, vector<16xi1> -> vector<16xf32>
      %reduce_sum3A_235 = vector.extract %reduce_sum3A_234[15] : f32 from vector<16xf32>
      %broadcast_in_dim3A_236 = vector.broadcast %reduce_sum3A_235 : f32 to vector<16xf32>
      %select_n3A_237 = arith.select %eq3A_231, %broadcast_in_dim3A_236, %select_n3A_167 : vector<16xi1>, vector<16xf32>
      %add3A_238 = arith.constant 3 : i32
      %add3A_239 = arith.addi %mul3A_32, %add3A_238 : i32
      %get3A_240 = arith.index_cast %add3A_239 : i32 to index
      %get3A_241 = arith.constant 0 : index
      %get3A_242 = tpu.vector_load %arg12[%get3A_240, %get3A_241] {strides = array<i32>} : memref<512x64xi32, #tpu.memory_space<vmem>>, vector<16xi32>,
      %bitcast3A_243 = vector.bitcast %get3A_242 : vector<16xi32> to vector<16xf32>
      %get3A_244 = arith.index_cast %add3A_239 : i32 to index
      %get3A_245 = arith.constant 0 : index
      %get3A_246 = tpu.vector_load %arg13[%get3A_244, %get3A_245] {strides = array<i32>} : memref<512x64xi32, #tpu.memory_space<vmem>>, vector<16xi32>,
      %bitcast3A_247 = vector.bitcast %get3A_246 : vector<16xi32> to vector<16xf32>
      %mul3A_248 = arith.mulf %bitcast3A_243, %bitcast3A_247 : vector<16xf32>
      %get3A_249 = arith.index_cast %add3A_239 : i32 to index
      %get3A_250 = arith.constant 0 : index
      %get3A_251 = tpu.vector_load %arg14[%get3A_249, %get3A_250] {strides = array<i32>} : memref<512x64xi32, #tpu.memory_space<vmem>>, vector<16xi32>,
      %bitcast3A_252 = vector.bitcast %get3A_251 : vector<16xi32> to vector<16xf32>
      %mul3A_253 = arith.mulf %mul3A_248, %bitcast3A_252 : vector<16xf32>
      %get3A_254 = arith.index_cast %add3A_239 : i32 to index
      %get3A_255 = arith.constant 16 : index
      %get3A_256 = tpu.vector_load %arg12[%get3A_254, %get3A_255] {strides = array<i32>} : memref<512x64xi32, #tpu.memory_space<vmem>>, vector<16xi32>,
      %bitcast3A_257 = vector.bitcast %get3A_256 : vector<16xi32> to vector<16xf32>
      %get3A_258 = arith.index_cast %add3A_239 : i32 to index
      %get3A_259 = arith.constant 16 : index
      %get3A_260 = tpu.vector_load %arg13[%get3A_258, %get3A_259] {strides = array<i32>} : memref<512x64xi32, #tpu.memory_space<vmem>>, vector<16xi32>,
      %bitcast3A_261 = vector.bitcast %get3A_260 : vector<16xi32> to vector<16xf32>
      %mul3A_262 = arith.mulf %bitcast3A_257, %bitcast3A_261 : vector<16xf32>
      %get3A_263 = arith.index_cast %add3A_239 : i32 to index
      %get3A_264 = arith.constant 16 : index
      %get3A_265 = tpu.vector_load %arg14[%get3A_263, %get3A_264] {strides = array<i32>} : memref<512x64xi32, #tpu.memory_space<vmem>>, vector<16xi32>,
      %bitcast3A_266 = vector.bitcast %get3A_265 : vector<16xi32> to vector<16xf32>
      %mul3A_267 = arith.mulf %mul3A_262, %bitcast3A_266 : vector<16xf32>
      %add3A_268 = arith.addf %mul3A_253, %mul3A_267 : vector<16xf32>
      %get3A_269 = arith.index_cast %add3A_239 : i32 to index
      %get3A_270 = arith.constant 32 : index
      %get3A_271 = tpu.vector_load %arg12[%get3A_269, %get3A_270] {strides = array<i32>} : memref<512x64xi32, #tpu.memory_space<vmem>>, vector<16xi32>,
      %bitcast3A_272 = vector.bitcast %get3A_271 : vector<16xi32> to vector<16xf32>
      %get3A_273 = arith.index_cast %add3A_239 : i32 to index
      %get3A_274 = arith.constant 32 : index
      %get3A_275 = tpu.vector_load %arg13[%get3A_273, %get3A_274] {strides = array<i32>} : memref<512x64xi32, #tpu.memory_space<vmem>>, vector<16xi32>,
      %bitcast3A_276 = vector.bitcast %get3A_275 : vector<16xi32> to vector<16xf32>
      %mul3A_277 = arith.mulf %bitcast3A_272, %bitcast3A_276 : vector<16xf32>
      %get3A_278 = arith.index_cast %add3A_239 : i32 to index
      %get3A_279 = arith.constant 32 : index
      %get3A_280 = tpu.vector_load %arg14[%get3A_278, %get3A_279] {strides = array<i32>} : memref<512x64xi32, #tpu.memory_space<vmem>>, vector<16xi32>,
      %bitcast3A_281 = vector.bitcast %get3A_280 : vector<16xi32> to vector<16xf32>
      %mul3A_282 = arith.mulf %mul3A_277, %bitcast3A_281 : vector<16xf32>
      %add3A_283 = arith.addf %add3A_268, %mul3A_282 : vector<16xf32>
      %get3A_284 = arith.index_cast %add3A_239 : i32 to index
      %get3A_285 = arith.constant 48 : index
      %get3A_286 = tpu.vector_load %arg12[%get3A_284, %get3A_285] {strides = array<i32>} : memref<512x64xi32, #tpu.memory_space<vmem>>, vector<16xi32>,
      %bitcast3A_287 = vector.bitcast %get3A_286 : vector<16xi32> to vector<16xf32>
      %get3A_288 = arith.index_cast %add3A_239 : i32 to index
      %get3A_289 = arith.constant 48 : index
      %get3A_290 = tpu.vector_load %arg13[%get3A_288, %get3A_289] {strides = array<i32>} : memref<512x64xi32, #tpu.memory_space<vmem>>, vector<16xi32>,
      %bitcast3A_291 = vector.bitcast %get3A_290 : vector<16xi32> to vector<16xf32>
      %mul3A_292 = arith.mulf %bitcast3A_287, %bitcast3A_291 : vector<16xf32>
      %get3A_293 = arith.index_cast %add3A_239 : i32 to index
      %get3A_294 = arith.constant 48 : index
      %get3A_295 = tpu.vector_load %arg14[%get3A_293, %get3A_294] {strides = array<i32>} : memref<512x64xi32, #tpu.memory_space<vmem>>, vector<16xi32>,
      %bitcast3A_296 = vector.bitcast %get3A_295 : vector<16xi32> to vector<16xf32>
      %mul3A_297 = arith.mulf %mul3A_292, %bitcast3A_296 : vector<16xf32>
      %add3A_298 = arith.addf %add3A_283, %mul3A_297 : vector<16xf32>
      %eq3A_299 = arith.constant 3 : i32
      %eq3A_300 = vector.broadcast %eq3A_299 : i32 to vector<16xi32>
      %eq3A_301 = arith.cmpi eq, %iota3A, %eq3A_300 : vector<16xi32>
      %reduce_sum3A_302 = arith.constant true
      %reduce_sum3A_303 = vector.broadcast %reduce_sum3A_302 : i1 to vector<16xi1>
      %reduce_sum3A_304 = tpu.scan <sum>, %add3A_298 masked %reduce_sum3A_303 : vector<16xf32>, vector<16xi1> -> vector<16xf32>
      %reduce_sum3A_305 = vector.extract %reduce_sum3A_304[15] : f32 from vector<16xf32>
      %broadcast_in_dim3A_306 = vector.broadcast %reduce_sum3A_305 : f32 to vector<16xf32>
      %select_n3A_307 = arith.select %eq3A_301, %broadcast_in_dim3A_306, %select_n3A_237 : vector<16xi1>, vector<16xf32>
      %add3A_308 = arith.constant 4 : i32
      %add3A_309 = arith.addi %mul3A_32, %add3A_308 : i32
      %get3A_310 = arith.index_cast %add3A_309 : i32 to index
      %get3A_311 = arith.constant 0 : index
      %get3A_312 = tpu.vector_load %arg12[%get3A_310, %get3A_311] {strides = array<i32>} : memref<512x64xi32, #tpu.memory_space<vmem>>, vector<16xi32>,
      %bitcast3A_313 = vector.bitcast %get3A_312 : vector<16xi32> to vector<16xf32>
      %get3A_314 = arith.index_cast %add3A_309 : i32 to index
      %get3A_315 = arith.constant 0 : index
      %get3A_316 = tpu.vector_load %arg13[%get3A_314, %get3A_315] {strides = array<i32>} : memref<512x64xi32, #tpu.memory_space<vmem>>, vector<16xi32>,
      %bitcast3A_317 = vector.bitcast %get3A_316 : vector<16xi32> to vector<16xf32>
      %mul3A_318 = arith.mulf %bitcast3A_313, %bitcast3A_317 : vector<16xf32>
      %get3A_319 = arith.index_cast %add3A_309 : i32 to index
      %get3A_320 = arith.constant 0 : index
      %get3A_321 = tpu.vector_load %arg14[%get3A_319, %get3A_320] {strides = array<i32>} : memref<512x64xi32, #tpu.memory_space<vmem>>, vector<16xi32>,
      %bitcast3A_322 = vector.bitcast %get3A_321 : vector<16xi32> to vector<16xf32>
      %mul3A_323 = arith.mulf %mul3A_318, %bitcast3A_322 : vector<16xf32>
      %get3A_324 = arith.index_cast %add3A_309 : i32 to index
      %get3A_325 = arith.constant 16 : index
      %get3A_326 = tpu.vector_load %arg12[%get3A_324, %get3A_325] {strides = array<i32>} : memref<512x64xi32, #tpu.memory_space<vmem>>, vector<16xi32>,
      %bitcast3A_327 = vector.bitcast %get3A_326 : vector<16xi32> to vector<16xf32>
      %get3A_328 = arith.index_cast %add3A_309 : i32 to index
      %get3A_329 = arith.constant 16 : index
      %get3A_330 = tpu.vector_load %arg13[%get3A_328, %get3A_329] {strides = array<i32>} : memref<512x64xi32, #tpu.memory_space<vmem>>, vector<16xi32>,
      %bitcast3A_331 = vector.bitcast %get3A_330 : vector<16xi32> to vector<16xf32>
      %mul3A_332 = arith.mulf %bitcast3A_327, %bitcast3A_331 : vector<16xf32>
      %get3A_333 = arith.index_cast %add3A_309 : i32 to index
      %get3A_334 = arith.constant 16 : index
      %get3A_335 = tpu.vector_load %arg14[%get3A_333, %get3A_334] {strides = array<i32>} : memref<512x64xi32, #tpu.memory_space<vmem>>, vector<16xi32>,
      %bitcast3A_336 = vector.bitcast %get3A_335 : vector<16xi32> to vector<16xf32>
      %mul3A_337 = arith.mulf %mul3A_332, %bitcast3A_336 : vector<16xf32>
      %add3A_338 = arith.addf %mul3A_323, %mul3A_337 : vector<16xf32>
      %get3A_339 = arith.index_cast %add3A_309 : i32 to index
      %get3A_340 = arith.constant 32 : index
      %get3A_341 = tpu.vector_load %arg12[%get3A_339, %get3A_340] {strides = array<i32>} : memref<512x64xi32, #tpu.memory_space<vmem>>, vector<16xi32>,
      %bitcast3A_342 = vector.bitcast %get3A_341 : vector<16xi32> to vector<16xf32>
      %get3A_343 = arith.index_cast %add3A_309 : i32 to index
      %get3A_344 = arith.constant 32 : index
      %get3A_345 = tpu.vector_load %arg13[%get3A_343, %get3A_344] {strides = array<i32>} : memref<512x64xi32, #tpu.memory_space<vmem>>, vector<16xi32>,
      %bitcast3A_346 = vector.bitcast %get3A_345 : vector<16xi32> to vector<16xf32>
      %mul3A_347 = arith.mulf %bitcast3A_342, %bitcast3A_346 : vector<16xf32>
      %get3A_348 = arith.index_cast %add3A_309 : i32 to index
      %get3A_349 = arith.constant 32 : index
      %get3A_350 = tpu.vector_load %arg14[%get3A_348, %get3A_349] {strides = array<i32>} : memref<512x64xi32, #tpu.memory_space<vmem>>, vector<16xi32>,
      %bitcast3A_351 = vector.bitcast %get3A_350 : vector<16xi32> to vector<16xf32>
      %mul3A_352 = arith.mulf %mul3A_347, %bitcast3A_351 : vector<16xf32>
      %add3A_353 = arith.addf %add3A_338, %mul3A_352 : vector<16xf32>
      %get3A_354 = arith.index_cast %add3A_309 : i32 to index
      %get3A_355 = arith.constant 48 : index
      %get3A_356 = tpu.vector_load %arg12[%get3A_354, %get3A_355] {strides = array<i32>} : memref<512x64xi32, #tpu.memory_space<vmem>>, vector<16xi32>,
      %bitcast3A_357 = vector.bitcast %get3A_356 : vector<16xi32> to vector<16xf32>
      %get3A_358 = arith.index_cast %add3A_309 : i32 to index
      %get3A_359 = arith.constant 48 : index
      %get3A_360 = tpu.vector_load %arg13[%get3A_358, %get3A_359] {strides = array<i32>} : memref<512x64xi32, #tpu.memory_space<vmem>>, vector<16xi32>,
      %bitcast3A_361 = vector.bitcast %get3A_360 : vector<16xi32> to vector<16xf32>
      %mul3A_362 = arith.mulf %bitcast3A_357, %bitcast3A_361 : vector<16xf32>
      %get3A_363 = arith.index_cast %add3A_309 : i32 to index
      %get3A_364 = arith.constant 48 : index
      %get3A_365 = tpu.vector_load %arg14[%get3A_363, %get3A_364] {strides = array<i32>} : memref<512x64xi32, #tpu.memory_space<vmem>>, vector<16xi32>,
      %bitcast3A_366 = vector.bitcast %get3A_365 : vector<16xi32> to vector<16xf32>
      %mul3A_367 = arith.mulf %mul3A_362, %bitcast3A_366 : vector<16xf32>
      %add3A_368 = arith.addf %add3A_353, %mul3A_367 : vector<16xf32>
      %eq3A_369 = arith.constant 4 : i32
      %eq3A_370 = vector.broadcast %eq3A_369 : i32 to vector<16xi32>
      %eq3A_371 = arith.cmpi eq, %iota3A, %eq3A_370 : vector<16xi32>
      %reduce_sum3A_372 = arith.constant true
      %reduce_sum3A_373 = vector.broadcast %reduce_sum3A_372 : i1 to vector<16xi1>
      %reduce_sum3A_374 = tpu.scan <sum>, %add3A_368 masked %reduce_sum3A_373 : vector<16xf32>, vector<16xi1> -> vector<16xf32>
      %reduce_sum3A_375 = vector.extract %reduce_sum3A_374[15] : f32 from vector<16xf32>
      %broadcast_in_dim3A_376 = vector.broadcast %reduce_sum3A_375 : f32 to vector<16xf32>
      %select_n3A_377 = arith.select %eq3A_371, %broadcast_in_dim3A_376, %select_n3A_307 : vector<16xi1>, vector<16xf32>
      %add3A_378 = arith.constant 5 : i32
      %add3A_379 = arith.addi %mul3A_32, %add3A_378 : i32
      %get3A_380 = arith.index_cast %add3A_379 : i32 to index
      %get3A_381 = arith.constant 0 : index
      %get3A_382 = tpu.vector_load %arg12[%get3A_380, %get3A_381] {strides = array<i32>} : memref<512x64xi32, #tpu.memory_space<vmem>>, vector<16xi32>,
      %bitcast3A_383 = vector.bitcast %get3A_382 : vector<16xi32> to vector<16xf32>
      %get3A_384 = arith.index_cast %add3A_379 : i32 to index
      %get3A_385 = arith.constant 0 : index
      %get3A_386 = tpu.vector_load %arg13[%get3A_384, %get3A_385] {strides = array<i32>} : memref<512x64xi32, #tpu.memory_space<vmem>>, vector<16xi32>,
      %bitcast3A_387 = vector.bitcast %get3A_386 : vector<16xi32> to vector<16xf32>
      %mul3A_388 = arith.mulf %bitcast3A_383, %bitcast3A_387 : vector<16xf32>
      %get3A_389 = arith.index_cast %add3A_379 : i32 to index
      %get3A_390 = arith.constant 0 : index
      %get3A_391 = tpu.vector_load %arg14[%get3A_389, %get3A_390] {strides = array<i32>} : memref<512x64xi32, #tpu.memory_space<vmem>>, vector<16xi32>,
      %bitcast3A_392 = vector.bitcast %get3A_391 : vector<16xi32> to vector<16xf32>
      %mul3A_393 = arith.mulf %mul3A_388, %bitcast3A_392 : vector<16xf32>
      %get3A_394 = arith.index_cast %add3A_379 : i32 to index
      %get3A_395 = arith.constant 16 : index
      %get3A_396 = tpu.vector_load %arg12[%get3A_394, %get3A_395] {strides = array<i32>} : memref<512x64xi32, #tpu.memory_space<vmem>>, vector<16xi32>,
      %bitcast3A_397 = vector.bitcast %get3A_396 : vector<16xi32> to vector<16xf32>
      %get3A_398 = arith.index_cast %add3A_379 : i32 to index
      %get3A_399 = arith.constant 16 : index
      %get3A_400 = tpu.vector_load %arg13[%get3A_398, %get3A_399] {strides = array<i32>} : memref<512x64xi32, #tpu.memory_space<vmem>>, vector<16xi32>,
      %bitcast3A_401 = vector.bitcast %get3A_400 : vector<16xi32> to vector<16xf32>
      %mul3A_402 = arith.mulf %bitcast3A_397, %bitcast3A_401 : vector<16xf32>
      %get3A_403 = arith.index_cast %add3A_379 : i32 to index
      %get3A_404 = arith.constant 16 : index
      %get3A_405 = tpu.vector_load %arg14[%get3A_403, %get3A_404] {strides = array<i32>} : memref<512x64xi32, #tpu.memory_space<vmem>>, vector<16xi32>,
      %bitcast3A_406 = vector.bitcast %get3A_405 : vector<16xi32> to vector<16xf32>
      %mul3A_407 = arith.mulf %mul3A_402, %bitcast3A_406 : vector<16xf32>
      %add3A_408 = arith.addf %mul3A_393, %mul3A_407 : vector<16xf32>
      %get3A_409 = arith.index_cast %add3A_379 : i32 to index
      %get3A_410 = arith.constant 32 : index
      %get3A_411 = tpu.vector_load %arg12[%get3A_409, %get3A_410] {strides = array<i32>} : memref<512x64xi32, #tpu.memory_space<vmem>>, vector<16xi32>,
      %bitcast3A_412 = vector.bitcast %get3A_411 : vector<16xi32> to vector<16xf32>
      %get3A_413 = arith.index_cast %add3A_379 : i32 to index
      %get3A_414 = arith.constant 32 : index
      %get3A_415 = tpu.vector_load %arg13[%get3A_413, %get3A_414] {strides = array<i32>} : memref<512x64xi32, #tpu.memory_space<vmem>>, vector<16xi32>,
      %bitcast3A_416 = vector.bitcast %get3A_415 : vector<16xi32> to vector<16xf32>
      %mul3A_417 = arith.mulf %bitcast3A_412, %bitcast3A_416 : vector<16xf32>
      %get3A_418 = arith.index_cast %add3A_379 : i32 to index
      %get3A_419 = arith.constant 32 : index
      %get3A_420 = tpu.vector_load %arg14[%get3A_418, %get3A_419] {strides = array<i32>} : memref<512x64xi32, #tpu.memory_space<vmem>>, vector<16xi32>,
      %bitcast3A_421 = vector.bitcast %get3A_420 : vector<16xi32> to vector<16xf32>
      %mul3A_422 = arith.mulf %mul3A_417, %bitcast3A_421 : vector<16xf32>
      %add3A_423 = arith.addf %add3A_408, %mul3A_422 : vector<16xf32>
      %get3A_424 = arith.index_cast %add3A_379 : i32 to index
      %get3A_425 = arith.constant 48 : index
      %get3A_426 = tpu.vector_load %arg12[%get3A_424, %get3A_425] {strides = array<i32>} : memref<512x64xi32, #tpu.memory_space<vmem>>, vector<16xi32>,
      %bitcast3A_427 = vector.bitcast %get3A_426 : vector<16xi32> to vector<16xf32>
      %get3A_428 = arith.index_cast %add3A_379 : i32 to index
      %get3A_429 = arith.constant 48 : index
      %get3A_430 = tpu.vector_load %arg13[%get3A_428, %get3A_429] {strides = array<i32>} : memref<512x64xi32, #tpu.memory_space<vmem>>, vector<16xi32>,
      %bitcast3A_431 = vector.bitcast %get3A_430 : vector<16xi32> to vector<16xf32>
      %mul3A_432 = arith.mulf %bitcast3A_427, %bitcast3A_431 : vector<16xf32>
      %get3A_433 = arith.index_cast %add3A_379 : i32 to index
      %get3A_434 = arith.constant 48 : index
      %get3A_435 = tpu.vector_load %arg14[%get3A_433, %get3A_434] {strides = array<i32>} : memref<512x64xi32, #tpu.memory_space<vmem>>, vector<16xi32>,
      %bitcast3A_436 = vector.bitcast %get3A_435 : vector<16xi32> to vector<16xf32>
      %mul3A_437 = arith.mulf %mul3A_432, %bitcast3A_436 : vector<16xf32>
      %add3A_438 = arith.addf %add3A_423, %mul3A_437 : vector<16xf32>
      %eq3A_439 = arith.constant 5 : i32
      %eq3A_440 = vector.broadcast %eq3A_439 : i32 to vector<16xi32>
      %eq3A_441 = arith.cmpi eq, %iota3A, %eq3A_440 : vector<16xi32>
      %reduce_sum3A_442 = arith.constant true
      %reduce_sum3A_443 = vector.broadcast %reduce_sum3A_442 : i1 to vector<16xi1>
      %reduce_sum3A_444 = tpu.scan <sum>, %add3A_438 masked %reduce_sum3A_443 : vector<16xf32>, vector<16xi1> -> vector<16xf32>
      %reduce_sum3A_445 = vector.extract %reduce_sum3A_444[15] : f32 from vector<16xf32>
      %broadcast_in_dim3A_446 = vector.broadcast %reduce_sum3A_445 : f32 to vector<16xf32>
      %select_n3A_447 = arith.select %eq3A_441, %broadcast_in_dim3A_446, %select_n3A_377 : vector<16xi1>, vector<16xf32>
      %add3A_448 = arith.constant 6 : i32
      %add3A_449 = arith.addi %mul3A_32, %add3A_448 : i32
      %get3A_450 = arith.index_cast %add3A_449 : i32 to index
      %get3A_451 = arith.constant 0 : index
      %get3A_452 = tpu.vector_load %arg12[%get3A_450, %get3A_451] {strides = array<i32>} : memref<512x64xi32, #tpu.memory_space<vmem>>, vector<16xi32>,
      %bitcast3A_453 = vector.bitcast %get3A_452 : vector<16xi32> to vector<16xf32>
      %get3A_454 = arith.index_cast %add3A_449 : i32 to index
      %get3A_455 = arith.constant 0 : index
      %get3A_456 = tpu.vector_load %arg13[%get3A_454, %get3A_455] {strides = array<i32>} : memref<512x64xi32, #tpu.memory_space<vmem>>, vector<16xi32>,
      %bitcast3A_457 = vector.bitcast %get3A_456 : vector<16xi32> to vector<16xf32>
      %mul3A_458 = arith.mulf %bitcast3A_453, %bitcast3A_457 : vector<16xf32>
      %get3A_459 = arith.index_cast %add3A_449 : i32 to index
      %get3A_460 = arith.constant 0 : index
      %get3A_461 = tpu.vector_load %arg14[%get3A_459, %get3A_460] {strides = array<i32>} : memref<512x64xi32, #tpu.memory_space<vmem>>, vector<16xi32>,
      %bitcast3A_462 = vector.bitcast %get3A_461 : vector<16xi32> to vector<16xf32>
      %mul3A_463 = arith.mulf %mul3A_458, %bitcast3A_462 : vector<16xf32>
      %get3A_464 = arith.index_cast %add3A_449 : i32 to index
      %get3A_465 = arith.constant 16 : index
      %get3A_466 = tpu.vector_load %arg12[%get3A_464, %get3A_465] {strides = array<i32>} : memref<512x64xi32, #tpu.memory_space<vmem>>, vector<16xi32>,
      %bitcast3A_467 = vector.bitcast %get3A_466 : vector<16xi32> to vector<16xf32>
      %get3A_468 = arith.index_cast %add3A_449 : i32 to index
      %get3A_469 = arith.constant 16 : index
      %get3A_470 = tpu.vector_load %arg13[%get3A_468, %get3A_469] {strides = array<i32>} : memref<512x64xi32, #tpu.memory_space<vmem>>, vector<16xi32>,
      %bitcast3A_471 = vector.bitcast %get3A_470 : vector<16xi32> to vector<16xf32>
      %mul3A_472 = arith.mulf %bitcast3A_467, %bitcast3A_471 : vector<16xf32>
      %get3A_473 = arith.index_cast %add3A_449 : i32 to index
      %get3A_474 = arith.constant 16 : index
      %get3A_475 = tpu.vector_load %arg14[%get3A_473, %get3A_474] {strides = array<i32>} : memref<512x64xi32, #tpu.memory_space<vmem>>, vector<16xi32>,
      %bitcast3A_476 = vector.bitcast %get3A_475 : vector<16xi32> to vector<16xf32>
      %mul3A_477 = arith.mulf %mul3A_472, %bitcast3A_476 : vector<16xf32>
      %add3A_478 = arith.addf %mul3A_463, %mul3A_477 : vector<16xf32>
      %get3A_479 = arith.index_cast %add3A_449 : i32 to index
      %get3A_480 = arith.constant 32 : index
      %get3A_481 = tpu.vector_load %arg12[%get3A_479, %get3A_480] {strides = array<i32>} : memref<512x64xi32, #tpu.memory_space<vmem>>, vector<16xi32>,
      %bitcast3A_482 = vector.bitcast %get3A_481 : vector<16xi32> to vector<16xf32>
      %get3A_483 = arith.index_cast %add3A_449 : i32 to index
      %get3A_484 = arith.constant 32 : index
      %get3A_485 = tpu.vector_load %arg13[%get3A_483, %get3A_484] {strides = array<i32>} : memref<512x64xi32, #tpu.memory_space<vmem>>, vector<16xi32>,
      %bitcast3A_486 = vector.bitcast %get3A_485 : vector<16xi32> to vector<16xf32>
      %mul3A_487 = arith.mulf %bitcast3A_482, %bitcast3A_486 : vector<16xf32>
      %get3A_488 = arith.index_cast %add3A_449 : i32 to index
      %get3A_489 = arith.constant 32 : index
      %get3A_490 = tpu.vector_load %arg14[%get3A_488, %get3A_489] {strides = array<i32>} : memref<512x64xi32, #tpu.memory_space<vmem>>, vector<16xi32>,
      %bitcast3A_491 = vector.bitcast %get3A_490 : vector<16xi32> to vector<16xf32>
      %mul3A_492 = arith.mulf %mul3A_487, %bitcast3A_491 : vector<16xf32>
      %add3A_493 = arith.addf %add3A_478, %mul3A_492 : vector<16xf32>
      %get3A_494 = arith.index_cast %add3A_449 : i32 to index
      %get3A_495 = arith.constant 48 : index
      %get3A_496 = tpu.vector_load %arg12[%get3A_494, %get3A_495] {strides = array<i32>} : memref<512x64xi32, #tpu.memory_space<vmem>>, vector<16xi32>,
      %bitcast3A_497 = vector.bitcast %get3A_496 : vector<16xi32> to vector<16xf32>
      %get3A_498 = arith.index_cast %add3A_449 : i32 to index
      %get3A_499 = arith.constant 48 : index
      %get3A_500 = tpu.vector_load %arg13[%get3A_498, %get3A_499] {strides = array<i32>} : memref<512x64xi32, #tpu.memory_space<vmem>>, vector<16xi32>,
      %bitcast3A_501 = vector.bitcast %get3A_500 : vector<16xi32> to vector<16xf32>
      %mul3A_502 = arith.mulf %bitcast3A_497, %bitcast3A_501 : vector<16xf32>
      %get3A_503 = arith.index_cast %add3A_449 : i32 to index
      %get3A_504 = arith.constant 48 : index
      %get3A_505 = tpu.vector_load %arg14[%get3A_503, %get3A_504] {strides = array<i32>} : memref<512x64xi32, #tpu.memory_space<vmem>>, vector<16xi32>,
      %bitcast3A_506 = vector.bitcast %get3A_505 : vector<16xi32> to vector<16xf32>
      %mul3A_507 = arith.mulf %mul3A_502, %bitcast3A_506 : vector<16xf32>
      %add3A_508 = arith.addf %add3A_493, %mul3A_507 : vector<16xf32>
      %eq3A_509 = arith.constant 6 : i32
      %eq3A_510 = vector.broadcast %eq3A_509 : i32 to vector<16xi32>
      %eq3A_511 = arith.cmpi eq, %iota3A, %eq3A_510 : vector<16xi32>
      %reduce_sum3A_512 = arith.constant true
      %reduce_sum3A_513 = vector.broadcast %reduce_sum3A_512 : i1 to vector<16xi1>
      %reduce_sum3A_514 = tpu.scan <sum>, %add3A_508 masked %reduce_sum3A_513 : vector<16xf32>, vector<16xi1> -> vector<16xf32>
      %reduce_sum3A_515 = vector.extract %reduce_sum3A_514[15] : f32 from vector<16xf32>
      %broadcast_in_dim3A_516 = vector.broadcast %reduce_sum3A_515 : f32 to vector<16xf32>
      %select_n3A_517 = arith.select %eq3A_511, %broadcast_in_dim3A_516, %select_n3A_447 : vector<16xi1>, vector<16xf32>
      %add3A_518 = arith.constant 7 : i32
      %add3A_519 = arith.addi %mul3A_32, %add3A_518 : i32
      %get3A_520 = arith.index_cast %add3A_519 : i32 to index
      %get3A_521 = arith.constant 0 : index
      %get3A_522 = tpu.vector_load %arg12[%get3A_520, %get3A_521] {strides = array<i32>} : memref<512x64xi32, #tpu.memory_space<vmem>>, vector<16xi32>,
      %bitcast3A_523 = vector.bitcast %get3A_522 : vector<16xi32> to vector<16xf32>
      %get3A_524 = arith.index_cast %add3A_519 : i32 to index
      %get3A_525 = arith.constant 0 : index
      %get3A_526 = tpu.vector_load %arg13[%get3A_524, %get3A_525] {strides = array<i32>} : memref<512x64xi32, #tpu.memory_space<vmem>>, vector<16xi32>,
      %bitcast3A_527 = vector.bitcast %get3A_526 : vector<16xi32> to vector<16xf32>
      %mul3A_528 = arith.mulf %bitcast3A_523, %bitcast3A_527 : vector<16xf32>
      %get3A_529 = arith.index_cast %add3A_519 : i32 to index
      %get3A_530 = arith.constant 0 : index
      %get3A_531 = tpu.vector_load %arg14[%get3A_529, %get3A_530] {strides = array<i32>} : memref<512x64xi32, #tpu.memory_space<vmem>>, vector<16xi32>,
      %bitcast3A_532 = vector.bitcast %get3A_531 : vector<16xi32> to vector<16xf32>
      %mul3A_533 = arith.mulf %mul3A_528, %bitcast3A_532 : vector<16xf32>
      %get3A_534 = arith.index_cast %add3A_519 : i32 to index
      %get3A_535 = arith.constant 16 : index
      %get3A_536 = tpu.vector_load %arg12[%get3A_534, %get3A_535] {strides = array<i32>} : memref<512x64xi32, #tpu.memory_space<vmem>>, vector<16xi32>,
      %bitcast3A_537 = vector.bitcast %get3A_536 : vector<16xi32> to vector<16xf32>
      %get3A_538 = arith.index_cast %add3A_519 : i32 to index
      %get3A_539 = arith.constant 16 : index
      %get3A_540 = tpu.vector_load %arg13[%get3A_538, %get3A_539] {strides = array<i32>} : memref<512x64xi32, #tpu.memory_space<vmem>>, vector<16xi32>,
      %bitcast3A_541 = vector.bitcast %get3A_540 : vector<16xi32> to vector<16xf32>
      %mul3A_542 = arith.mulf %bitcast3A_537, %bitcast3A_541 : vector<16xf32>
      %get3A_543 = arith.index_cast %add3A_519 : i32 to index
      %get3A_544 = arith.constant 16 : index
      %get3A_545 = tpu.vector_load %arg14[%get3A_543, %get3A_544] {strides = array<i32>} : memref<512x64xi32, #tpu.memory_space<vmem>>, vector<16xi32>,
      %bitcast3A_546 = vector.bitcast %get3A_545 : vector<16xi32> to vector<16xf32>
      %mul3A_547 = arith.mulf %mul3A_542, %bitcast3A_546 : vector<16xf32>
      %add3A_548 = arith.addf %mul3A_533, %mul3A_547 : vector<16xf32>
      %get3A_549 = arith.index_cast %add3A_519 : i32 to index
      %get3A_550 = arith.constant 32 : index
      %get3A_551 = tpu.vector_load %arg12[%get3A_549, %get3A_550] {strides = array<i32>} : memref<512x64xi32, #tpu.memory_space<vmem>>, vector<16xi32>,
      %bitcast3A_552 = vector.bitcast %get3A_551 : vector<16xi32> to vector<16xf32>
      %get3A_553 = arith.index_cast %add3A_519 : i32 to index
      %get3A_554 = arith.constant 32 : index
      %get3A_555 = tpu.vector_load %arg13[%get3A_553, %get3A_554] {strides = array<i32>} : memref<512x64xi32, #tpu.memory_space<vmem>>, vector<16xi32>,
      %bitcast3A_556 = vector.bitcast %get3A_555 : vector<16xi32> to vector<16xf32>
      %mul3A_557 = arith.mulf %bitcast3A_552, %bitcast3A_556 : vector<16xf32>
      %get3A_558 = arith.index_cast %add3A_519 : i32 to index
      %get3A_559 = arith.constant 32 : index
      %get3A_560 = tpu.vector_load %arg14[%get3A_558, %get3A_559] {strides = array<i32>} : memref<512x64xi32, #tpu.memory_space<vmem>>, vector<16xi32>,
      %bitcast3A_561 = vector.bitcast %get3A_560 : vector<16xi32> to vector<16xf32>
      %mul3A_562 = arith.mulf %mul3A_557, %bitcast3A_561 : vector<16xf32>
      %add3A_563 = arith.addf %add3A_548, %mul3A_562 : vector<16xf32>
      %get3A_564 = arith.index_cast %add3A_519 : i32 to index
      %get3A_565 = arith.constant 48 : index
      %get3A_566 = tpu.vector_load %arg12[%get3A_564, %get3A_565] {strides = array<i32>} : memref<512x64xi32, #tpu.memory_space<vmem>>, vector<16xi32>,
      %bitcast3A_567 = vector.bitcast %get3A_566 : vector<16xi32> to vector<16xf32>
      %get3A_568 = arith.index_cast %add3A_519 : i32 to index
      %get3A_569 = arith.constant 48 : index
      %get3A_570 = tpu.vector_load %arg13[%get3A_568, %get3A_569] {strides = array<i32>} : memref<512x64xi32, #tpu.memory_space<vmem>>, vector<16xi32>,
      %bitcast3A_571 = vector.bitcast %get3A_570 : vector<16xi32> to vector<16xf32>
      %mul3A_572 = arith.mulf %bitcast3A_567, %bitcast3A_571 : vector<16xf32>
      %get3A_573 = arith.index_cast %add3A_519 : i32 to index
      %get3A_574 = arith.constant 48 : index
      %get3A_575 = tpu.vector_load %arg14[%get3A_573, %get3A_574] {strides = array<i32>} : memref<512x64xi32, #tpu.memory_space<vmem>>, vector<16xi32>,
      %bitcast3A_576 = vector.bitcast %get3A_575 : vector<16xi32> to vector<16xf32>
      %mul3A_577 = arith.mulf %mul3A_572, %bitcast3A_576 : vector<16xf32>
      %add3A_578 = arith.addf %add3A_563, %mul3A_577 : vector<16xf32>
      %eq3A_579 = arith.constant 7 : i32
      %eq3A_580 = vector.broadcast %eq3A_579 : i32 to vector<16xi32>
      %eq3A_581 = arith.cmpi eq, %iota3A, %eq3A_580 : vector<16xi32>
      %reduce_sum3A_582 = arith.constant true
      %reduce_sum3A_583 = vector.broadcast %reduce_sum3A_582 : i1 to vector<16xi1>
      %reduce_sum3A_584 = tpu.scan <sum>, %add3A_578 masked %reduce_sum3A_583 : vector<16xf32>, vector<16xi1> -> vector<16xf32>
      %reduce_sum3A_585 = vector.extract %reduce_sum3A_584[15] : f32 from vector<16xf32>
      %broadcast_in_dim3A_586 = vector.broadcast %reduce_sum3A_585 : f32 to vector<16xf32>
      %select_n3A_587 = arith.select %eq3A_581, %broadcast_in_dim3A_586, %select_n3A_517 : vector<16xi1>, vector<16xf32>
      %add3A_588 = arith.constant 8 : i32
      %add3A_589 = arith.addi %mul3A_32, %add3A_588 : i32
      %get3A_590 = arith.index_cast %add3A_589 : i32 to index
      %get3A_591 = arith.constant 0 : index
      %get3A_592 = tpu.vector_load %arg12[%get3A_590, %get3A_591] {strides = array<i32>} : memref<512x64xi32, #tpu.memory_space<vmem>>, vector<16xi32>,
      %bitcast3A_593 = vector.bitcast %get3A_592 : vector<16xi32> to vector<16xf32>
      %get3A_594 = arith.index_cast %add3A_589 : i32 to index
      %get3A_595 = arith.constant 0 : index
      %get3A_596 = tpu.vector_load %arg13[%get3A_594, %get3A_595] {strides = array<i32>} : memref<512x64xi32, #tpu.memory_space<vmem>>, vector<16xi32>,
      %bitcast3A_597 = vector.bitcast %get3A_596 : vector<16xi32> to vector<16xf32>
      %mul3A_598 = arith.mulf %bitcast3A_593, %bitcast3A_597 : vector<16xf32>
      %get3A_599 = arith.index_cast %add3A_589 : i32 to index
      %get3A_600 = arith.constant 0 : index
      %get3A_601 = tpu.vector_load %arg14[%get3A_599, %get3A_600] {strides = array<i32>} : memref<512x64xi32, #tpu.memory_space<vmem>>, vector<16xi32>,
      %bitcast3A_602 = vector.bitcast %get3A_601 : vector<16xi32> to vector<16xf32>
      %mul3A_603 = arith.mulf %mul3A_598, %bitcast3A_602 : vector<16xf32>
      %get3A_604 = arith.index_cast %add3A_589 : i32 to index
      %get3A_605 = arith.constant 16 : index
      %get3A_606 = tpu.vector_load %arg12[%get3A_604, %get3A_605] {strides = array<i32>} : memref<512x64xi32, #tpu.memory_space<vmem>>, vector<16xi32>,
      %bitcast3A_607 = vector.bitcast %get3A_606 : vector<16xi32> to vector<16xf32>
      %get3A_608 = arith.index_cast %add3A_589 : i32 to index
      %get3A_609 = arith.constant 16 : index
      %get3A_610 = tpu.vector_load %arg13[%get3A_608, %get3A_609] {strides = array<i32>} : memref<512x64xi32, #tpu.memory_space<vmem>>, vector<16xi32>,
      %bitcast3A_611 = vector.bitcast %get3A_610 : vector<16xi32> to vector<16xf32>
      %mul3A_612 = arith.mulf %bitcast3A_607, %bitcast3A_611 : vector<16xf32>
      %get3A_613 = arith.index_cast %add3A_589 : i32 to index
      %get3A_614 = arith.constant 16 : index
      %get3A_615 = tpu.vector_load %arg14[%get3A_613, %get3A_614] {strides = array<i32>} : memref<512x64xi32, #tpu.memory_space<vmem>>, vector<16xi32>,
      %bitcast3A_616 = vector.bitcast %get3A_615 : vector<16xi32> to vector<16xf32>
      %mul3A_617 = arith.mulf %mul3A_612, %bitcast3A_616 : vector<16xf32>
      %add3A_618 = arith.addf %mul3A_603, %mul3A_617 : vector<16xf32>
      %get3A_619 = arith.index_cast %add3A_589 : i32 to index
      %get3A_620 = arith.constant 32 : index
      %get3A_621 = tpu.vector_load %arg12[%get3A_619, %get3A_620] {strides = array<i32>} : memref<512x64xi32, #tpu.memory_space<vmem>>, vector<16xi32>,
      %bitcast3A_622 = vector.bitcast %get3A_621 : vector<16xi32> to vector<16xf32>
      %get3A_623 = arith.index_cast %add3A_589 : i32 to index
      %get3A_624 = arith.constant 32 : index
      %get3A_625 = tpu.vector_load %arg13[%get3A_623, %get3A_624] {strides = array<i32>} : memref<512x64xi32, #tpu.memory_space<vmem>>, vector<16xi32>,
      %bitcast3A_626 = vector.bitcast %get3A_625 : vector<16xi32> to vector<16xf32>
      %mul3A_627 = arith.mulf %bitcast3A_622, %bitcast3A_626 : vector<16xf32>
      %get3A_628 = arith.index_cast %add3A_589 : i32 to index
      %get3A_629 = arith.constant 32 : index
      %get3A_630 = tpu.vector_load %arg14[%get3A_628, %get3A_629] {strides = array<i32>} : memref<512x64xi32, #tpu.memory_space<vmem>>, vector<16xi32>,
      %bitcast3A_631 = vector.bitcast %get3A_630 : vector<16xi32> to vector<16xf32>
      %mul3A_632 = arith.mulf %mul3A_627, %bitcast3A_631 : vector<16xf32>
      %add3A_633 = arith.addf %add3A_618, %mul3A_632 : vector<16xf32>
      %get3A_634 = arith.index_cast %add3A_589 : i32 to index
      %get3A_635 = arith.constant 48 : index
      %get3A_636 = tpu.vector_load %arg12[%get3A_634, %get3A_635] {strides = array<i32>} : memref<512x64xi32, #tpu.memory_space<vmem>>, vector<16xi32>,
      %bitcast3A_637 = vector.bitcast %get3A_636 : vector<16xi32> to vector<16xf32>
      %get3A_638 = arith.index_cast %add3A_589 : i32 to index
      %get3A_639 = arith.constant 48 : index
      %get3A_640 = tpu.vector_load %arg13[%get3A_638, %get3A_639] {strides = array<i32>} : memref<512x64xi32, #tpu.memory_space<vmem>>, vector<16xi32>,
      %bitcast3A_641 = vector.bitcast %get3A_640 : vector<16xi32> to vector<16xf32>
      %mul3A_642 = arith.mulf %bitcast3A_637, %bitcast3A_641 : vector<16xf32>
      %get3A_643 = arith.index_cast %add3A_589 : i32 to index
      %get3A_644 = arith.constant 48 : index
      %get3A_645 = tpu.vector_load %arg14[%get3A_643, %get3A_644] {strides = array<i32>} : memref<512x64xi32, #tpu.memory_space<vmem>>, vector<16xi32>,
      %bitcast3A_646 = vector.bitcast %get3A_645 : vector<16xi32> to vector<16xf32>
      %mul3A_647 = arith.mulf %mul3A_642, %bitcast3A_646 : vector<16xf32>
      %add3A_648 = arith.addf %add3A_633, %mul3A_647 : vector<16xf32>
      %eq3A_649 = arith.constant 8 : i32
      %eq3A_650 = vector.broadcast %eq3A_649 : i32 to vector<16xi32>
      %eq3A_651 = arith.cmpi eq, %iota3A, %eq3A_650 : vector<16xi32>
      %reduce_sum3A_652 = arith.constant true
      %reduce_sum3A_653 = vector.broadcast %reduce_sum3A_652 : i1 to vector<16xi1>
      %reduce_sum3A_654 = tpu.scan <sum>, %add3A_648 masked %reduce_sum3A_653 : vector<16xf32>, vector<16xi1> -> vector<16xf32>
      %reduce_sum3A_655 = vector.extract %reduce_sum3A_654[15] : f32 from vector<16xf32>
      %broadcast_in_dim3A_656 = vector.broadcast %reduce_sum3A_655 : f32 to vector<16xf32>
      %select_n3A_657 = arith.select %eq3A_651, %broadcast_in_dim3A_656, %select_n3A_587 : vector<16xi1>, vector<16xf32>
      %add3A_658 = arith.constant 9 : i32
      %add3A_659 = arith.addi %mul3A_32, %add3A_658 : i32
      %get3A_660 = arith.index_cast %add3A_659 : i32 to index
      %get3A_661 = arith.constant 0 : index
      %get3A_662 = tpu.vector_load %arg12[%get3A_660, %get3A_661] {strides = array<i32>} : memref<512x64xi32, #tpu.memory_space<vmem>>, vector<16xi32>,
      %bitcast3A_663 = vector.bitcast %get3A_662 : vector<16xi32> to vector<16xf32>
      %get3A_664 = arith.index_cast %add3A_659 : i32 to index
      %get3A_665 = arith.constant 0 : index
      %get3A_666 = tpu.vector_load %arg13[%get3A_664, %get3A_665] {strides = array<i32>} : memref<512x64xi32, #tpu.memory_space<vmem>>, vector<16xi32>,
      %bitcast3A_667 = vector.bitcast %get3A_666 : vector<16xi32> to vector<16xf32>
      %mul3A_668 = arith.mulf %bitcast3A_663, %bitcast3A_667 : vector<16xf32>
      %get3A_669 = arith.index_cast %add3A_659 : i32 to index
      %get3A_670 = arith.constant 0 : index
      %get3A_671 = tpu.vector_load %arg14[%get3A_669, %get3A_670] {strides = array<i32>} : memref<512x64xi32, #tpu.memory_space<vmem>>, vector<16xi32>,
      %bitcast3A_672 = vector.bitcast %get3A_671 : vector<16xi32> to vector<16xf32>
      %mul3A_673 = arith.mulf %mul3A_668, %bitcast3A_672 : vector<16xf32>
      %get3A_674 = arith.index_cast %add3A_659 : i32 to index
      %get3A_675 = arith.constant 16 : index
      %get3A_676 = tpu.vector_load %arg12[%get3A_674, %get3A_675] {strides = array<i32>} : memref<512x64xi32, #tpu.memory_space<vmem>>, vector<16xi32>,
      %bitcast3A_677 = vector.bitcast %get3A_676 : vector<16xi32> to vector<16xf32>
      %get3A_678 = arith.index_cast %add3A_659 : i32 to index
      %get3A_679 = arith.constant 16 : index
      %get3A_680 = tpu.vector_load %arg13[%get3A_678, %get3A_679] {strides = array<i32>} : memref<512x64xi32, #tpu.memory_space<vmem>>, vector<16xi32>,
      %bitcast3A_681 = vector.bitcast %get3A_680 : vector<16xi32> to vector<16xf32>
      %mul3A_682 = arith.mulf %bitcast3A_677, %bitcast3A_681 : vector<16xf32>
      %get3A_683 = arith.index_cast %add3A_659 : i32 to index
      %get3A_684 = arith.constant 16 : index
      %get3A_685 = tpu.vector_load %arg14[%get3A_683, %get3A_684] {strides = array<i32>} : memref<512x64xi32, #tpu.memory_space<vmem>>, vector<16xi32>,
      %bitcast3A_686 = vector.bitcast %get3A_685 : vector<16xi32> to vector<16xf32>
      %mul3A_687 = arith.mulf %mul3A_682, %bitcast3A_686 : vector<16xf32>
      %add3A_688 = arith.addf %mul3A_673, %mul3A_687 : vector<16xf32>
      %get3A_689 = arith.index_cast %add3A_659 : i32 to index
      %get3A_690 = arith.constant 32 : index
      %get3A_691 = tpu.vector_load %arg12[%get3A_689, %get3A_690] {strides = array<i32>} : memref<512x64xi32, #tpu.memory_space<vmem>>, vector<16xi32>,
      %bitcast3A_692 = vector.bitcast %get3A_691 : vector<16xi32> to vector<16xf32>
      %get3A_693 = arith.index_cast %add3A_659 : i32 to index
      %get3A_694 = arith.constant 32 : index
      %get3A_695 = tpu.vector_load %arg13[%get3A_693, %get3A_694] {strides = array<i32>} : memref<512x64xi32, #tpu.memory_space<vmem>>, vector<16xi32>,
      %bitcast3A_696 = vector.bitcast %get3A_695 : vector<16xi32> to vector<16xf32>
      %mul3A_697 = arith.mulf %bitcast3A_692, %bitcast3A_696 : vector<16xf32>
      %get3A_698 = arith.index_cast %add3A_659 : i32 to index
      %get3A_699 = arith.constant 32 : index
      %get3A_700 = tpu.vector_load %arg14[%get3A_698, %get3A_699] {strides = array<i32>} : memref<512x64xi32, #tpu.memory_space<vmem>>, vector<16xi32>,
      %bitcast3A_701 = vector.bitcast %get3A_700 : vector<16xi32> to vector<16xf32>
      %mul3A_702 = arith.mulf %mul3A_697, %bitcast3A_701 : vector<16xf32>
      %add3A_703 = arith.addf %add3A_688, %mul3A_702 : vector<16xf32>
      %get3A_704 = arith.index_cast %add3A_659 : i32 to index
      %get3A_705 = arith.constant 48 : index
      %get3A_706 = tpu.vector_load %arg12[%get3A_704, %get3A_705] {strides = array<i32>} : memref<512x64xi32, #tpu.memory_space<vmem>>, vector<16xi32>,
      %bitcast3A_707 = vector.bitcast %get3A_706 : vector<16xi32> to vector<16xf32>
      %get3A_708 = arith.index_cast %add3A_659 : i32 to index
      %get3A_709 = arith.constant 48 : index
      %get3A_710 = tpu.vector_load %arg13[%get3A_708, %get3A_709] {strides = array<i32>} : memref<512x64xi32, #tpu.memory_space<vmem>>, vector<16xi32>,
      %bitcast3A_711 = vector.bitcast %get3A_710 : vector<16xi32> to vector<16xf32>
      %mul3A_712 = arith.mulf %bitcast3A_707, %bitcast3A_711 : vector<16xf32>
      %get3A_713 = arith.index_cast %add3A_659 : i32 to index
      %get3A_714 = arith.constant 48 : index
      %get3A_715 = tpu.vector_load %arg14[%get3A_713, %get3A_714] {strides = array<i32>} : memref<512x64xi32, #tpu.memory_space<vmem>>, vector<16xi32>,
      %bitcast3A_716 = vector.bitcast %get3A_715 : vector<16xi32> to vector<16xf32>
      %mul3A_717 = arith.mulf %mul3A_712, %bitcast3A_716 : vector<16xf32>
      %add3A_718 = arith.addf %add3A_703, %mul3A_717 : vector<16xf32>
      %eq3A_719 = arith.constant 9 : i32
      %eq3A_720 = vector.broadcast %eq3A_719 : i32 to vector<16xi32>
      %eq3A_721 = arith.cmpi eq, %iota3A, %eq3A_720 : vector<16xi32>
      %reduce_sum3A_722 = arith.constant true
      %reduce_sum3A_723 = vector.broadcast %reduce_sum3A_722 : i1 to vector<16xi1>
      %reduce_sum3A_724 = tpu.scan <sum>, %add3A_718 masked %reduce_sum3A_723 : vector<16xf32>, vector<16xi1> -> vector<16xf32>
      %reduce_sum3A_725 = vector.extract %reduce_sum3A_724[15] : f32 from vector<16xf32>
      %broadcast_in_dim3A_726 = vector.broadcast %reduce_sum3A_725 : f32 to vector<16xf32>
      %select_n3A_727 = arith.select %eq3A_721, %broadcast_in_dim3A_726, %select_n3A_657 : vector<16xi1>, vector<16xf32>
      %add3A_728 = arith.constant 10 : i32
      %add3A_729 = arith.addi %mul3A_32, %add3A_728 : i32
      %get3A_730 = arith.index_cast %add3A_729 : i32 to index
      %get3A_731 = arith.constant 0 : index
      %get3A_732 = tpu.vector_load %arg12[%get3A_730, %get3A_731] {strides = array<i32>} : memref<512x64xi32, #tpu.memory_space<vmem>>, vector<16xi32>,
      %bitcast3A_733 = vector.bitcast %get3A_732 : vector<16xi32> to vector<16xf32>
      %get3A_734 = arith.index_cast %add3A_729 : i32 to index
      %get3A_735 = arith.constant 0 : index
      %get3A_736 = tpu.vector_load %arg13[%get3A_734, %get3A_735] {strides = array<i32>} : memref<512x64xi32, #tpu.memory_space<vmem>>, vector<16xi32>,
      %bitcast3A_737 = vector.bitcast %get3A_736 : vector<16xi32> to vector<16xf32>
      %mul3A_738 = arith.mulf %bitcast3A_733, %bitcast3A_737 : vector<16xf32>
      %get3A_739 = arith.index_cast %add3A_729 : i32 to index
      %get3A_740 = arith.constant 0 : index
      %get3A_741 = tpu.vector_load %arg14[%get3A_739, %get3A_740] {strides = array<i32>} : memref<512x64xi32, #tpu.memory_space<vmem>>, vector<16xi32>,
      %bitcast3A_742 = vector.bitcast %get3A_741 : vector<16xi32> to vector<16xf32>
      %mul3A_743 = arith.mulf %mul3A_738, %bitcast3A_742 : vector<16xf32>
      %get3A_744 = arith.index_cast %add3A_729 : i32 to index
      %get3A_745 = arith.constant 16 : index
      %get3A_746 = tpu.vector_load %arg12[%get3A_744, %get3A_745] {strides = array<i32>} : memref<512x64xi32, #tpu.memory_space<vmem>>, vector<16xi32>,
      %bitcast3A_747 = vector.bitcast %get3A_746 : vector<16xi32> to vector<16xf32>
      %get3A_748 = arith.index_cast %add3A_729 : i32 to index
      %get3A_749 = arith.constant 16 : index
      %get3A_750 = tpu.vector_load %arg13[%get3A_748, %get3A_749] {strides = array<i32>} : memref<512x64xi32, #tpu.memory_space<vmem>>, vector<16xi32>,
      %bitcast3A_751 = vector.bitcast %get3A_750 : vector<16xi32> to vector<16xf32>
      %mul3A_752 = arith.mulf %bitcast3A_747, %bitcast3A_751 : vector<16xf32>
      %get3A_753 = arith.index_cast %add3A_729 : i32 to index
      %get3A_754 = arith.constant 16 : index
      %get3A_755 = tpu.vector_load %arg14[%get3A_753, %get3A_754] {strides = array<i32>} : memref<512x64xi32, #tpu.memory_space<vmem>>, vector<16xi32>,
      %bitcast3A_756 = vector.bitcast %get3A_755 : vector<16xi32> to vector<16xf32>
      %mul3A_757 = arith.mulf %mul3A_752, %bitcast3A_756 : vector<16xf32>
      %add3A_758 = arith.addf %mul3A_743, %mul3A_757 : vector<16xf32>
      %get3A_759 = arith.index_cast %add3A_729 : i32 to index
      %get3A_760 = arith.constant 32 : index
      %get3A_761 = tpu.vector_load %arg12[%get3A_759, %get3A_760] {strides = array<i32>} : memref<512x64xi32, #tpu.memory_space<vmem>>, vector<16xi32>,
      %bitcast3A_762 = vector.bitcast %get3A_761 : vector<16xi32> to vector<16xf32>
      %get3A_763 = arith.index_cast %add3A_729 : i32 to index
      %get3A_764 = arith.constant 32 : index
      %get3A_765 = tpu.vector_load %arg13[%get3A_763, %get3A_764] {strides = array<i32>} : memref<512x64xi32, #tpu.memory_space<vmem>>, vector<16xi32>,
      %bitcast3A_766 = vector.bitcast %get3A_765 : vector<16xi32> to vector<16xf32>
      %mul3A_767 = arith.mulf %bitcast3A_762, %bitcast3A_766 : vector<16xf32>
      %get3A_768 = arith.index_cast %add3A_729 : i32 to index
      %get3A_769 = arith.constant 32 : index
      %get3A_770 = tpu.vector_load %arg14[%get3A_768, %get3A_769] {strides = array<i32>} : memref<512x64xi32, #tpu.memory_space<vmem>>, vector<16xi32>,
      %bitcast3A_771 = vector.bitcast %get3A_770 : vector<16xi32> to vector<16xf32>
      %mul3A_772 = arith.mulf %mul3A_767, %bitcast3A_771 : vector<16xf32>
      %add3A_773 = arith.addf %add3A_758, %mul3A_772 : vector<16xf32>
      %get3A_774 = arith.index_cast %add3A_729 : i32 to index
      %get3A_775 = arith.constant 48 : index
      %get3A_776 = tpu.vector_load %arg12[%get3A_774, %get3A_775] {strides = array<i32>} : memref<512x64xi32, #tpu.memory_space<vmem>>, vector<16xi32>,
      %bitcast3A_777 = vector.bitcast %get3A_776 : vector<16xi32> to vector<16xf32>
      %get3A_778 = arith.index_cast %add3A_729 : i32 to index
      %get3A_779 = arith.constant 48 : index
      %get3A_780 = tpu.vector_load %arg13[%get3A_778, %get3A_779] {strides = array<i32>} : memref<512x64xi32, #tpu.memory_space<vmem>>, vector<16xi32>,
      %bitcast3A_781 = vector.bitcast %get3A_780 : vector<16xi32> to vector<16xf32>
      %mul3A_782 = arith.mulf %bitcast3A_777, %bitcast3A_781 : vector<16xf32>
      %get3A_783 = arith.index_cast %add3A_729 : i32 to index
      %get3A_784 = arith.constant 48 : index
      %get3A_785 = tpu.vector_load %arg14[%get3A_783, %get3A_784] {strides = array<i32>} : memref<512x64xi32, #tpu.memory_space<vmem>>, vector<16xi32>,
      %bitcast3A_786 = vector.bitcast %get3A_785 : vector<16xi32> to vector<16xf32>
      %mul3A_787 = arith.mulf %mul3A_782, %bitcast3A_786 : vector<16xf32>
      %add3A_788 = arith.addf %add3A_773, %mul3A_787 : vector<16xf32>
      %eq3A_789 = arith.constant 10 : i32
      %eq3A_790 = vector.broadcast %eq3A_789 : i32 to vector<16xi32>
      %eq3A_791 = arith.cmpi eq, %iota3A, %eq3A_790 : vector<16xi32>
      %reduce_sum3A_792 = arith.constant true
      %reduce_sum3A_793 = vector.broadcast %reduce_sum3A_792 : i1 to vector<16xi1>
      %reduce_sum3A_794 = tpu.scan <sum>, %add3A_788 masked %reduce_sum3A_793 : vector<16xf32>, vector<16xi1> -> vector<16xf32>
      %reduce_sum3A_795 = vector.extract %reduce_sum3A_794[15] : f32 from vector<16xf32>
      %broadcast_in_dim3A_796 = vector.broadcast %reduce_sum3A_795 : f32 to vector<16xf32>
      %select_n3A_797 = arith.select %eq3A_791, %broadcast_in_dim3A_796, %select_n3A_727 : vector<16xi1>, vector<16xf32>
      %add3A_798 = arith.constant 11 : i32
      %add3A_799 = arith.addi %mul3A_32, %add3A_798 : i32
      %get3A_800 = arith.index_cast %add3A_799 : i32 to index
      %get3A_801 = arith.constant 0 : index
      %get3A_802 = tpu.vector_load %arg12[%get3A_800, %get3A_801] {strides = array<i32>} : memref<512x64xi32, #tpu.memory_space<vmem>>, vector<16xi32>,
      %bitcast3A_803 = vector.bitcast %get3A_802 : vector<16xi32> to vector<16xf32>
      %get3A_804 = arith.index_cast %add3A_799 : i32 to index
      %get3A_805 = arith.constant 0 : index
      %get3A_806 = tpu.vector_load %arg13[%get3A_804, %get3A_805] {strides = array<i32>} : memref<512x64xi32, #tpu.memory_space<vmem>>, vector<16xi32>,
      %bitcast3A_807 = vector.bitcast %get3A_806 : vector<16xi32> to vector<16xf32>
      %mul3A_808 = arith.mulf %bitcast3A_803, %bitcast3A_807 : vector<16xf32>
      %get3A_809 = arith.index_cast %add3A_799 : i32 to index
      %get3A_810 = arith.constant 0 : index
      %get3A_811 = tpu.vector_load %arg14[%get3A_809, %get3A_810] {strides = array<i32>} : memref<512x64xi32, #tpu.memory_space<vmem>>, vector<16xi32>,
      %bitcast3A_812 = vector.bitcast %get3A_811 : vector<16xi32> to vector<16xf32>
      %mul3A_813 = arith.mulf %mul3A_808, %bitcast3A_812 : vector<16xf32>
      %get3A_814 = arith.index_cast %add3A_799 : i32 to index
      %get3A_815 = arith.constant 16 : index
      %get3A_816 = tpu.vector_load %arg12[%get3A_814, %get3A_815] {strides = array<i32>} : memref<512x64xi32, #tpu.memory_space<vmem>>, vector<16xi32>,
      %bitcast3A_817 = vector.bitcast %get3A_816 : vector<16xi32> to vector<16xf32>
      %get3A_818 = arith.index_cast %add3A_799 : i32 to index
      %get3A_819 = arith.constant 16 : index
      %get3A_820 = tpu.vector_load %arg13[%get3A_818, %get3A_819] {strides = array<i32>} : memref<512x64xi32, #tpu.memory_space<vmem>>, vector<16xi32>,
      %bitcast3A_821 = vector.bitcast %get3A_820 : vector<16xi32> to vector<16xf32>
      %mul3A_822 = arith.mulf %bitcast3A_817, %bitcast3A_821 : vector<16xf32>
      %get3A_823 = arith.index_cast %add3A_799 : i32 to index
      %get3A_824 = arith.constant 16 : index
      %get3A_825 = tpu.vector_load %arg14[%get3A_823, %get3A_824] {strides = array<i32>} : memref<512x64xi32, #tpu.memory_space<vmem>>, vector<16xi32>,
      %bitcast3A_826 = vector.bitcast %get3A_825 : vector<16xi32> to vector<16xf32>
      %mul3A_827 = arith.mulf %mul3A_822, %bitcast3A_826 : vector<16xf32>
      %add3A_828 = arith.addf %mul3A_813, %mul3A_827 : vector<16xf32>
      %get3A_829 = arith.index_cast %add3A_799 : i32 to index
      %get3A_830 = arith.constant 32 : index
      %get3A_831 = tpu.vector_load %arg12[%get3A_829, %get3A_830] {strides = array<i32>} : memref<512x64xi32, #tpu.memory_space<vmem>>, vector<16xi32>,
      %bitcast3A_832 = vector.bitcast %get3A_831 : vector<16xi32> to vector<16xf32>
      %get3A_833 = arith.index_cast %add3A_799 : i32 to index
      %get3A_834 = arith.constant 32 : index
      %get3A_835 = tpu.vector_load %arg13[%get3A_833, %get3A_834] {strides = array<i32>} : memref<512x64xi32, #tpu.memory_space<vmem>>, vector<16xi32>,
      %bitcast3A_836 = vector.bitcast %get3A_835 : vector<16xi32> to vector<16xf32>
      %mul3A_837 = arith.mulf %bitcast3A_832, %bitcast3A_836 : vector<16xf32>
      %get3A_838 = arith.index_cast %add3A_799 : i32 to index
      %get3A_839 = arith.constant 32 : index
      %get3A_840 = tpu.vector_load %arg14[%get3A_838, %get3A_839] {strides = array<i32>} : memref<512x64xi32, #tpu.memory_space<vmem>>, vector<16xi32>,
      %bitcast3A_841 = vector.bitcast %get3A_840 : vector<16xi32> to vector<16xf32>
      %mul3A_842 = arith.mulf %mul3A_837, %bitcast3A_841 : vector<16xf32>
      %add3A_843 = arith.addf %add3A_828, %mul3A_842 : vector<16xf32>
      %get3A_844 = arith.index_cast %add3A_799 : i32 to index
      %get3A_845 = arith.constant 48 : index
      %get3A_846 = tpu.vector_load %arg12[%get3A_844, %get3A_845] {strides = array<i32>} : memref<512x64xi32, #tpu.memory_space<vmem>>, vector<16xi32>,
      %bitcast3A_847 = vector.bitcast %get3A_846 : vector<16xi32> to vector<16xf32>
      %get3A_848 = arith.index_cast %add3A_799 : i32 to index
      %get3A_849 = arith.constant 48 : index
      %get3A_850 = tpu.vector_load %arg13[%get3A_848, %get3A_849] {strides = array<i32>} : memref<512x64xi32, #tpu.memory_space<vmem>>, vector<16xi32>,
      %bitcast3A_851 = vector.bitcast %get3A_850 : vector<16xi32> to vector<16xf32>
      %mul3A_852 = arith.mulf %bitcast3A_847, %bitcast3A_851 : vector<16xf32>
      %get3A_853 = arith.index_cast %add3A_799 : i32 to index
      %get3A_854 = arith.constant 48 : index
      %get3A_855 = tpu.vector_load %arg14[%get3A_853, %get3A_854] {strides = array<i32>} : memref<512x64xi32, #tpu.memory_space<vmem>>, vector<16xi32>,
      %bitcast3A_856 = vector.bitcast %get3A_855 : vector<16xi32> to vector<16xf32>
      %mul3A_857 = arith.mulf %mul3A_852, %bitcast3A_856 : vector<16xf32>
      %add3A_858 = arith.addf %add3A_843, %mul3A_857 : vector<16xf32>
      %eq3A_859 = arith.constant 11 : i32
      %eq3A_860 = vector.broadcast %eq3A_859 : i32 to vector<16xi32>
      %eq3A_861 = arith.cmpi eq, %iota3A, %eq3A_860 : vector<16xi32>
      %reduce_sum3A_862 = arith.constant true
      %reduce_sum3A_863 = vector.broadcast %reduce_sum3A_862 : i1 to vector<16xi1>
      %reduce_sum3A_864 = tpu.scan <sum>, %add3A_858 masked %reduce_sum3A_863 : vector<16xf32>, vector<16xi1> -> vector<16xf32>
      %reduce_sum3A_865 = vector.extract %reduce_sum3A_864[15] : f32 from vector<16xf32>
      %broadcast_in_dim3A_866 = vector.broadcast %reduce_sum3A_865 : f32 to vector<16xf32>
      %select_n3A_867 = arith.select %eq3A_861, %broadcast_in_dim3A_866, %select_n3A_797 : vector<16xi1>, vector<16xf32>
      %add3A_868 = arith.constant 12 : i32
      %add3A_869 = arith.addi %mul3A_32, %add3A_868 : i32
      %get3A_870 = arith.index_cast %add3A_869 : i32 to index
      %get3A_871 = arith.constant 0 : index
      %get3A_872 = tpu.vector_load %arg12[%get3A_870, %get3A_871] {strides = array<i32>} : memref<512x64xi32, #tpu.memory_space<vmem>>, vector<16xi32>,
      %bitcast3A_873 = vector.bitcast %get3A_872 : vector<16xi32> to vector<16xf32>
      %get3A_874 = arith.index_cast %add3A_869 : i32 to index
      %get3A_875 = arith.constant 0 : index
      %get3A_876 = tpu.vector_load %arg13[%get3A_874, %get3A_875] {strides = array<i32>} : memref<512x64xi32, #tpu.memory_space<vmem>>, vector<16xi32>,
      %bitcast3A_877 = vector.bitcast %get3A_876 : vector<16xi32> to vector<16xf32>
      %mul3A_878 = arith.mulf %bitcast3A_873, %bitcast3A_877 : vector<16xf32>
      %get3A_879 = arith.index_cast %add3A_869 : i32 to index
      %get3A_880 = arith.constant 0 : index
      %get3A_881 = tpu.vector_load %arg14[%get3A_879, %get3A_880] {strides = array<i32>} : memref<512x64xi32, #tpu.memory_space<vmem>>, vector<16xi32>,
      %bitcast3A_882 = vector.bitcast %get3A_881 : vector<16xi32> to vector<16xf32>
      %mul3A_883 = arith.mulf %mul3A_878, %bitcast3A_882 : vector<16xf32>
      %get3A_884 = arith.index_cast %add3A_869 : i32 to index
      %get3A_885 = arith.constant 16 : index
      %get3A_886 = tpu.vector_load %arg12[%get3A_884, %get3A_885] {strides = array<i32>} : memref<512x64xi32, #tpu.memory_space<vmem>>, vector<16xi32>,
      %bitcast3A_887 = vector.bitcast %get3A_886 : vector<16xi32> to vector<16xf32>
      %get3A_888 = arith.index_cast %add3A_869 : i32 to index
      %get3A_889 = arith.constant 16 : index
      %get3A_890 = tpu.vector_load %arg13[%get3A_888, %get3A_889] {strides = array<i32>} : memref<512x64xi32, #tpu.memory_space<vmem>>, vector<16xi32>,
      %bitcast3A_891 = vector.bitcast %get3A_890 : vector<16xi32> to vector<16xf32>
      %mul3A_892 = arith.mulf %bitcast3A_887, %bitcast3A_891 : vector<16xf32>
      %get3A_893 = arith.index_cast %add3A_869 : i32 to index
      %get3A_894 = arith.constant 16 : index
      %get3A_895 = tpu.vector_load %arg14[%get3A_893, %get3A_894] {strides = array<i32>} : memref<512x64xi32, #tpu.memory_space<vmem>>, vector<16xi32>,
      %bitcast3A_896 = vector.bitcast %get3A_895 : vector<16xi32> to vector<16xf32>
      %mul3A_897 = arith.mulf %mul3A_892, %bitcast3A_896 : vector<16xf32>
      %add3A_898 = arith.addf %mul3A_883, %mul3A_897 : vector<16xf32>
      %get3A_899 = arith.index_cast %add3A_869 : i32 to index
      %get3A_900 = arith.constant 32 : index
      %get3A_901 = tpu.vector_load %arg12[%get3A_899, %get3A_900] {strides = array<i32>} : memref<512x64xi32, #tpu.memory_space<vmem>>, vector<16xi32>,
      %bitcast3A_902 = vector.bitcast %get3A_901 : vector<16xi32> to vector<16xf32>
      %get3A_903 = arith.index_cast %add3A_869 : i32 to index
      %get3A_904 = arith.constant 32 : index
      %get3A_905 = tpu.vector_load %arg13[%get3A_903, %get3A_904] {strides = array<i32>} : memref<512x64xi32, #tpu.memory_space<vmem>>, vector<16xi32>,
      %bitcast3A_906 = vector.bitcast %get3A_905 : vector<16xi32> to vector<16xf32>
      %mul3A_907 = arith.mulf %bitcast3A_902, %bitcast3A_906 : vector<16xf32>
      %get3A_908 = arith.index_cast %add3A_869 : i32 to index
      %get3A_909 = arith.constant 32 : index
      %get3A_910 = tpu.vector_load %arg14[%get3A_908, %get3A_909] {strides = array<i32>} : memref<512x64xi32, #tpu.memory_space<vmem>>, vector<16xi32>,
      %bitcast3A_911 = vector.bitcast %get3A_910 : vector<16xi32> to vector<16xf32>
      %mul3A_912 = arith.mulf %mul3A_907, %bitcast3A_911 : vector<16xf32>
      %add3A_913 = arith.addf %add3A_898, %mul3A_912 : vector<16xf32>
      %get3A_914 = arith.index_cast %add3A_869 : i32 to index
      %get3A_915 = arith.constant 48 : index
      %get3A_916 = tpu.vector_load %arg12[%get3A_914, %get3A_915] {strides = array<i32>} : memref<512x64xi32, #tpu.memory_space<vmem>>, vector<16xi32>,
      %bitcast3A_917 = vector.bitcast %get3A_916 : vector<16xi32> to vector<16xf32>
      %get3A_918 = arith.index_cast %add3A_869 : i32 to index
      %get3A_919 = arith.constant 48 : index
      %get3A_920 = tpu.vector_load %arg13[%get3A_918, %get3A_919] {strides = array<i32>} : memref<512x64xi32, #tpu.memory_space<vmem>>, vector<16xi32>,
      %bitcast3A_921 = vector.bitcast %get3A_920 : vector<16xi32> to vector<16xf32>
      %mul3A_922 = arith.mulf %bitcast3A_917, %bitcast3A_921 : vector<16xf32>
      %get3A_923 = arith.index_cast %add3A_869 : i32 to index
      %get3A_924 = arith.constant 48 : index
      %get3A_925 = tpu.vector_load %arg14[%get3A_923, %get3A_924] {strides = array<i32>} : memref<512x64xi32, #tpu.memory_space<vmem>>, vector<16xi32>,
      %bitcast3A_926 = vector.bitcast %get3A_925 : vector<16xi32> to vector<16xf32>
      %mul3A_927 = arith.mulf %mul3A_922, %bitcast3A_926 : vector<16xf32>
      %add3A_928 = arith.addf %add3A_913, %mul3A_927 : vector<16xf32>
      %eq3A_929 = arith.constant 12 : i32
      %eq3A_930 = vector.broadcast %eq3A_929 : i32 to vector<16xi32>
      %eq3A_931 = arith.cmpi eq, %iota3A, %eq3A_930 : vector<16xi32>
      %reduce_sum3A_932 = arith.constant true
      %reduce_sum3A_933 = vector.broadcast %reduce_sum3A_932 : i1 to vector<16xi1>
      %reduce_sum3A_934 = tpu.scan <sum>, %add3A_928 masked %reduce_sum3A_933 : vector<16xf32>, vector<16xi1> -> vector<16xf32>
      %reduce_sum3A_935 = vector.extract %reduce_sum3A_934[15] : f32 from vector<16xf32>
      %broadcast_in_dim3A_936 = vector.broadcast %reduce_sum3A_935 : f32 to vector<16xf32>
      %select_n3A_937 = arith.select %eq3A_931, %broadcast_in_dim3A_936, %select_n3A_867 : vector<16xi1>, vector<16xf32>
      %add3A_938 = arith.constant 13 : i32
      %add3A_939 = arith.addi %mul3A_32, %add3A_938 : i32
      %get3A_940 = arith.index_cast %add3A_939 : i32 to index
      %get3A_941 = arith.constant 0 : index
      %get3A_942 = tpu.vector_load %arg12[%get3A_940, %get3A_941] {strides = array<i32>} : memref<512x64xi32, #tpu.memory_space<vmem>>, vector<16xi32>,
      %bitcast3A_943 = vector.bitcast %get3A_942 : vector<16xi32> to vector<16xf32>
      %get3A_944 = arith.index_cast %add3A_939 : i32 to index
      %get3A_945 = arith.constant 0 : index
      %get3A_946 = tpu.vector_load %arg13[%get3A_944, %get3A_945] {strides = array<i32>} : memref<512x64xi32, #tpu.memory_space<vmem>>, vector<16xi32>,
      %bitcast3A_947 = vector.bitcast %get3A_946 : vector<16xi32> to vector<16xf32>
      %mul3A_948 = arith.mulf %bitcast3A_943, %bitcast3A_947 : vector<16xf32>
      %get3A_949 = arith.index_cast %add3A_939 : i32 to index
      %get3A_950 = arith.constant 0 : index
      %get3A_951 = tpu.vector_load %arg14[%get3A_949, %get3A_950] {strides = array<i32>} : memref<512x64xi32, #tpu.memory_space<vmem>>, vector<16xi32>,
      %bitcast3A_952 = vector.bitcast %get3A_951 : vector<16xi32> to vector<16xf32>
      %mul3A_953 = arith.mulf %mul3A_948, %bitcast3A_952 : vector<16xf32>
      %get3A_954 = arith.index_cast %add3A_939 : i32 to index
      %get3A_955 = arith.constant 16 : index
      %get3A_956 = tpu.vector_load %arg12[%get3A_954, %get3A_955] {strides = array<i32>} : memref<512x64xi32, #tpu.memory_space<vmem>>, vector<16xi32>,
      %bitcast3A_957 = vector.bitcast %get3A_956 : vector<16xi32> to vector<16xf32>
      %get3A_958 = arith.index_cast %add3A_939 : i32 to index
      %get3A_959 = arith.constant 16 : index
      %get3A_960 = tpu.vector_load %arg13[%get3A_958, %get3A_959] {strides = array<i32>} : memref<512x64xi32, #tpu.memory_space<vmem>>, vector<16xi32>,
      %bitcast3A_961 = vector.bitcast %get3A_960 : vector<16xi32> to vector<16xf32>
      %mul3A_962 = arith.mulf %bitcast3A_957, %bitcast3A_961 : vector<16xf32>
      %get3A_963 = arith.index_cast %add3A_939 : i32 to index
      %get3A_964 = arith.constant 16 : index
      %get3A_965 = tpu.vector_load %arg14[%get3A_963, %get3A_964] {strides = array<i32>} : memref<512x64xi32, #tpu.memory_space<vmem>>, vector<16xi32>,
      %bitcast3A_966 = vector.bitcast %get3A_965 : vector<16xi32> to vector<16xf32>
      %mul3A_967 = arith.mulf %mul3A_962, %bitcast3A_966 : vector<16xf32>
      %add3A_968 = arith.addf %mul3A_953, %mul3A_967 : vector<16xf32>
      %get3A_969 = arith.index_cast %add3A_939 : i32 to index
      %get3A_970 = arith.constant 32 : index
      %get3A_971 = tpu.vector_load %arg12[%get3A_969, %get3A_970] {strides = array<i32>} : memref<512x64xi32, #tpu.memory_space<vmem>>, vector<16xi32>,
      %bitcast3A_972 = vector.bitcast %get3A_971 : vector<16xi32> to vector<16xf32>
      %get3A_973 = arith.index_cast %add3A_939 : i32 to index
      %get3A_974 = arith.constant 32 : index
      %get3A_975 = tpu.vector_load %arg13[%get3A_973, %get3A_974] {strides = array<i32>} : memref<512x64xi32, #tpu.memory_space<vmem>>, vector<16xi32>,
      %bitcast3A_976 = vector.bitcast %get3A_975 : vector<16xi32> to vector<16xf32>
      %mul3A_977 = arith.mulf %bitcast3A_972, %bitcast3A_976 : vector<16xf32>
      %get3A_978 = arith.index_cast %add3A_939 : i32 to index
      %get3A_979 = arith.constant 32 : index
      %get3A_980 = tpu.vector_load %arg14[%get3A_978, %get3A_979] {strides = array<i32>} : memref<512x64xi32, #tpu.memory_space<vmem>>, vector<16xi32>,
      %bitcast3A_981 = vector.bitcast %get3A_980 : vector<16xi32> to vector<16xf32>
      %mul3A_982 = arith.mulf %mul3A_977, %bitcast3A_981 : vector<16xf32>
      %add3A_983 = arith.addf %add3A_968, %mul3A_982 : vector<16xf32>
      %get3A_984 = arith.index_cast %add3A_939 : i32 to index
      %get3A_985 = arith.constant 48 : index
      %get3A_986 = tpu.vector_load %arg12[%get3A_984, %get3A_985] {strides = array<i32>} : memref<512x64xi32, #tpu.memory_space<vmem>>, vector<16xi32>,
      %bitcast3A_987 = vector.bitcast %get3A_986 : vector<16xi32> to vector<16xf32>
      %get3A_988 = arith.index_cast %add3A_939 : i32 to index
      %get3A_989 = arith.constant 48 : index
      %get3A_990 = tpu.vector_load %arg13[%get3A_988, %get3A_989] {strides = array<i32>} : memref<512x64xi32, #tpu.memory_space<vmem>>, vector<16xi32>,
      %bitcast3A_991 = vector.bitcast %get3A_990 : vector<16xi32> to vector<16xf32>
      %mul3A_992 = arith.mulf %bitcast3A_987, %bitcast3A_991 : vector<16xf32>
      %get3A_993 = arith.index_cast %add3A_939 : i32 to index
      %get3A_994 = arith.constant 48 : index
      %get3A_995 = tpu.vector_load %arg14[%get3A_993, %get3A_994] {strides = array<i32>} : memref<512x64xi32, #tpu.memory_space<vmem>>, vector<16xi32>,
      %bitcast3A_996 = vector.bitcast %get3A_995 : vector<16xi32> to vector<16xf32>
      %mul3A_997 = arith.mulf %mul3A_992, %bitcast3A_996 : vector<16xf32>
      %add3A_998 = arith.addf %add3A_983, %mul3A_997 : vector<16xf32>
      %eq3A_999 = arith.constant 13 : i32
      %eq3A_1000 = vector.broadcast %eq3A_999 : i32 to vector<16xi32>
      %eq3A_1001 = arith.cmpi eq, %iota3A, %eq3A_1000 : vector<16xi32>
      %reduce_sum3A_1002 = arith.constant true
      %reduce_sum3A_1003 = vector.broadcast %reduce_sum3A_1002 : i1 to vector<16xi1>
      %reduce_sum3A_1004 = tpu.scan <sum>, %add3A_998 masked %reduce_sum3A_1003 : vector<16xf32>, vector<16xi1> -> vector<16xf32>
      %reduce_sum3A_1005 = vector.extract %reduce_sum3A_1004[15] : f32 from vector<16xf32>
      %broadcast_in_dim3A_1006 = vector.broadcast %reduce_sum3A_1005 : f32 to vector<16xf32>
      %select_n3A_1007 = arith.select %eq3A_1001, %broadcast_in_dim3A_1006, %select_n3A_937 : vector<16xi1>, vector<16xf32>
      %add3A_1008 = arith.constant 14 : i32
      %add3A_1009 = arith.addi %mul3A_32, %add3A_1008 : i32
      %get3A_1010 = arith.index_cast %add3A_1009 : i32 to index
      %get3A_1011 = arith.constant 0 : index
      %get3A_1012 = tpu.vector_load %arg12[%get3A_1010, %get3A_1011] {strides = array<i32>} : memref<512x64xi32, #tpu.memory_space<vmem>>, vector<16xi32>,
      %bitcast3A_1013 = vector.bitcast %get3A_1012 : vector<16xi32> to vector<16xf32>
      %get3A_1014 = arith.index_cast %add3A_1009 : i32 to index
      %get3A_1015 = arith.constant 0 : index
      %get3A_1016 = tpu.vector_load %arg13[%get3A_1014, %get3A_1015] {strides = array<i32>} : memref<512x64xi32, #tpu.memory_space<vmem>>, vector<16xi32>,
      %bitcast3A_1017 = vector.bitcast %get3A_1016 : vector<16xi32> to vector<16xf32>
      %mul3A_1018 = arith.mulf %bitcast3A_1013, %bitcast3A_1017 : vector<16xf32>
      %get3A_1019 = arith.index_cast %add3A_1009 : i32 to index
      %get3A_1020 = arith.constant 0 : index
      %get3A_1021 = tpu.vector_load %arg14[%get3A_1019, %get3A_1020] {strides = array<i32>} : memref<512x64xi32, #tpu.memory_space<vmem>>, vector<16xi32>,
      %bitcast3A_1022 = vector.bitcast %get3A_1021 : vector<16xi32> to vector<16xf32>
      %mul3A_1023 = arith.mulf %mul3A_1018, %bitcast3A_1022 : vector<16xf32>
      %get3A_1024 = arith.index_cast %add3A_1009 : i32 to index
      %get3A_1025 = arith.constant 16 : index
      %get3A_1026 = tpu.vector_load %arg12[%get3A_1024, %get3A_1025] {strides = array<i32>} : memref<512x64xi32, #tpu.memory_space<vmem>>, vector<16xi32>,
      %bitcast3A_1027 = vector.bitcast %get3A_1026 : vector<16xi32> to vector<16xf32>
      %get3A_1028 = arith.index_cast %add3A_1009 : i32 to index
      %get3A_1029 = arith.constant 16 : index
      %get3A_1030 = tpu.vector_load %arg13[%get3A_1028, %get3A_1029] {strides = array<i32>} : memref<512x64xi32, #tpu.memory_space<vmem>>, vector<16xi32>,
      %bitcast3A_1031 = vector.bitcast %get3A_1030 : vector<16xi32> to vector<16xf32>
      %mul3A_1032 = arith.mulf %bitcast3A_1027, %bitcast3A_1031 : vector<16xf32>
      %get3A_1033 = arith.index_cast %add3A_1009 : i32 to index
      %get3A_1034 = arith.constant 16 : index
      %get3A_1035 = tpu.vector_load %arg14[%get3A_1033, %get3A_1034] {strides = array<i32>} : memref<512x64xi32, #tpu.memory_space<vmem>>, vector<16xi32>,
      %bitcast3A_1036 = vector.bitcast %get3A_1035 : vector<16xi32> to vector<16xf32>
      %mul3A_1037 = arith.mulf %mul3A_1032, %bitcast3A_1036 : vector<16xf32>
      %add3A_1038 = arith.addf %mul3A_1023, %mul3A_1037 : vector<16xf32>
      %get3A_1039 = arith.index_cast %add3A_1009 : i32 to index
      %get3A_1040 = arith.constant 32 : index
      %get3A_1041 = tpu.vector_load %arg12[%get3A_1039, %get3A_1040] {strides = array<i32>} : memref<512x64xi32, #tpu.memory_space<vmem>>, vector<16xi32>,
      %bitcast3A_1042 = vector.bitcast %get3A_1041 : vector<16xi32> to vector<16xf32>
      %get3A_1043 = arith.index_cast %add3A_1009 : i32 to index
      %get3A_1044 = arith.constant 32 : index
      %get3A_1045 = tpu.vector_load %arg13[%get3A_1043, %get3A_1044] {strides = array<i32>} : memref<512x64xi32, #tpu.memory_space<vmem>>, vector<16xi32>,
      %bitcast3A_1046 = vector.bitcast %get3A_1045 : vector<16xi32> to vector<16xf32>
      %mul3A_1047 = arith.mulf %bitcast3A_1042, %bitcast3A_1046 : vector<16xf32>
      %get3A_1048 = arith.index_cast %add3A_1009 : i32 to index
      %get3A_1049 = arith.constant 32 : index
      %get3A_1050 = tpu.vector_load %arg14[%get3A_1048, %get3A_1049] {strides = array<i32>} : memref<512x64xi32, #tpu.memory_space<vmem>>, vector<16xi32>,
      %bitcast3A_1051 = vector.bitcast %get3A_1050 : vector<16xi32> to vector<16xf32>
      %mul3A_1052 = arith.mulf %mul3A_1047, %bitcast3A_1051 : vector<16xf32>
      %add3A_1053 = arith.addf %add3A_1038, %mul3A_1052 : vector<16xf32>
      %get3A_1054 = arith.index_cast %add3A_1009 : i32 to index
      %get3A_1055 = arith.constant 48 : index
      %get3A_1056 = tpu.vector_load %arg12[%get3A_1054, %get3A_1055] {strides = array<i32>} : memref<512x64xi32, #tpu.memory_space<vmem>>, vector<16xi32>,
      %bitcast3A_1057 = vector.bitcast %get3A_1056 : vector<16xi32> to vector<16xf32>
      %get3A_1058 = arith.index_cast %add3A_1009 : i32 to index
      %get3A_1059 = arith.constant 48 : index
      %get3A_1060 = tpu.vector_load %arg13[%get3A_1058, %get3A_1059] {strides = array<i32>} : memref<512x64xi32, #tpu.memory_space<vmem>>, vector<16xi32>,
      %bitcast3A_1061 = vector.bitcast %get3A_1060 : vector<16xi32> to vector<16xf32>
      %mul3A_1062 = arith.mulf %bitcast3A_1057, %bitcast3A_1061 : vector<16xf32>
      %get3A_1063 = arith.index_cast %add3A_1009 : i32 to index
      %get3A_1064 = arith.constant 48 : index
      %get3A_1065 = tpu.vector_load %arg14[%get3A_1063, %get3A_1064] {strides = array<i32>} : memref<512x64xi32, #tpu.memory_space<vmem>>, vector<16xi32>,
      %bitcast3A_1066 = vector.bitcast %get3A_1065 : vector<16xi32> to vector<16xf32>
      %mul3A_1067 = arith.mulf %mul3A_1062, %bitcast3A_1066 : vector<16xf32>
      %add3A_1068 = arith.addf %add3A_1053, %mul3A_1067 : vector<16xf32>
      %eq3A_1069 = arith.constant 14 : i32
      %eq3A_1070 = vector.broadcast %eq3A_1069 : i32 to vector<16xi32>
      %eq3A_1071 = arith.cmpi eq, %iota3A, %eq3A_1070 : vector<16xi32>
      %reduce_sum3A_1072 = arith.constant true
      %reduce_sum3A_1073 = vector.broadcast %reduce_sum3A_1072 : i1 to vector<16xi1>
      %reduce_sum3A_1074 = tpu.scan <sum>, %add3A_1068 masked %reduce_sum3A_1073 : vector<16xf32>, vector<16xi1> -> vector<16xf32>
      %reduce_sum3A_1075 = vector.extract %reduce_sum3A_1074[15] : f32 from vector<16xf32>
      %broadcast_in_dim3A_1076 = vector.broadcast %reduce_sum3A_1075 : f32 to vector<16xf32>
      %select_n3A_1077 = arith.select %eq3A_1071, %broadcast_in_dim3A_1076, %select_n3A_1007 : vector<16xi1>, vector<16xf32>
      %add3A_1078 = arith.constant 15 : i32
      %add3A_1079 = arith.addi %mul3A_32, %add3A_1078 : i32
      %get3A_1080 = arith.index_cast %add3A_1079 : i32 to index
      %get3A_1081 = arith.constant 0 : index
      %get3A_1082 = tpu.vector_load %arg12[%get3A_1080, %get3A_1081] {strides = array<i32>} : memref<512x64xi32, #tpu.memory_space<vmem>>, vector<16xi32>,
      %bitcast3A_1083 = vector.bitcast %get3A_1082 : vector<16xi32> to vector<16xf32>
      %get3A_1084 = arith.index_cast %add3A_1079 : i32 to index
      %get3A_1085 = arith.constant 0 : index
      %get3A_1086 = tpu.vector_load %arg13[%get3A_1084, %get3A_1085] {strides = array<i32>} : memref<512x64xi32, #tpu.memory_space<vmem>>, vector<16xi32>,
      %bitcast3A_1087 = vector.bitcast %get3A_1086 : vector<16xi32> to vector<16xf32>
      %mul3A_1088 = arith.mulf %bitcast3A_1083, %bitcast3A_1087 : vector<16xf32>
      %get3A_1089 = arith.index_cast %add3A_1079 : i32 to index
      %get3A_1090 = arith.constant 0 : index
      %get3A_1091 = tpu.vector_load %arg14[%get3A_1089, %get3A_1090] {strides = array<i32>} : memref<512x64xi32, #tpu.memory_space<vmem>>, vector<16xi32>,
      %bitcast3A_1092 = vector.bitcast %get3A_1091 : vector<16xi32> to vector<16xf32>
      %mul3A_1093 = arith.mulf %mul3A_1088, %bitcast3A_1092 : vector<16xf32>
      %get3A_1094 = arith.index_cast %add3A_1079 : i32 to index
      %get3A_1095 = arith.constant 16 : index
      %get3A_1096 = tpu.vector_load %arg12[%get3A_1094, %get3A_1095] {strides = array<i32>} : memref<512x64xi32, #tpu.memory_space<vmem>>, vector<16xi32>,
      %bitcast3A_1097 = vector.bitcast %get3A_1096 : vector<16xi32> to vector<16xf32>
      %get3A_1098 = arith.index_cast %add3A_1079 : i32 to index
      %get3A_1099 = arith.constant 16 : index
      %get3A_1100 = tpu.vector_load %arg13[%get3A_1098, %get3A_1099] {strides = array<i32>} : memref<512x64xi32, #tpu.memory_space<vmem>>, vector<16xi32>,
      %bitcast3A_1101 = vector.bitcast %get3A_1100 : vector<16xi32> to vector<16xf32>
      %mul3A_1102 = arith.mulf %bitcast3A_1097, %bitcast3A_1101 : vector<16xf32>
      %get3A_1103 = arith.index_cast %add3A_1079 : i32 to index
      %get3A_1104 = arith.constant 16 : index
      %get3A_1105 = tpu.vector_load %arg14[%get3A_1103, %get3A_1104] {strides = array<i32>} : memref<512x64xi32, #tpu.memory_space<vmem>>, vector<16xi32>,
      %bitcast3A_1106 = vector.bitcast %get3A_1105 : vector<16xi32> to vector<16xf32>
      %mul3A_1107 = arith.mulf %mul3A_1102, %bitcast3A_1106 : vector<16xf32>
      %add3A_1108 = arith.addf %mul3A_1093, %mul3A_1107 : vector<16xf32>
      %get3A_1109 = arith.index_cast %add3A_1079 : i32 to index
      %get3A_1110 = arith.constant 32 : index
      %get3A_1111 = tpu.vector_load %arg12[%get3A_1109, %get3A_1110] {strides = array<i32>} : memref<512x64xi32, #tpu.memory_space<vmem>>, vector<16xi32>,
      %bitcast3A_1112 = vector.bitcast %get3A_1111 : vector<16xi32> to vector<16xf32>
      %get3A_1113 = arith.index_cast %add3A_1079 : i32 to index
      %get3A_1114 = arith.constant 32 : index
      %get3A_1115 = tpu.vector_load %arg13[%get3A_1113, %get3A_1114] {strides = array<i32>} : memref<512x64xi32, #tpu.memory_space<vmem>>, vector<16xi32>,
      %bitcast3A_1116 = vector.bitcast %get3A_1115 : vector<16xi32> to vector<16xf32>
      %mul3A_1117 = arith.mulf %bitcast3A_1112, %bitcast3A_1116 : vector<16xf32>
      %get3A_1118 = arith.index_cast %add3A_1079 : i32 to index
      %get3A_1119 = arith.constant 32 : index
      %get3A_1120 = tpu.vector_load %arg14[%get3A_1118, %get3A_1119] {strides = array<i32>} : memref<512x64xi32, #tpu.memory_space<vmem>>, vector<16xi32>,
      %bitcast3A_1121 = vector.bitcast %get3A_1120 : vector<16xi32> to vector<16xf32>
      %mul3A_1122 = arith.mulf %mul3A_1117, %bitcast3A_1121 : vector<16xf32>
      %add3A_1123 = arith.addf %add3A_1108, %mul3A_1122 : vector<16xf32>
      %get3A_1124 = arith.index_cast %add3A_1079 : i32 to index
      %get3A_1125 = arith.constant 48 : index
      %get3A_1126 = tpu.vector_load %arg12[%get3A_1124, %get3A_1125] {strides = array<i32>} : memref<512x64xi32, #tpu.memory_space<vmem>>, vector<16xi32>,
      %bitcast3A_1127 = vector.bitcast %get3A_1126 : vector<16xi32> to vector<16xf32>
      %get3A_1128 = arith.index_cast %add3A_1079 : i32 to index
      %get3A_1129 = arith.constant 48 : index
      %get3A_1130 = tpu.vector_load %arg13[%get3A_1128, %get3A_1129] {strides = array<i32>} : memref<512x64xi32, #tpu.memory_space<vmem>>, vector<16xi32>,
      %bitcast3A_1131 = vector.bitcast %get3A_1130 : vector<16xi32> to vector<16xf32>
      %mul3A_1132 = arith.mulf %bitcast3A_1127, %bitcast3A_1131 : vector<16xf32>
      %get3A_1133 = arith.index_cast %add3A_1079 : i32 to index
      %get3A_1134 = arith.constant 48 : index
      %get3A_1135 = tpu.vector_load %arg14[%get3A_1133, %get3A_1134] {strides = array<i32>} : memref<512x64xi32, #tpu.memory_space<vmem>>, vector<16xi32>,
      %bitcast3A_1136 = vector.bitcast %get3A_1135 : vector<16xi32> to vector<16xf32>
      %mul3A_1137 = arith.mulf %mul3A_1132, %bitcast3A_1136 : vector<16xf32>
      %add3A_1138 = arith.addf %add3A_1123, %mul3A_1137 : vector<16xf32>
      %eq3A_1139 = arith.constant 15 : i32
      %eq3A_1140 = vector.broadcast %eq3A_1139 : i32 to vector<16xi32>
      %eq3A_1141 = arith.cmpi eq, %iota3A, %eq3A_1140 : vector<16xi32>
      %reduce_sum3A_1142 = arith.constant true
      %reduce_sum3A_1143 = vector.broadcast %reduce_sum3A_1142 : i1 to vector<16xi1>
      %reduce_sum3A_1144 = tpu.scan <sum>, %add3A_1138 masked %reduce_sum3A_1143 : vector<16xf32>, vector<16xi1> -> vector<16xf32>
      %reduce_sum3A_1145 = vector.extract %reduce_sum3A_1144[15] : f32 from vector<16xf32>
      %broadcast_in_dim3A_1146 = vector.broadcast %reduce_sum3A_1145 : f32 to vector<16xf32>
      %select_n3A_1147 = arith.select %eq3A_1141, %broadcast_in_dim3A_1146, %select_n3A_1077 : vector<16xi1>, vector<16xf32>
      %swap3A = arith.index_cast %mul3A_32 : i32 to index
      %swap3A_1148 = tpu.vector_load %arg15[%swap3A] {strides = array<i32>} : memref<512xf32, #tpu.memory_space<vmem>>, vector<16xf32>,
      tpu.vector_store %arg15[%swap3A], %select_n3A_1147 {strides = array<i32>} : memref<512xf32, #tpu.memory_space<vmem>>, vector<16xf32>,
    }
    "tpu.region"() ({
      %run_scoped3A = tpu.sem_alloc : memref<!tpu.dma_semaphore, #tpu.memory_space<semaphore_mem>>
      %dma_start3A_29 = tpu.memref_slice %arg8[%mul3A_2] : memref<16384xf32, #tpu.memory_space<hbm>> -> memref<512xf32, #tpu.memory_space<hbm>>
      %dma_start3A_30 = tpu.memref_slice %arg8[%mul3A_2] : memref<16384xf32, #tpu.memory_space<hbm>> -> memref<512xf32, #tpu.memory_space<hbm>>
      tpu.enqueue_dma source(%arg15 : memref<512xf32, #tpu.memory_space<vmem>>) target(%dma_start3A_30 : memref<512xf32, #tpu.memory_space<hbm>>) target_semaphore(%run_scoped3A : memref<!tpu.dma_semaphore, #tpu.memory_space<semaphore_mem>>)
      %dma_wait3A_31 = tpu.memref_slice %arg8[%mul3A_2] : memref<16384xf32, #tpu.memory_space<hbm>> -> memref<512xf32, #tpu.memory_space<hbm>>
      %dma_wait3A_32 = tpu.memref_slice %arg8[%mul3A_2] : memref<16384xf32, #tpu.memory_space<hbm>> -> memref<512xf32, #tpu.memory_space<hbm>>
      tpu.wait_dma2 semaphore(%run_scoped3A : memref<!tpu.dma_semaphore, #tpu.memory_space<semaphore_mem>>) src(%arg15 : memref<512xf32, #tpu.memory_space<vmem>>) dst(%dma_wait3A_32 : memref<512xf32, #tpu.memory_space<hbm>>)
      tpu.yield
    }) : () -> ()
    return
  }
}

</mosaic_0001>

<sc_bundles>
// kernel: _run.3.cloned.1.call-start
scs
__scs_entry_jumppad:
0x0: {  	(pc) =	sbr.rel $0x88, $3  }
0x1: {  	(tag) =	ssettag $0x0;
	lr =	simm.s32 $0x1  }
0x2: {  	[smem:$0x3F9B] =	sst lr;
	_ =	strace $0xD0000000  }
0x3: {  	_ = 	snop  }
0x4: {  	_ = 	snop  }
0x5: {  	_ = 	snop  }
0x6: {  	_ = 	snop  }
0x7: {  	_ = 	snop  }
__scs_overlays_trampoline_lowered:
0x8: {  	[smem:$0x3FAA] =	sst s0  }
0x9: {  	[smem:$0x3FAB] =	sst s1  }
0xa: {  	[smem:$0x3FAC] =	sst s2  }
0xb: {  	[smem:$0x3FAD] =	sst s3  }
0xc: {  	[smem:$0x3FAE] =	sst s4  }
0xd: {  	[smem:$0x3FAF] =	sst s5  }
0xe: {  	[smem:$0x3FB0] =	sst s6  }
0xf: {  	[smem:$0x3FB1] =	sst s7  }
0x10: {  	[smem:$0x3FB2] =	sst s8  }
0x11: {  	[smem:$0x3FB3] =	sst s9;
	s0 =	simm.s32 @!p0 $0x0  }
0x12: {  	s1 =	sld [smem:$0x3F99];
	s0 =	simm.s32 @p0 $0x1  }
0x13: {  	[smem:$0x3FB4] =	sst s0;
	s0 =	simm.s32 @!p1 $0x0  }
0x14: {  	s2 =	sld [smem:$0x3F98];
	s0 =	simm.s32 @p1 $0x1  }
0x15: {  	[smem:$0x3FB5] =	sst s0;
	s0 =	simm.s32 @!p2 $0x0  }
0x16: {  	s3 =	sld [smem:$0x3FDB];
	s0 =	simm.s32 @p2 $0x1  }
0x17: {  	s4 =	simm.s32 $0x1BF5;
	[smem:$0x3FB7] =	sst s0  }
0x18: {  	s0 =	sld [smem:$0x3F9A];
	_ =	swait.ge [sflag:s4], $0x0  }
0x19: {  	s7 =	sld [smem:$0x3F9B]  }
0x1a: {  	s8 =	sadd.s32 $0xFFFFE003, lr  }
0x1b: {  	s9 =	sadd.s32 $0xFFFFFEF7, lr;
	s5 =	simm.s32 $0xFFFFFFFF;
	p2 =	slt.u32 s8, $0xFFFFF086  }
0x1c: {  	p1 =	slt.u32 s9, $0xF7A;
	s5 =	simm.s32 @!p2 $0x0  }
0x1d: {  	s5 =	simm.s32 @p1 $0x1;
	p0 =	seq.s32 s7, s2  }
0x1e: {  	s7 =	smul.u32 @!p0 $0xF7A, s2;
	p2 =	seq.s32 @!p0 s5, $0x0  }
0x1f: {  	s9 =	smul.u32 $0xF7A, s1;
	s8 =	simm.s32 @!p0 $0x1BF5;
	p2 =	por !p2, p0  }
0x20: {  	[sflag:s8] =	ssyncset.s32 @!p0 $0xFFFFF086;
	s6 =	sadd.s32 @!p0 s3, s7;
	s7 =	simm.s32 @!p0 $0x108  }
0x21: {  	s3 =	sadd.s32 s3, s9;
	s6 =	sadd.s32 @!p0 $0x88, s6;
	s7 =	simm.s32 @p2 $0x1082  }
0x22: {  	[simem:s7], [sflag:s8] =	dma.local @!p0 [hbm:s6], $0xF7A  }
0x23: {  	s9 =	sor.u32 $0xD0000000, s2;
	s6 =	simm.s32 $0x108;
	_ =	swait.ge @!p0 [sflag:s8], $0x0  }
0x24: {  	s3 =	sadd.s32 $0x88, s3;
	s6 =	simm.s32 @!p1 $0x1082;
	[sflag:s4] =	ssyncset.s32 $0xFFFFF086  }
0x25: {  	[simem:s6], [sflag:s4] =	dma.local [hbm:s3], $0xF7A  }
0x26: {  	[smem:$0x3F9B] =	sst s1;
	(tag) =	ssettag s2;
	_ =	strace s9  }
0x27: {  	s1 =	sld [smem:$0x3FAB]  }
0x28: {  	s2 =	sld [smem:$0x3FAC]  }
0x29: {  	s4 =	sld [smem:$0x3FAE]  }
0x2a: {  	p0 =	seq.s32 s5, $0x0;
	s5 =	sld [smem:$0x3FAF]  }
0x2b: {  	s6 =	sld [smem:$0x3FB0]  }
0x2c: {  	s7 =	sld [smem:$0x3FB1]  }
0x2d: {  	s3 =	simm.s32 $0x108;
	s8 =	sld [smem:$0x3FB2]  }
0x2e: {  	s3 =	simm.s32 @!p0 $0x1082;
	s9 =	sld [smem:$0x3FB3]  }
0x2f: {  	lr =	sadd.s32 s0, s3;
	s0 =	sld [smem:$0x3FAA]  }
0x30: {  	s3 =	sld [smem:$0x3FAD]  }
0x31: {  	[smem:$0x3FB6] =	sst s10  }
0x32: {  	s10 =	sld [smem:$0x3FB4];
	_ =	sdelay $0x3  }
0x33: {  	p0 =	seq.s32 s10, $0x1;
	s10 =	sld [smem:$0x3FB6];
	_ =	sdelay $0x3  }
0x34: {  	[smem:$0x3FB6] =	sst s10  }
0x35: {  	s10 =	sld [smem:$0x3FB5];
	_ =	sdelay $0x3  }
0x36: {  	p1 =	seq.s32 s10, $0x1;
	s10 =	sld [smem:$0x3FB6];
	_ =	sdelay $0x3  }
0x37: {  	[smem:$0x3FB6] =	sst s10  }
0x38: {  	s10 =	sld [smem:$0x3FB7]  }
0x39: {  	_ = 	snop;
	(pc) =	sbr.ind lr, $3  }
0x3a: {  	_ = 	snop  }
0x3b: {  	_ = 	snop  }
0x3c: {  	p2 =	seq.s32 s10, $0x1;
	s10 =	sld [smem:$0x3FB6]  }
0x3d: {  	_ =	shalt  }
0x3e: {  	_ =	shalt  }
0x3f: {  	_ =	shalt  }
0x40: {  	_ =	shalt  }
0x41: {  	_ =	shalt  }
0x42: {  	_ =	shalt  }
0x43: {  	_ =	shalt  }
0x44: {  	_ =	shalt  }
0x45: {  	_ =	shalt  }
0x46: {  	_ =	shalt  }
0x47: {  	_ =	shalt  }
0x48: {  	_ =	shalt  }
0x49: {  	_ =	shalt  }
0x4a: {  	_ =	shalt  }
0x4b: {  	_ =	shalt  }
0x4c: {  	_ =	shalt  }
0x4d: {  	_ =	shalt  }
0x4e: {  	_ =	shalt  }
0x4f: {  	_ =	shalt  }
0x50: {  	_ =	shalt  }
0x51: {  	_ =	shalt  }
0x52: {  	_ =	shalt  }
0x53: {  	_ =	shalt  }
0x54: {  	_ =	shalt  }
0x55: {  	_ =	shalt  }
0x56: {  	_ =	shalt  }
0x57: {  	_ =	shalt  }
0x58: {  	_ =	shalt  }
0x59: {  	_ =	shalt  }
0x5a: {  	_ =	shalt  }
0x5b: {  	_ =	shalt  }
0x5c: {  	_ =	shalt  }
0x5d: {  	_ =	shalt  }
0x5e: {  	_ =	shalt  }
0x5f: {  	_ =	shalt  }
0x60: {  	_ =	shalt  }
0x61: {  	_ =	shalt  }
0x62: {  	_ =	shalt  }
0x63: {  	_ =	shalt  }
0x64: {  	_ =	shalt  }
0x65: {  	_ =	shalt  }
0x66: {  	_ =	shalt  }
0x67: {  	_ =	shalt  }
0x68: {  	_ =	shalt  }
0x69: {  	_ =	shalt  }
0x6a: {  	_ =	shalt  }
0x6b: {  	_ =	shalt  }
0x6c: {  	_ =	shalt  }
0x6d: {  	_ =	shalt  }
0x6e: {  	_ =	shalt  }
0x6f: {  	_ =	shalt  }
0x70: {  	_ =	shalt  }
0x71: {  	_ =	shalt  }
0x72: {  	_ =	shalt  }
0x73: {  	_ =	shalt  }
0x74: {  	_ =	shalt  }
0x75: {  	_ =	shalt  }
0x76: {  	_ =	shalt  }
0x77: {  	_ =	shalt  }
0x78: {  	_ =	shalt  }
0x79: {  	_ =	shalt  }
0x7a: {  	_ =	shalt  }
0x7b: {  	_ =	shalt  }
0x7c: {  	_ =	shalt  }
0x7d: {  	_ =	shalt  }
0x7e: {  	_ =	shalt  }
0x7f: {  	_ =	shalt  }
0x80: {  	_ =	shalt  }
0x81: {  	_ =	shalt  }
0x82: {  	_ =	shalt  }
0x83: {  	_ =	shalt  }
0x84: {  	_ =	shalt  }
0x85: {  	_ =	shalt  }
0x86: {  	_ =	shalt  }
0x87: {  	_ =	shalt  }
.Lfunc_end0:
.L_simem_size_0:
called_computation_lowered:
.L_overlay_start_0:
0x88: {  	s2 =	sld [smem:$0x3FD9]  }
0x89: {  	s3 =	sld [smem:$0x3FFE];
	_ =	sdelay $0x1  }
0x8a: {  	s1 =	srdreg.scid  }
0x8b: {  	s0 =	sand.u32 $0x1, s1  }
0x8c: {  	s17 =	sshll.u32 s0, $0xA;
	s2 =	sadd.s32 s3, s2  }
0x8d: {  	s2 =	sadd.s32 s2, s17  }
0x8e: {  	[smem:$0x3FC2] =	sst s2  }
0x8f: {  	_ = 	snop  }
0x90: {  	s2 =	sld [smem:$0x3FC6]  }
0x91: {  	s18 =	sld [smem:$0x3FC5]  }
0x92: {  	s4 =	sld [smem:$0x3FC4]  }
0x93: {  	s5 =	sld [smem:$0x3FD0];
	(tm) =	ssettm $0x1  }
0x94: {  	s6 =	sld [smem:$0x3FFB];
	_ =	sdelay $0x3  }
0x95: {  	_ =	strace s6  }
0x96: {  	s6 =	sld [smem:$0x3FFC];
	_ =	sdelay $0x3  }
0x97: {  	_ =	strace s6  }
0x98: {  	s6 =	sld [smem:$0x3FFD];
	_ =	sdelay $0x3  }
0x99: {  	_ =	strace s6  }
0x9a: {  	_ =	strace $0x8FFFFFFF  }
0x9b: {  	s19 =	sld [smem:$0x3FDB];
	_ =	sdelay $0x1  }
0x9c: {  	s7 =	simm.s32 $_scs_section_size  }
0x9d: {  	s8 =	simm.s32 $_size__tile_overlayer_lowered;
	s9 =	simm.s32 $_tile_overlayer_lowered  }
0x9e: {  	s22 =	simm.s32 $0x1BFF;
	s21 =	sshll.u32 s9, $0x1;
	s6 =	sadd.s32 s7, s19  }
0x9f: {  	s10 =	simm.s32 $0x0;
	s20 =	sshll.u32 s8, $0x1;
	s8 =	sadd.s32 s21, s6  }
0xa0: {  	[timem:s10], [sflag:s22] =	dma.local [hbm:s8], s20  }
0xa1: {  	_ =	swait.ge [sflag:s22], s20  }
0xa2: {  	s7 =	ssub.s32 $0x0, s20;
	[sflag:s22] =	ssyncset.done $0x0  }
0xa3: {  	[sflag:s22] =	ssyncadd.s32 s7;
	_ =	sdelay $0x1  }
0xa4: {  	s23 =	simm.s32 $0x1B8B  }
0xa5: {  	_ =	swait.ge [sflag:s23], $0x1  }
0xa6: {  	[sflag:s23] =	ssyncset.done $0x0  }
0xa7: {  	s25 =	simm.s32 $0x1B8E;
	s24 =	sld [smem:$0x3FFE];
	[sflag:s23] =	ssyncadd.s32 $0xFFFFFFFF  }
0xa8: {  	s26 =	simm.s32 $execute0_lowered;
	[smem:$0x3FD2] =	sst s25  }
0xa9: {  	s8 =	sshll.u32 s26, $0x1;
	_ =	strace $0x80000046;
	[dreg:$0x1] =	wrdreg $0xFFFFFFFF  }
0xaa: {  	s28 =	simm.s32 $_size_execute0_lowered;
	s6 =	sadd.s32 s6, s8;
	[dreg:$0x0] =	wrdreg $0x0  }
0xab: {  	s8 =	sshll.u32 s28, $0x1;
	[dreg:$0x2] =	wrdreg s6  }
0xac: {  	[dreg:$0x3] =	wrdreg s8  }
0xad: {  	[dreg:$0x4] =	wrdreg $0xC0  }
0xae: {  	_ =	task [dreg:s10], $0x5FFFF  }
0xaf: {  	[dreg:$0x1] =	wrdreg $0xFFFFFFFF  }
0xb0: {  	[dreg:$0x0] =	wrdreg $0x60  }
0xb1: {  	[dreg:$0x2] =	wrdreg s24  }
0xb2: {  	[dreg:$0x3] =	wrdreg s2  }
0xb3: {  	[dreg:$0x4] =	wrdreg s18  }
0xb4: {  	[dreg:$0x5] =	wrdreg s4  }
0xb5: {  	[dreg:$0x6] =	wrdreg s5  }
0xb6: {  	[dreg:$0x7] =	wrdreg $0x9  }
0xb7: {  	_ =	task.clear_ibuf [dreg:s10], $0x8FFFF;
	_ =	strace $0x90000046  }
0xb8: {  	s29 =	simm.s32 $0x9;
	_ =	strace $0x80000048  }
0xb9: {  	_ =	swait.ge [sflag:s29], $0x1  }
0xba: {  	[sflag:s29] =	ssyncadd.s32 $0xFFFFFFFF  }
0xbb: {  	_ =	strace $0x90000048  }
0xbc: {  	_ =	sfence  }
0xbd: {  	s30 =	sld [smem:$0x0];
	_ =	sdelay $0x2  }
0xbe: {  	s31 =	sshll.u32 s1, $0xD;
	s1 =	sshrl.u32 s1, $0x2  }
0xbf: {  	s3 =	sand.u32 $0x4000, s31;
	s1 =	sadd.s32 s1, s30  }
0xc0: {  	s0 =	sor.u32 s3, s0;
	s1 =	sshll.u32 s1, $0x11  }
0xc1: {  	s0 =	sor.u32 s1, s0  }
0xc2: {  	s0 =	sadd.s32 $0x8F2B, s0  }
0xc3: {  	[sflag:s0] =	ssyncadd.remote.s32 $0x1  }
0xc4: {  	_ =	sfence.sel $0xFFFF  }
0xc5: {  	[dreg:$0x0] =	wrdreg $0xFFFFFFFF;
	(pc) =	sbr.abs _section_cstart, $3  }
0xc6: {  	[dreg:$0x1] =	wrdreg $0xFFFFFFFF  }
0xc7: {  	_ =	task.clear_ibuf [dreg:s10], $0x2FFFF;
	_ =	strace $0x9FFFFFFF  }
0xc8: {  	(tm) =	ssettm $0x7FFFFFFF  }
0xc9: {  	_ =	shalt  }
tec
execute0_lowered:
.L_overlay_start_1:
0x0: {  	(tag) =	ssettag $0x1  }
0x1: {  	s5 =	rddreg [dreg:$0x0]  }
0x2: {  	s6 =	rddreg [dreg:$0x1]  }
0x3: {  	s7 =	rddreg [dreg:$0x2]  }
0x4: {  	s8 =	rddreg [dreg:$0x3]  }
0x5: {  	s9 =	rddreg [dreg:$0x4]  }
0x6: {  	s0 =	rddreg [dreg:$0x5];
	s1 =	simm.s32 $0x0;
	s10 =	srdreg.scid  }
0x7: {  	s2 =	stileid.u32;
	s14 =	simm.s32 $0x600;
	s15 =	simm.s32 $0x8600  }
0x8: {  	s16 =	simm.s32 $0x10600;
	s17 =	simm.s32 $0x1;
	s18 =	simm.s32 $0x18600  }
0x9: {  	s19 =	simm.s32 $0x0;
	[smem:$0x7FF] =	sst s1;
	s3 =	sadd.s32 $0x188A00, s5  }
0xa: {  	s4 =	sadd.s32 $0x24C000, s5;
	s10 =	sand.u32 $0x1, s10;
	s12 =	sshll.u32 s2, $0x7  }
0xb: {  	vm0 =	vmmov $0x1;
	vm1 =	vmmov $0x3;
	vm2 =	vmmov $0x7;
	s5 =	sadd.s32 $0x30F600, s5;
	s11 =	ssub.s32 $0x2, s10;
	s10 =	sshll.u32 s10, $0x6  }
0xc: {  	vm3 =	vmmov $0xf;
	vm4 =	vmmov $0x1f;
	vm5 =	vmmov $0x3f;
	_ =	strace $0x80000047;
	s13 =	sshrl.u32 s11, $0x1;
	s10 =	sor.u32 s10, s12  }
0xd: {  	vm6 =	vmmov $0x7f;
	vm7 =	vmmov $0xff;
	vm8 =	vmmov $0x1ff;
	s12 =	simm.s32 $0x200;
	s11 =	ssub.s32 s11, s13;
	s6 =	sadd.s32 s6, s10  }
0xe: {  	vm9 =	vmmov $0x3ff;
	vm10 =	vmmov $0x7ff;
	vm11 =	vmmov $0xfff;
	s7 =	sadd.s32 s7, s10;
	s8 =	sadd.s32 s8, s10;
	s9 =	sadd.s32 s9, s10  }
0xf: {  	vm12 =	vmmov $0x1fff;
	vm13 =	vmmov $0x3fff;
	vm14 =	vmmov $0x7fff;
	s13 =	simm.s32 $0x400;
	s10 =	smax.u32 s11, $0x1;
	s11 =	simm.s32 $0x2  }
.LBB2_1:
0x10: {  	[tilespmem:s1], [sflag:$0x2] =	stream.linear.gather [hbm4b:s6+s1], $0x200, $0x38;
	[tilespmem:$0x18800] =	vst v63  }
0x11: {  	_ =	swait.ge [sflag:s11], $0x200  }
0x12: {  	[sflag:s11] =	ssyncset.done $0x0  }
0x13: {  	[sflag:s11] =	ssyncadd.s32 $0xFFFFFE00  }
0x14: {  	[tilespmem:s12], [sflag:$0x2] =	stream.linear.gather [hbm4b:s7+s1], $0x200, $0x38;
	[tilespmem:$0x18800] =	vst v63  }
0x15: {  	_ =	swait.ge [sflag:s11], $0x200  }
0x16: {  	[sflag:s11] =	ssyncset.done $0x0  }
0x17: {  	[sflag:s11] =	ssyncadd.s32 $0xFFFFFE00  }
0x18: {  	[tilespmem:s13], [sflag:$0x2] =	stream.linear.gather [hbm4b:s8+s1], $0x200, $0x38;
	[tilespmem:$0x18800] =	vst v63  }
0x19: {  	_ =	swait.ge [sflag:s11], $0x200  }
0x1a: {  	[sflag:s11] =	ssyncset.done $0x0  }
0x1b: {  	[sflag:s11] =	ssyncadd.s32 $0xFFFFFE00  }
0x1c: {  	[tilespmem:s14], [sflag:$0x1] =	stream.indirect.gather [hbm4b:s3+s12], $0x40, s1, s12, $0xb8;
	[tilespmem:$0x18800] =	vst v63  }
0x1d: {  	_ = 	snop  }
0x1e: {  	[tilespmem:s15], [sflag:$0x1] =	stream.indirect.gather [hbm4b:s4+s12], $0x40, s12, s12, $0xb8;
	[tilespmem:$0x18800] =	vst v63  }
0x1f: {  	_ = 	snop  }
0x20: {  	[tilespmem:s16], [sflag:$0x1] =	stream.indirect.gather [hbm4b:s5+s12], $0x40, s13, s12, $0xb8;
	[tilespmem:$0x18800] =	vst v63  }
0x21: {  	_ =	swait.ge [sflag:s17], $0x8000  }
0x22: {  	[sflag:s17] =	ssyncset.done $0x0  }
0x23: {  	[sflag:s17] =	ssyncadd.s32 $0xFFFF8000  }
0x24: {  	_ =	swait.ge [sflag:s17], $0x8000  }
0x25: {  	[sflag:s17] =	ssyncset.done $0x0  }
0x26: {  	[sflag:s17] =	ssyncadd.s32 $0xFFFF8000  }
0x27: {  	_ =	swait.ge [sflag:s17], $0x8000  }
0x28: {  	[sflag:s17] =	ssyncset.done $0x0  }
0x29: {  	s20 =	simm.s32 $0x0;
	[sflag:s17] =	ssyncadd.s32 $0xFFFF8000  }
0x2a: {  	v0 =	vld [tilespmem:s20+$0x9F0];
	_ =	sdelay $0x4  }
0x2b: {  	[tilespmem:$0x1FB20] =	vst v0;
	v0 =	vld [tilespmem:s20+$0x109C0];
	_ =	sdelay $0x4  }
0x2c: {  	[tilespmem:$0x1FAE0] =	vst v0;
	v0 =	vld [tilespmem:s20+$0x109D0];
	_ =	sdelay $0x4  }
0x2d: {  	[tilespmem:$0x1FB10] =	vst v0;
	v0 =	vld [tilespmem:s20+$0x9E0];
	_ =	sdelay $0x4  }
0x2e: {  	[tilespmem:$0x1FB00] =	vst v0;
	v0 =	vld [tilespmem:s20+$0x9D0];
	_ =	sdelay $0x4  }
0x2f: {  	[tilespmem:$0x1FA90] =	vst v0;
	v0 =	vld [tilespmem:s20+$0x89D0];
	_ =	sdelay $0x4  }
0x30: {  	[tilespmem:$0x1FAA0] =	vst v0;
	v0 =	vld [tilespmem:s20+$0x10960];
	_ =	sdelay $0x4  }
0x31: {  	[tilespmem:$0x1FAB0] =	vst v0;
	v0 =	vld [tilespmem:s20+$0x970];
	_ =	sdelay $0x4  }
0x32: {  	[tilespmem:$0x1FAD0] =	vst v0;
	v0 =	vld [tilespmem:s20+$0x9A0];
	_ =	sdelay $0x4  }
0x33: {  	[tilespmem:$0x1F690] =	vst v0;
	v0 =	vld [tilespmem:s20+$0x108F0];
	_ =	sdelay $0x4  }
0x34: {  	[tilespmem:$0x1F720] =	vst v0;
	v0 =	vld [tilespmem:s20+$0x10920];
	_ =	sdelay $0x4  }
0x35: {  	[tilespmem:$0x1F730] =	vst v0;
	v0 =	vld [tilespmem:s20+$0x10940];
	_ =	sdelay $0x4  }
0x36: {  	[tilespmem:$0x1FA70] =	vst v0;
	v0 =	vld [tilespmem:s20+$0x960];
	_ =	sdelay $0x4  }
0x37: {  	[tilespmem:$0x1F6A0] =	vst v0;
	v0 =	vld [tilespmem:s20+$0x8960];
	_ =	sdelay $0x4  }
0x38: {  	[tilespmem:$0x1F6B0] =	vst v0;
	v0 =	vld [tilespmem:s20+$0x980];
	_ =	sdelay $0x4  }
0x39: {  	[tilespmem:$0x1F6C0] =	vst v0;
	v0 =	vld [tilespmem:s20+$0x8980];
	_ =	sdelay $0x4  }
0x3a: {  	[tilespmem:$0x1F6D0] =	vst v0;
	v0 =	vld [tilespmem:s20+$0x990];
	_ =	sdelay $0x4  }
0x3b: {  	[tilespmem:$0x1F6F0] =	vst v0;
	v0 =	vld [tilespmem:s20+$0x8990];
	_ =	sdelay $0x4  }
0x3c: {  	[tilespmem:$0x1F700] =	vst v0;
	v0 =	vld [tilespmem:s20+$0x108E0];
	_ =	sdelay $0x4  }
0x3d: {  	[tilespmem:$0x1F760] =	vst v0;
	v0 =	vld [tilespmem:s20+$0x8F0];
	_ =	sdelay $0x4  }
0x3e: {  	[tilespmem:$0x1F6E0] =	vst v0;
	v0 =	vld [tilespmem:s20+$0x10900];
	_ =	sdelay $0x4  }
0x3f: {  	[tilespmem:$0x1F770] =	vst v0;
	v0 =	vld [tilespmem:s20+$0x10910];
	_ =	sdelay $0x4  }
0x40: {  	[tilespmem:$0x1F790] =	vst v0;
	v0 =	vld [tilespmem:s20+$0x920];
	_ =	sdelay $0x4  }
0x41: {  	[tilespmem:$0x1F710] =	vst v0;
	v0 =	vld [tilespmem:s20+$0x940];
	_ =	sdelay $0x4  }
0x42: {  	[tilespmem:$0x1F740] =	vst v0;
	v0 =	vld [tilespmem:s20+$0x8940];
	_ =	sdelay $0x4  }
0x43: {  	[tilespmem:$0x1F750] =	vst v0;
	v0 =	vld [tilespmem:s20+$0x950];
	_ =	sdelay $0x4  }
0x44: {  	[tilespmem:$0x1FA30] =	vst v0;
	v0 =	vld [tilespmem:s20+$0x8950];
	_ =	sdelay $0x4  }
0x45: {  	[tilespmem:$0x1FA40] =	vst v0;
	v0 =	vld [tilespmem:s20+$0x10870];
	_ =	sdelay $0x4  }
0x46: {  	[tilespmem:$0x1F780] =	vst v0;
	v0 =	vld [tilespmem:s20+$0x108A0];
	_ =	sdelay $0x4  }
0x47: {  	[tilespmem:$0x1FA50] =	vst v0;
	v0 =	vld [tilespmem:s20+$0x8B0];
	_ =	sdelay $0x4  }
0x48: {  	[tilespmem:$0x1FA60] =	vst v0;
	v0 =	vld [tilespmem:s20+$0x108C0];
	_ =	sdelay $0x4  }
0x49: {  	[tilespmem:$0x1F7C0] =	vst v0;
	v0 =	vld [tilespmem:s20+$0x108D0];
	_ =	sdelay $0x4  }
0x4a: {  	[tilespmem:$0x1F7E0] =	vst v0;
	v0 =	vld [tilespmem:s20+$0x10830];
	_ =	sdelay $0x4  }
0x4b: {  	[tilespmem:$0x1F7D0] =	vst v0;
	v0 =	vld [tilespmem:s20+$0x10860];
	_ =	sdelay $0x4  }
0x4c: {  	[tilespmem:$0x1F7F0] =	vst v0;
	v0 =	vld [tilespmem:s20+$0x10880];
	_ =	sdelay $0x4  }
0x4d: {  	[tilespmem:$0x1FA20] =	vst v0;
	v0 =	vld [tilespmem:s20+$0x8A0];
	_ =	sdelay $0x4  }
0x4e: {  	[tilespmem:$0x1F7A0] =	vst v0;
	v0 =	vld [tilespmem:s20+$0x8D0];
	_ =	sdelay $0x4  }
0x4f: {  	[tilespmem:$0x1F7B0] =	vst v0;
	v0 =	vld [tilespmem:s20+$0x10820];
	_ =	sdelay $0x4  }
0x50: {  	[tilespmem:$0x1F810] =	vst v0;
	v0 =	vld [tilespmem:s20+$0x10840];
	_ =	sdelay $0x4  }
0x51: {  	[tilespmem:$0x1F820] =	vst v0;
	v0 =	vld [tilespmem:s20+$0x10850];
	_ =	sdelay $0x4  }
0x52: {  	[tilespmem:$0x1F840] =	vst v0;
	v0 =	vld [tilespmem:s20+$0x880];
	_ =	sdelay $0x4  }
0x53: {  	[tilespmem:$0x1F800] =	vst v0;
	v0 =	vld [tilespmem:s20+$0x890];
	_ =	sdelay $0x4  }
0x54: {  	[tilespmem:$0x1F9E0] =	vst v0;
	v0 =	vld [tilespmem:s20+$0x8890];
	_ =	sdelay $0x4  }
0x55: {  	[tilespmem:$0x1F9F0] =	vst v0;
	v0 =	vld [tilespmem:s20+$0x107B0];
	_ =	sdelay $0x4  }
0x56: {  	[tilespmem:$0x1F830] =	vst v0;
	v0 =	vld [tilespmem:s20+$0x107E0];
	_ =	sdelay $0x4  }
0x57: {  	[tilespmem:$0x1FA00] =	vst v0;
	v0 =	vld [tilespmem:s20+$0x7F0];
	_ =	sdelay $0x4  }
0x58: {  	[tilespmem:$0x1FA10] =	vst v0;
	v0 =	vld [tilespmem:s20+$0x10800];
	_ =	sdelay $0x4  }
0x59: {  	[tilespmem:$0x1F850] =	vst v0;
	v0 =	vld [tilespmem:s20+$0x10810];
	_ =	sdelay $0x4  }
0x5a: {  	[tilespmem:$0x1F870] =	vst v0;
	v0 =	vld [tilespmem:s20+$0x10770];
	_ =	sdelay $0x4  }
0x5b: {  	[tilespmem:$0x1F860] =	vst v0;
	v0 =	vld [tilespmem:s20+$0x107A0];
	_ =	sdelay $0x3  }
0x5c: {  	v1 =	vld [tilespmem:s20+$0x109B0]  }
0x5d: {  	[tilespmem:$0x1F880] =	vst v0;
	v0 =	vld [tilespmem:s20+$0x107C0]  }
0x5e: {  	v2 =	vld [tilespmem:s20+$0x109A0]  }
0x5f: {  	v4 =	vld [tilespmem:s20+$0x9B0]  }
0x60: {  	v16 =	vld [tilespmem:s20+$0x89B0]  }
0x61: {  	v3 =	vld [tilespmem:s20+$0x9C0]  }
0x62: {  	[tilespmem:$0x1F9D0] =	vst v0;
	v0 =	vld [tilespmem:s20+$0x10760]  }
0x63: {  	v8 =	vld [tilespmem:s20+$0x89C0]  }
0x64: {  	v15 =	vld [tilespmem:s20+$0x10930]  }
0x65: {  	v27 =	vld [tilespmem:s20+$0x10980]  }
0x66: {  	v11 =	vld [tilespmem:s20+$0x10990]  }
0x67: {  	[tilespmem:$0x1F8A0] =	vst v0;
	v0 =	vld [tilespmem:s20+$0x10780]  }
0x68: {  	v61 =	vld [tilespmem:s20+$0x89A0]  }
0x69: {  	v55 =	vld [tilespmem:s20+$0x930]  }
0x6a: {  	v56 =	vld [tilespmem:s20+$0x8930]  }
0x6b: {  	v60 =	vld [tilespmem:s20+$0x88F0]  }
0x6c: {  	[tilespmem:$0x1F8B0] =	vst v0;
	v0 =	vld [tilespmem:s20+$0x10790]  }
0x6d: {  	v62 =	vld [tilespmem:s20+$0x8920]  }
0x6e: {  	v54 =	vld [tilespmem:s20+$0x8E0]  }
0x6f: {  	v6 =	vld [tilespmem:s20+$0x88E0]  }
0x70: {  	v5 =	vld [tilespmem:s20+$0x900]  }
0x71: {  	[tilespmem:$0x1F8D0] =	vst v0;
	v0 =	vld [tilespmem:s20+$0x7C0]  }
0x72: {  	v45 =	vld [tilespmem:s20+$0x8900]  }
0x73: {  	v59 =	vld [tilespmem:s20+$0x910]  }
0x74: {  	v46 =	vld [tilespmem:s20+$0x8910]  }
0x75: {  	v26 =	vld [tilespmem:s20+$0x870]  }
0x76: {  	[tilespmem:$0x1F890] =	vst v0;
	v0 =	vld [tilespmem:s20+$0x7D0]  }
0x77: {  	v19 =	vld [tilespmem:s20+$0x8870]  }
0x78: {  	v57 =	vld [tilespmem:s20+$0x88A0]  }
0x79: {  	v58 =	vld [tilespmem:s20+$0x8C0]  }
0x7a: {  	v50 =	vld [tilespmem:s20+$0x88C0]  }
0x7b: {  	[tilespmem:$0x1F990] =	vst v0;
	v0 =	vld [tilespmem:s20+$0x87D0]  }
0x7c: {  	v53 =	vld [tilespmem:s20+$0x88D0]  }
0x7d: {  	v36 =	vld [tilespmem:s20+$0x830]  }
0x7e: {  	v30 =	vld [tilespmem:s20+$0x8830]  }
0x7f: {  	v33 =	vld [tilespmem:s20+$0x860]  }
0x80: {  	[tilespmem:$0x1F9A0] =	vst v0;
	v0 =	vld [tilespmem:s20+$0x106F0]  }
0x81: {  	v29 =	vld [tilespmem:s20+$0x8860]  }
0x82: {  	v52 =	vld [tilespmem:s20+$0x8880]  }
0x83: {  	v18 =	vld [tilespmem:s20+$0x820]  }
0x84: {  	v17 =	vld [tilespmem:s20+$0x8820]  }
0x85: {  	[tilespmem:$0x1F8C0] =	vst v0;
	v0 =	vld [tilespmem:s20+$0x10720]  }
0x86: {  	v14 =	vld [tilespmem:s20+$0x840]  }
0x87: {  	v13 =	vld [tilespmem:s20+$0x8840]  }
0x88: {  	v24 =	vld [tilespmem:s20+$0x850]  }
0x89: {  	v23 =	vld [tilespmem:s20+$0x8850]  }
0x8a: {  	[tilespmem:$0x1F9B0] =	vst v0;
	v0 =	vld [tilespmem:s20+$0x730]  }
0x8b: {  	v9 =	vld [tilespmem:s20+$0x7B0]  }
0x8c: {  	v7 =	vld [tilespmem:s20+$0x87B0]  }
0x8d: {  	v44 =	vld [tilespmem:s20+$0x7E0]  }
0x8e: {  	v41 =	vld [tilespmem:s20+$0x87E0]  }
0x8f: {  	[tilespmem:$0x1F9C0] =	vst v0;
	v0 =	vld [tilespmem:s20+$0x10740]  }
0x90: {  	v42 =	vld [tilespmem:s20+$0x800]  }
0x91: {  	v37 =	vld [tilespmem:s20+$0x8800]  }
0x92: {  	v51 =	vld [tilespmem:s20+$0x810]  }
0x93: {  	v47 =	vld [tilespmem:s20+$0x8810]  }
0x94: {  	[tilespmem:$0x1F900] =	vst v0;
	v0 =	vld [tilespmem:s20+$0x10750]  }
0x95: {  	v25 =	vld [tilespmem:s20+$0x770]  }
0x96: {  	v20 =	vld [tilespmem:s20+$0x8770]  }
0x97: {  	v28 =	vld [tilespmem:s20+$0x7A0]  }
0x98: {  	v21 =	vld [tilespmem:s20+$0x87A0]  }
0x99: {  	v63 =	vld [tilespmem:s20+$0x87C0];
	[tilespmem:$0x1F910] =	vst v0  }
0x9a: {  	v35 =	vld [tilespmem:s20+$0x760]  }
0x9b: {  	v0 =	vld [tilespmem:s20+$0x106B0];
	_ =	sdelay $0x4  }
0x9c: {  	[tilespmem:$0x1F920] =	vst v0;
	v0 =	vld [tilespmem:s20+$0x106E0];
	_ =	sdelay $0x1  }
0x9d: {  	v31 =	vld [tilespmem:s20+$0x8760]  }
0x9e: {  	v32 =	vld [tilespmem:s20+$0x780]  }
0x9f: {  	v22 =	vld [tilespmem:s20+$0x8780]  }
0xa0: {  	[tilespmem:$0x1F930] =	vst v0;
	v0 =	vld [tilespmem:s20+$0x10700]  }
0xa1: {  	v40 =	vld [tilespmem:s20+$0x790]  }
0xa2: {  	v34 =	vld [tilespmem:s20+$0x8790]  }
0xa3: {  	v12 =	vld [tilespmem:s20+$0x6F0]  }
0xa4: {  	v45 =	vmul.f32 v45, v5;
	v5 =	vld [tilespmem:$0x1F760]  }
0xa5: {  	[tilespmem:$0x1F980] =	vst v0;
	v0 =	vld [tilespmem:s20+$0x720]  }
0xa6: {  	v10 =	vld [tilespmem:s20+$0x86F0]  }
0xa7: {  	v54 =	vmul.f32 v6, v54;
	v49 =	vld [tilespmem:s20+$0x740]  }
0xa8: {  	v48 =	vld [tilespmem:s20+$0x8740]  }
0xa9: {  	v54 =	vmul.f32 v5, v54;
	v5 =	vld [tilespmem:$0x1F770]  }
0xaa: {  	[tilespmem:$0x1F8E0] =	vst v0;
	v0 =	vld [tilespmem:s20+$0x8720]  }
0xab: {  	v43 =	vld [tilespmem:s20+$0x750]  }
0xac: {  	v39 =	vld [tilespmem:s20+$0x8750]  }
0xad: {  	v38 =	vld [tilespmem:s20+$0x6B0]  }
0xae: {  	v45 =	vmul.f32 v5, v45;
	v5 =	vld [tilespmem:$0x1F780]  }
0xaf: {  	v55 =	vmul.f32 v56, v55;
	[tilespmem:$0x1F8F0] =	vst v0;
	v0 =	vld [tilespmem:s20+$0x10630]  }
0xb0: {  	v56 =	vld [tilespmem:s20+$0x106D0]  }
0xb1: {  	v19 =	vmul.f32 v19, v26;
	v55 =	vmul.f32 v15, v55;
	v15 =	vld [tilespmem:s20+$0x6E0]  }
0xb2: {  	v26 =	vmul.f32 v46, v59;
	v59 =	vld [tilespmem:s20+$0x630]  }
0xb3: {  	v46 =	vmul.f32 v5, v19;
	v5 =	vld [tilespmem:$0x1F790]  }
0xb4: {  	[tilespmem:$0x1F960] =	vst v0;
	v0 =	vld [tilespmem:s20+$0x106A0]  }
0xb5: {  	v58 =	vmul.f32 v50, v58;
	v50 =	vld [tilespmem:s20+$0x10660]  }
0xb6: {  	v6 =	vld [tilespmem:s20+$0x6A0]  }
0xb7: {  	v17 =	vmul.f32 v17, v18;
	v18 =	vld [tilespmem:$0x1F810]  }
0xb8: {  	v26 =	vmul.f32 v5, v26;
	v5 =	vld [tilespmem:$0x1F7A0]  }
0xb9: {  	[tilespmem:$0x1F950] =	vst v0;
	v0 =	vmul.f32 v16, v4;
	v4 =	vld [tilespmem:$0x1F690]  }
0xba: {  	v13 =	vmul.f32 v13, v14;
	v14 =	vld [tilespmem:s20+$0x86C0]  }
0xbb: {  	v7 =	vmul.f32 v7, v9;
	v9 =	vmul.f32 v23, v24;
	v24 =	vld [tilespmem:s20+$0x86D0]  }
0xbc: {  	v20 =	vmul.f32 v20, v25;
	v25 =	vmul.f32 v47, v51;
	v47 =	vld [tilespmem:$0x1F870]  }
0xbd: {  	v51 =	vld [tilespmem:$0x1F880];
	v17 =	vmul.f32 v18, v17  }
0xbe: {  	v18 =	vld [tilespmem:$0x1F820];
	v57 =	vmul.f32 v57, v5;
	v61 =	vmul.f32 v61, v4  }
0xbf: {  	v5 =	vld [tilespmem:$0x1F7B0];
	v4 =	vmul.f32 v1, v0;
	v0 =	vmul.f32 v8, v3  }
0xc0: {  	v22 =	vmul.f32 v22, v32;
	v32 =	vld [tilespmem:s20+$0x680]  }
0xc1: {  	[tilespmem:$0x1FAF0] =	vst v0;
	v0 =	vld [tilespmem:s20+$0x106C0]  }
0xc2: {  	v10 =	vmul.f32 v10, v12;
	v12 =	vmul.f32 v34, v40;
	v40 =	vld [tilespmem:$0x1F8A0]  }
0xc3: {  	v25 =	vmul.f32 v47, v25;
	v47 =	vmul.f32 v48, v49;
	v49 =	vld [tilespmem:s20+$0x8690]  }
0xc4: {  	v30 =	vmul.f32 v30, v36;
	v36 =	vmul.f32 v53, v5;
	v5 =	vld [tilespmem:$0x1F7C0]  }
0xc5: {  	v1 =	vld [tilespmem:$0x1F6B0]  }
0xc6: {  	[tilespmem:$0x1F940] =	vst v0;
	v0 =	vld [tilespmem:$0x1F6A0]  }
0xc7: {  	v13 =	vmul.f32 v18, v13;
	v18 =	vld [tilespmem:s20+$0x6D0]  }
0xc8: {  	v19 =	vld [tilespmem:s20+$0x8630]  }
0xc9: {  	v23 =	vadd.f32 v26, v45;
	v26 =	vmul.f32 v37, v42;
	v42 =	vld [tilespmem:$0x1F850]  }
0xca: {  	v29 =	vmul.f32 v29, v33;
	v45 =	vld [tilespmem:$0x1F860]  }
0xcb: {  	v33 =	vmul.f32 v5, v58;
	v5 =	vld [tilespmem:$0x1F7D0];
	v0 =	vmul.f32 v1, v0  }
0xcc: {  	v1 =	vld [tilespmem:$0x1F6D0]  }
0xcd: {  	[tilespmem:$0x1FAC0] =	vst v0;
	v0 =	vld [tilespmem:$0x1F6C0]  }
0xce: {  	v26 =	vmul.f32 v42, v26;
	v42 =	vld [tilespmem:$0x1F8B0]  }
0xcf: {  	v20 =	vmul.f32 v45, v20;
	v45 =	vld [tilespmem:$0x1F8D0]  }
0xd0: {  	v30 =	vmul.f32 v5, v30;
	v5 =	vld [tilespmem:$0x1F7E0]  }
0xd1: {  	v25 =	vadd.f32 v25, v26;
	v26 =	vld [tilespmem:s20+$0x690]  }
0xd2: {  	v0 =	vmul.f32 v1, v0;
	v1 =	vld [tilespmem:$0x1F6E0]  }
0xd3: {  	v53 =	vld [tilespmem:s20+$0x10680]  }
0xd4: {  	v17 =	vadd.f32 v17, v25;
	v25 =	vld [tilespmem:s20+$0x8600]  }
0xd5: {  	v22 =	vmul.f32 v42, v22;
	v36 =	vmul.f32 v5, v36;
	v5 =	vld [tilespmem:$0x1F7F0]  }
0xd6: {  	v12 =	vmul.f32 v45, v12;
	v3 =	vmul.f32 v2, v61;
	v2 =	vld [tilespmem:$0x1F700]  }
0xd7: {  	v60 =	vmul.f32 v60, v1;
	v1 =	vld [tilespmem:$0x1F6F0]  }
0xd8: {  	v12 =	vadd.f32 v12, v22;
	v22 =	vld [tilespmem:s20+$0x600]  }
0xd9: {  	v21 =	vmul.f32 v21, v28;
	v16 =	vld [tilespmem:s20+$0x86B0]  }
0xda: {  	v29 =	vmul.f32 v5, v29;
	v5 =	vld [tilespmem:$0x1F800]  }
0xdb: {  	v21 =	vmul.f32 v51, v21;
	v58 =	vld [tilespmem:s20+$0x10690]  }
0xdc: {  	v1 =	vmul.f32 v2, v1;
	v2 =	vld [tilespmem:$0x1F710]  }
0xdd: {  	v12 =	vadd.f32 v21, v12;
	v21 =	vld [tilespmem:$0x1F930]  }
0xde: {  	v8 =	vld [tilespmem:s20+$0x86E0]  }
0xdf: {  	v52 =	vmul.f32 v52, v5;
	v5 =	vld [tilespmem:s20+$0x86A0]  }
0xe0: {  	v22 =	vmul.f32 v25, v22;
	v25 =	vld [tilespmem:$0x1F950]  }
0xe1: {  	v62 =	vmul.f32 v62, v2;
	v2 =	vmul.f32 v27, v0;
	v0 =	vld [tilespmem:$0x1F720]  }
0xe2: {  	v61 =	vld [tilespmem:$0x1F740]  }
0xe3: {  	v8 =	vmul.f32 v8, v15;
	v15 =	vadd.f32 v30, v17;
	v17 =	vld [tilespmem:s20+$0x610]  }
0xe4: {  	v5 =	vmul.f32 v5, v6;
	v6 =	vld [tilespmem:s20+$0x8650]  }
0xe5: {  	v27 =	vld [tilespmem:s20+$0x700]  }
0xe6: {  	v60 =	vmul.f32 v0, v60;
	v0 =	vmul.f32 v11, v1;
	v1 =	vld [tilespmem:$0x1F730]  }
0xe7: {  	v11 =	vld [tilespmem:s20+$0x8700]  }
0xe8: {  	v5 =	vmul.f32 v25, v5;
	v25 =	vld [tilespmem:s20+$0x670];
	v0 =	vadd.f32 v0, v2  }
0xe9: {  	v2 =	vld [tilespmem:s20+$0x6C0]  }
0xea: {  	v3 =	vadd.f32 v3, v0;
	v0 =	vld [tilespmem:$0x1F830]  }
0xeb: {  	v1 =	vmul.f32 v1, v62;
	v62 =	vld [tilespmem:$0x1F750]  }
0xec: {  	v11 =	vmul.f32 v11, v27;
	v27 =	vld [tilespmem:$0x1F940]  }
0xed: {  	v3 =	vadd.f32 v4, v3;
	v4 =	vld [tilespmem:s20+$0x10600]  }
0xee: {  	v1 =	vadd.f32 v1, v23;
	v23 =	vld [tilespmem:s20+$0x10610]  }
0xef: {  	v2 =	vmul.f32 v14, v2;
	v7 =	vmul.f32 v0, v7;
	v0 =	vld [tilespmem:$0x1F840]  }
0xf0: {  	v14 =	vmul.f32 v24, v18;
	v18 =	vld [tilespmem:s20+$0x8610];
	v61 =	vmul.f32 v62, v61  }
0xf1: {  	v24 =	vld [tilespmem:s20+$0x640]  }
0xf2: {  	[tilespmem:$0x1FA80] =	vst v61;
	v61 =	vld [tilespmem:s20+$0x710]  }
0xf3: {  	v1 =	vadd.f32 v55, v1;
	v55 =	vld [tilespmem:$0x1F890]  }
0xf4: {  	v9 =	vmul.f32 v0, v9;
	v0 =	vmul.f32 v41, v44;
	v44 =	vadd.f32 v36, v33;
	v33 =	vld [tilespmem:s20+$0x620]  }
0xf5: {  	v36 =	vld [tilespmem:s20+$0x8620]  }
0xf6: {  	v62 =	vld [tilespmem:s20+$0x8710]  }
0xf7: {  	v28 =	vadd.f32 v54, v44;
	[tilespmem:$0x1F970] =	vst v61;
	v61 =	vld [tilespmem:s20+$0x10620]  }
0xf8: {  	v17 =	vmul.f32 v18, v17;
	v37 =	vmul.f32 v63, v55;
	v55 =	vld [tilespmem:$0x1F900]  }
0xf9: {  	v31 =	vmul.f32 v31, v35;
	v4 =	vmul.f32 v4, v22;
	v28 =	vadd.f32 v60, v28;
	v60 =	vld [tilespmem:$0x1F910]  }
0xfa: {  	v7 =	vadd.f32 v7, v12;
	v12 =	vld [tilespmem:s20+$0x8640];
	v17 =	vmul.f32 v23, v17;
	v18 =	vmul.f32 v36, v33  }
0xfb: {  	(xrf2) =	vadd.scan.msk.f32 $0xffff, v3;
	v14 =	vmul.f32 v56, v14;
	v2 =	vmul.f32 v27, v2;
	v9 =	vadd.f32 v9, v13;
	v44 =	vld [tilespmem:$0x1F8C0]  }
0xfc: {  	v48 =	vmul.f32 v39, v43;
	(xrf2) =	vadd.scan.msk.f32 $0xffff, v1;
	v41 =	vld [tilespmem:s20+$0x10640];
	v1 =	vadd.f32 v17, v4;
	v4 =	vmul.f32 v61, v18  }
0xfd: {  	v8 =	vmul.f32 v21, v8;
	v2 =	vadd.f32 v14, v2;
	v9 =	vadd.f32 v29, v9;
	v29 =	vld [tilespmem:s20+$0x8680]  }
0xfe: {  	v34 =	vmul.f32 v55, v47;
	v35 =	vmul.f32 v60, v48;
	v1 =	vadd.f32 v4, v1;
	v4 =	vld [tilespmem:$0x1F960]  }
0xff: {  	v31 =	vmul.f32 v40, v31;
	v63 =	vld [tilespmem:$0x1F920];
	v9 =	vadd.f32 v46, v9  }
0x100: {  	v2 =	vadd.f32 v8, v2;
	v13 =	vld [tilespmem:s20+$0x660];
	(xrf2) =	vadd.scan.msk.f32 $0xffff, v28;
	v10 =	vmul.f32 v44, v10;
	v21 =	vadd.f32 v35, v34  }
0x101: {  	v19 =	vmul.f32 v19, v59;
	v26 =	vmul.f32 v49, v26;
	(xrf2) =	vadd.scan.msk.f32 $0xffff, v9;
	v9 =	vld [tilespmem:$0x1F970]  }
0x102: {  	v27 =	vmul.f32 v29, v32;
	v2 =	vadd.f32 v10, v2;
	v10 =	vld [tilespmem:s20+$0x10710];
	v21 =	vadd.f32 v31, v21  }
0x103: {  	v35 =	vld [tilespmem:s20+$0x650];
	v4 =	vmul.f32 v4, v19  }
0x104: {  	v26 =	vmul.f32 v58, v26;
	v14 =	vmul.f32 v53, v27;
	v20 =	vadd.f32 v20, v21;
	v21 =	vld [tilespmem:s20+$0x8660]  }
0x105: {  	v1 =	vadd.f32 v4, v1;
	v4 =	vld [tilespmem:$0x1F980]  }
0x106: {  	v16 =	vmul.f32 v16, v38;
	v8 =	vld [tilespmem:s20+$0x10650];
	v14 =	vadd.f32 v26, v14;
	v9 =	vmul.f32 v62, v9  }
0x107: {  	v22 =	vld [tilespmem:s20+$0x8670];
	v3 =	vmul.f32 v12, v24;
	(xrf2) =	vadd.scan.msk.f32 $0xffff, v15  }
0x108: {  	v16 =	vmul.f32 v63, v16;
	(xrf2) =	vadd.scan.msk.f32 $0xffff, v7;
	v5 =	vadd.f32 v5, v14;
	v7 =	vmul.f32 v10, v9;
	v10 =	vld [tilespmem:$0x1F990]  }
0x109: {  	v6 =	vmul.f32 v6, v35;
	v12 =	vmul.f32 v21, v13;
	v13 =	vld [tilespmem:s20+$0x10670]  }
0x10a: {  	v5 =	vadd.f32 v16, v5;
	(xrf2) =	vadd.scan.msk.f32 $0xffff, v20;
	v4 =	vmul.f32 v4, v11;
	v11 =	vld [tilespmem:$0x1F9A0]  }
0x10b: {  	v3 =	vmul.f32 v41, v3;
	v14 =	vld [tilespmem:s20+$0x107D0];
	v6 =	vmul.f32 v8, v6;
	(xrf2) =	vadd.scan.msk.f32 $0xffff, v2  }
0x10c: {  	(xrf2) =	vadd.scan.msk.f32 $0xffff, v5;
	v5 =	vld [tilespmem:$0x1F9D0]  }
0x10d: {  	v3 =	vadd.f32 v6, v3;
	v6 =	vmul.f32 v50, v12;
	v12 =	vmul.f32 v22, v25;
	_ =	sdelay $0x1  }
0x10e: {  	v3 =	vadd.f32 v6, v3;
	v6 =	vmul.f32 v13, v12;
	v10 =	vmul.f32 v11, v10  }
0x10f: {  	v51 =	vld [tilespmem:$0x1F8E0]  }
0x110: {  	v54 =	vld [tilespmem:$0x1F8F0];
	v5 =	vmul.f32 v5, v37;
	v3 =	vadd.f32 v6, v3;
	v6 =	vmul.f32 v14, v10  }
0x111: {  	v8 =	vld [tilespmem:s20+$0x8730]  }
0x112: {  	v5 =	vadd.f32 v6, v5;
	v6 =	vld [tilespmem:$0x1FA00]  }
0x113: {  	v2 =	vadd.f32 v7, v4;
	v4 =	vld [tilespmem:$0x1F9B0]  }
0x114: {  	v7 =	vld [tilespmem:$0x1F9C0]  }
0x115: {  	v15 =	vld [tilespmem:s20+$0x10730]  }
0x116: {  	v38 =	vmul.f32 v54, v51;
	v9 =	vld [tilespmem:s20+$0x87F0]  }
0x117: {  	v0 =	vmul.f32 v6, v0;
	v6 =	vld [tilespmem:$0x1FA10]  }
0x118: {  	v16 =	vld [tilespmem:$0x1FA80];
	v4 =	vmul.f32 v4, v38  }
0x119: {  	v7 =	vmul.f32 v8, v7;
	v8 =	vld [tilespmem:s20+$0x107F0]  }
0x11a: {  	(xrf2) =	vadd.scan.msk.f32 $0xffff, v1;
	v1 =	vadd.f32 v4, v2;
	v4 =	vld [tilespmem:$0x1F9E0]  }
0x11b: {  	v2 =	vmul.f32 v15, v7;
	v7 =	vld [tilespmem:$0x1F9F0]  }
0x11c: {  	v11 =	vld [tilespmem:s20+$0x10890];
	v6 =	vmul.f32 v9, v6  }
0x11d: {  	v1 =	vadd.f32 v2, v1;
	v2 =	vld [tilespmem:$0x1FA20]  }
0x11e: {  	v0 =	vadd.f32 v0, v5;
	v5 =	vmul.f32 v8, v6;
	v6 =	vld [tilespmem:$0x1FA30]  }
0x11f: {  	v8 =	vld [tilespmem:$0x1FA40]  }
0x120: {  	v4 =	vmul.f32 v7, v4;
	v7 =	vld [tilespmem:s20+$0x10950]  }
0x121: {  	v0 =	vadd.f32 v5, v0;
	v5 =	vld [tilespmem:$0x1FA70];
	_ =	sdelay $0x2  }
0x122: {  	v18 =	vld [tilespmem:$0x1FAC0];
	v6 =	vmul.f32 v8, v6  }
0x123: {  	v10 =	vld [tilespmem:s20+$0x88B0];
	v2 =	vmul.f32 v2, v52;
	v4 =	vmul.f32 v11, v4  }
0x124: {  	v15 =	vld [tilespmem:$0x1FA60];
	v5 =	vmul.f32 v5, v16;
	v6 =	vmul.f32 v7, v6  }
0x125: {  	v2 =	vadd.f32 v4, v2;
	v4 =	vld [tilespmem:$0x1FA50]  }
0x126: {  	v5 =	vadd.f32 v6, v5;
	v6 =	vld [tilespmem:$0x1FAB0];
	_ =	sdelay $0x1  }
0x127: {  	v9 =	vld [tilespmem:s20+$0x108B0];
	_ =	sdelay $0x1  }
0x128: {  	v10 =	vmul.f32 v10, v15;
	v11 =	vld [tilespmem:s20+$0x8970]  }
0x129: {  	v4 =	vmul.f32 v4, v57;
	v6 =	vmul.f32 v6, v18;
	v18 =	vld [tilespmem:$0x1FAD0];
	_ =	sdelay $0x1  }
0x12a: {  	v15 =	vld [tilespmem:s20+$0x10970];
	v2 =	vadd.f32 v4, v2;
	v4 =	vmul.f32 v9, v10  }
0x12b: {  	v9 =	vld [tilespmem:$0x1FA90]  }
0x12c: {  	v12, _, _ =	vpop (xrf2);
	(xrf2) =	vadd.scan.msk.f32 $0xffff, v3;
	v2 =	vadd.f32 v4, v2;
	v4 =	vld [tilespmem:$0x1FAE0]  }
0x12d: {  	v3, _, _ =	vpop (xrf2);
	v11 =	vmul.f32 v11, v18;
	v18 =	vld [tilespmem:$0x1FAF0]  }
0x12e: {  	v13, _, _ =	vpop (xrf2);
	v10 =	vld [tilespmem:$0x1FAA0]  }
0x12f: {  	v14, _, _ =	vpop (xrf2)  }
0x130: {  	(xrf2) =	vadd.scan.msk.f32 $0xffff, v1;
	v1, _, _ =	vpop (xrf2);
	v5 =	vadd.f32 v6, v5;
	v6 =	vmul.f32 v15, v11;
	v11 =	vld [tilespmem:$0x1FB10]  }
0x131: {  	v8 =	vld [tilespmem:s20+$0x89E0];
	v16, _, _ =	vpop (xrf2)  }
0x132: {  	v17, _, _ =	vpop (xrf2);
	v4 =	vmul.f32 v4, v18;
	v18 =	vld [tilespmem:$0x1FB00]  }
0x133: {  	(xrf2) =	vadd.scan.msk.f32 $0xffff, v0;
	v9 =	vmul.f32 v10, v9;
	v0, _, _ =	vpop (xrf2)  }
0x134: {  	v10 =	vld [tilespmem:s20+$0x109E0];
	v19, _, _ =	vpop (xrf2)  }
0x135: {  	v7 =	vld [tilespmem:s20+$0x89F0];
	v9 =	vmul.f32 v11, v9;
	v11, _, _ =	vpop (xrf2)  }
0x136: {  	(xrf2) =	vadd.scan.msk.f32 $0xffff, v2;
	v15 =	vld [tilespmem:$0x1FB20];
	v2 =	vadd.f32 v6, v5;
	v6, _, _ =	vpop (xrf2)  }
0x137: {  	v6 =	vbroadcast v6, $0xF;
	v8 =	vmul.f32 v8, v18  }
0x138: {  	v18 =	vld [tilespmem:s20+$0x109F0]  }
0x139: {  	v5 =	vmul.f32 v10, v8;
	v8 =	vbroadcast v11, $0xF;
	_ =	sdelay $0x1  }
0x13a: {  	v7 =	vmul.f32 v7, v15;
	(xrf2) =	vadd.scan.msk.f32 $0xffff, v2;
	v4 =	vadd.f32 v9, v4;
	v2 =	vsel vm0, v8, v6;
	v6, _, _ =	vpop (xrf2)  }
0x13b: {  	v9 =	vbroadcast v19, $0xF;
	v6 =	vbroadcast v6, $0xF  }
0x13c: {  	v0 =	vbroadcast v0, $0xF;
	v4 =	vadd.f32 v5, v4;
	v5 =	vmul.f32 v18, v7  }
0x13d: {  	v2 =	vsel vm1, v2, v9  }
0x13e: {  	v0 =	vsel vm2, v2, v0;
	v2 =	vbroadcast v17, $0xF;
	v4 =	vadd.f32 v5, v4  }
0x13f: {  	v0 =	vsel vm3, v0, v6;
	v5 =	vbroadcast v16, $0xF;
	v6, _, _ =	vpop (xrf2)  }
0x140: {  	v0 =	vsel vm4, v0, v2;
	v2 =	vbroadcast v6, $0xF  }
0x141: {  	v1 =	vbroadcast v1, $0xF;
	(xrf2) =	vadd.scan.msk.f32 $0xffff, v4;
	v0 =	vsel vm5, v0, v5  }
0x142: {  	v4, _, _ =	vpop (xrf2);
	v0 =	vsel vm6, v0, v2;
	v2 =	vbroadcast v14, $0xF  }
0x143: {  	v0 =	vsel vm7, v0, v1;
	v1 =	vbroadcast v4, $0xF  }
0x144: {  	v0 =	vsel vm8, v0, v2;
	v2 =	vbroadcast v13, $0xF  }
0x145: {  	v0 =	vsel vm9, v0, v1;
	v1 =	vbroadcast v3, $0xF  }
0x146: {  	v0 =	vsel vm10, v0, v2  }
0x147: {  	v3, _, _ =	vpop (xrf2);
	v0 =	vsel vm11, v0, v1;
	v1 =	vbroadcast v12, $0xF  }
0x148: {  	v2 =	vbroadcast v3, $0xF;
	_ =	sdelay $0x1  }
0x149: {  	v0 =	vsel vm12, v0, v2  }
0x14a: {  	v0 =	vsel vm13, v0, v1;
	v1, _, _ =	vpop (xrf2)  }
0x14b: {  	v0 =	vsel vm14, v0, v1  }
0x14c: {  	s20 =	simm.s32 $0x400;
	[tilespmem:s18+$0x0] =	vst v0  }
0x14d: {  	v0 =	vld [tilespmem:s20+$0x109C0];
	_ =	sdelay $0x4  }
0x14e: {  	[tilespmem:$0x1FB30] =	vst v0;
	v0 =	vld [tilespmem:s20+$0x109D0];
	_ =	sdelay $0x4  }
0x14f: {  	[tilespmem:$0x1FB40] =	vst v0;
	v0 =	vld [tilespmem:s20+$0x9E0];
	_ =	sdelay $0x4  }
0x150: {  	[tilespmem:$0x1FB50] =	vst v0;
	v0 =	vld [tilespmem:s20+$0x9D0];
	_ =	sdelay $0x4  }
0x151: {  	[tilespmem:$0x1FB60] =	vst v0;
	v0 =	vld [tilespmem:s20+$0x89D0];
	_ =	sdelay $0x4  }
0x152: {  	[tilespmem:$0x1FB70] =	vst v0;
	v0 =	vld [tilespmem:s20+$0x10930];
	_ =	sdelay $0x4  }
0x153: {  	[tilespmem:$0x1FCD0] =	vst v0;
	v0 =	vld [tilespmem:s20+$0x10960];
	_ =	sdelay $0x4  }
0x154: {  	[tilespmem:$0x1FB80] =	vst v0;
	v0 =	vld [tilespmem:s20+$0x970];
	_ =	sdelay $0x4  }
0x155: {  	[tilespmem:$0x1FB90] =	vst v0;
	v0 =	vld [tilespmem:s20+$0x10990];
	_ =	sdelay $0x4  }
0x156: {  	[tilespmem:$0x1FD50] =	vst v0;
	v0 =	vld [tilespmem:s20+$0x9A0];
	_ =	sdelay $0x4  }
0x157: {  	[tilespmem:$0x1FCB0] =	vst v0;
	v0 =	vld [tilespmem:s20+$0x108F0];
	_ =	sdelay $0x4  }
0x158: {  	[tilespmem:$0x1FD40] =	vst v0;
	v0 =	vld [tilespmem:s20+$0x10920];
	_ =	sdelay $0x4  }
0x159: {  	[tilespmem:$0x1FD60] =	vst v0;
	v0 =	vld [tilespmem:s20+$0x10940];
	_ =	sdelay $0x4  }
0x15a: {  	[tilespmem:$0x1FBA0] =	vst v0;
	v0 =	vld [tilespmem:s20+$0x960];
	_ =	sdelay $0x4  }
0x15b: {  	[tilespmem:$0x1FCE0] =	vst v0;
	v0 =	vld [tilespmem:s20+$0x8960];
	_ =	sdelay $0x4  }
0x15c: {  	[tilespmem:$0x1FCF0] =	vst v0;
	v0 =	vld [tilespmem:s20+$0x980];
	_ =	sdelay $0x4  }
0x15d: {  	[tilespmem:$0x1FD10] =	vst v0;
	v0 =	vld [tilespmem:s20+$0x990];
	_ =	sdelay $0x4  }
0x15e: {  	[tilespmem:$0x1FD20] =	vst v0;
	v0 =	vld [tilespmem:s20+$0x8990];
	_ =	sdelay $0x4  }
0x15f: {  	[tilespmem:$0x1FD30] =	vst v0;
	v0 =	vld [tilespmem:s20+$0x108E0];
	_ =	sdelay $0x4  }
0x160: {  	[tilespmem:$0x1FDC0] =	vst v0;
	v0 =	vld [tilespmem:s20+$0x10900];
	_ =	sdelay $0x4  }
0x161: {  	[tilespmem:$0x1FDD0] =	vst v0;
	v0 =	vld [tilespmem:s20+$0x10910];
	_ =	sdelay $0x4  }
0x162: {  	[tilespmem:$0x1FDF0] =	vst v0;
	v0 =	vld [tilespmem:s20+$0x940];
	_ =	sdelay $0x4  }
0x163: {  	[tilespmem:$0x1FD70] =	vst v0;
	v0 =	vld [tilespmem:s20+$0x8940];
	_ =	sdelay $0x4  }
0x164: {  	[tilespmem:$0x1FD80] =	vst v0;
	v0 =	vld [tilespmem:s20+$0x950];
	_ =	sdelay $0x4  }
0x165: {  	[tilespmem:$0x1FBB0] =	vst v0;
	v0 =	vld [tilespmem:s20+$0x8950];
	_ =	sdelay $0x4  }
0x166: {  	[tilespmem:$0x1FBC0] =	vst v0;
	v0 =	vld [tilespmem:s20+$0x10870];
	_ =	sdelay $0x4  }
0x167: {  	[tilespmem:$0x1FDE0] =	vst v0;
	v0 =	vld [tilespmem:s20+$0x108A0];
	_ =	sdelay $0x4  }
0x168: {  	[tilespmem:$0x1FBD0] =	vst v0;
	v0 =	vld [tilespmem:s20+$0x8B0];
	_ =	sdelay $0x4  }
0x169: {  	[tilespmem:$0x1FBE0] =	vst v0;
	v0 =	vld [tilespmem:s20+$0x108C0];
	_ =	sdelay $0x4  }
0x16a: {  	[tilespmem:$0x1FE40] =	vst v0;
	v0 =	vld [tilespmem:s20+$0x108D0];
	_ =	sdelay $0x4  }
0x16b: {  	[tilespmem:$0x1FE60] =	vst v0;
	v0 =	vld [tilespmem:s20+$0x10830];
	_ =	sdelay $0x4  }
0x16c: {  	[tilespmem:$0x1FE50] =	vst v0;
	v0 =	vld [tilespmem:s20+$0x10860];
	_ =	sdelay $0x4  }
0x16d: {  	[tilespmem:$0x1FE70] =	vst v0;
	v0 =	vld [tilespmem:s20+$0x10880];
	_ =	sdelay $0x4  }
0x16e: {  	[tilespmem:$0x1FBF0] =	vst v0;
	v0 =	vld [tilespmem:s20+$0x8A0];
	_ =	sdelay $0x4  }
0x16f: {  	[tilespmem:$0x1FE00] =	vst v0;
	v0 =	vld [tilespmem:s20+$0x8C0];
	_ =	sdelay $0x4  }
0x170: {  	[tilespmem:$0x1FE20] =	vst v0;
	v0 =	vld [tilespmem:s20+$0x8D0];
	_ =	sdelay $0x4  }
0x171: {  	[tilespmem:$0x1FE30] =	vst v0;
	v0 =	vld [tilespmem:s20+$0x10820];
	_ =	sdelay $0x4  }
0x172: {  	[tilespmem:$0x1FE90] =	vst v0;
	v0 =	vld [tilespmem:s20+$0x10840];
	_ =	sdelay $0x4  }
0x173: {  	[tilespmem:$0x1FEA0] =	vst v0;
	v0 =	vld [tilespmem:s20+$0x10850];
	_ =	sdelay $0x4  }
0x174: {  	[tilespmem:$0x1FEC0] =	vst v0;
	v0 =	vld [tilespmem:s20+$0x880];
	_ =	sdelay $0x4  }
0x175: {  	[tilespmem:$0x1FE80] =	vst v0;
	v0 =	vld [tilespmem:s20+$0x890];
	_ =	sdelay $0x4  }
0x176: {  	[tilespmem:$0x1FC00] =	vst v0;
	v0 =	vld [tilespmem:s20+$0x8890];
	_ =	sdelay $0x4  }
0x177: {  	[tilespmem:$0x1FC10] =	vst v0;
	v0 =	vld [tilespmem:s20+$0x107B0];
	_ =	sdelay $0x4  }
0x178: {  	[tilespmem:$0x1FEB0] =	vst v0;
	v0 =	vld [tilespmem:s20+$0x107E0];
	_ =	sdelay $0x4  }
0x179: {  	[tilespmem:$0x1FC20] =	vst v0;
	v0 =	vld [tilespmem:s20+$0x7F0];
	_ =	sdelay $0x4  }
0x17a: {  	[tilespmem:$0x1FC30] =	vst v0;
	v0 =	vld [tilespmem:s20+$0x10800];
	_ =	sdelay $0x4  }
0x17b: {  	[tilespmem:$0x1FED0] =	vst v0;
	v0 =	vld [tilespmem:s20+$0x10810];
	_ =	sdelay $0x4  }
0x17c: {  	[tilespmem:$0x1FEF0] =	vst v0;
	v0 =	vld [tilespmem:s20+$0x10770];
	_ =	sdelay $0x4  }
0x17d: {  	[tilespmem:$0x1FEE0] =	vst v0;
	v0 =	vld [tilespmem:s20+$0x107A0];
	_ =	sdelay $0x4  }
0x17e: {  	[tilespmem:$0x1FF00] =	vst v0;
	v0 =	vld [tilespmem:s20+$0x107C0];
	_ =	sdelay $0x4  }
0x17f: {  	[tilespmem:$0x1FC40] =	vst v0;
	v0 =	vld [tilespmem:s20+$0x10760];
	_ =	sdelay $0x4  }
0x180: {  	[tilespmem:$0x1FF30] =	vst v0;
	v0 =	vld [tilespmem:s20+$0x10780];
	_ =	sdelay $0x4  }
0x181: {  	[tilespmem:$0x1FF40] =	vst v0;
	v0 =	vld [tilespmem:s20+$0x10790];
	_ =	sdelay $0x4  }
0x182: {  	[tilespmem:$0x1FF60] =	vst v0;
	v0 =	vld [tilespmem:s20+$0x7C0];
	_ =	sdelay $0x4  }
0x183: {  	[tilespmem:$0x1FF10] =	vst v0;
	v0 =	vld [tilespmem:s20+$0x87C0];
	_ =	sdelay $0x4  }
0x184: {  	[tilespmem:$0x1FF20] =	vst v0;
	v0 =	vld [tilespmem:s20+$0x7D0];
	_ =	sdelay $0x4  }
0x185: {  	[tilespmem:$0x1FC50] =	vst v0;
	v0 =	vld [tilespmem:s20+$0x87D0];
	_ =	sdelay $0x4  }
0x186: {  	[tilespmem:$0x1FC60] =	vst v0;
	v0 =	vld [tilespmem:s20+$0x106F0];
	_ =	sdelay $0x4  }
0x187: {  	[tilespmem:$0x1FF50] =	vst v0;
	v0 =	vld [tilespmem:s20+$0x10720];
	_ =	sdelay $0x4  }
0x188: {  	[tilespmem:$0x1FC70] =	vst v0;
	v0 =	vld [tilespmem:s20+$0x730];
	_ =	sdelay $0x4  }
0x189: {  	[tilespmem:$0x1FC80] =	vst v0;
	v0 =	vld [tilespmem:s20+$0x10740];
	_ =	sdelay $0x4  }
0x18a: {  	[tilespmem:$0x1FFA0] =	vst v0;
	v0 =	vld [tilespmem:s20+$0x10750];
	_ =	sdelay $0x4  }
0x18b: {  	[tilespmem:$0x1FFB0] =	vst v0;
	v0 =	vld [tilespmem:s20+$0x106B0];
	_ =	sdelay $0x4  }
0x18c: {  	[tilespmem:$0x1FFC0] =	vst v0;
	v0 =	vld [tilespmem:s20+$0x106E0];
	_ =	sdelay $0x4  }
0x18d: {  	[tilespmem:$0x1FFD0] =	vst v0;
	v0 =	vld [tilespmem:s20+$0x10700];
	_ =	sdelay $0x4  }
0x18e: {  	[tilespmem:$0x1FC90] =	vst v0;
	v0 =	vld [tilespmem:s20+$0x720];
	_ =	sdelay $0x4  }
0x18f: {  	[tilespmem:$0x1FF80] =	vst v0;
	v0 =	vld [tilespmem:s20+$0x8720];
	_ =	sdelay $0x2  }
0x190: {  	v60 =	vld [tilespmem:s20+$0x9F0]  }
0x191: {  	v4 =	vld [tilespmem:s20+$0x109B0]  }
0x192: {  	[tilespmem:$0x1FF90] =	vst v0;
	v0 =	vld [tilespmem:s20+$0x740]  }
0x193: {  	v8 =	vld [tilespmem:s20+$0x109A0]  }
0x194: {  	v5 =	vld [tilespmem:s20+$0x9B0]  }
0x195: {  	v24 =	vld [tilespmem:s20+$0x89B0]  }
0x196: {  	v6 =	vld [tilespmem:s20+$0x9C0]  }
0x197: {  	[tilespmem:$0x1FF70] =	vst v0;
	v0 =	vld [tilespmem:s20+$0x10630]  }
0x198: {  	v15 =	vld [tilespmem:s20+$0x89C0]  }
0x199: {  	v1 =	vld [tilespmem:s20+$0x89A0]  }
0x19a: {  	v32 =	vld [tilespmem:s20+$0x930]  }
0x19b: {  	v3 =	vld [tilespmem:s20+$0x8930]  }
0x19c: {  	[tilespmem:$0x1FCA0] =	vst v0;
	v0 =	vmul.f32 v24, v5;
	v5 =	vld [tilespmem:$0x1FCB0]  }
0x19d: {  	v49 =	vld [tilespmem:s20+$0x10980]  }
0x19e: {  	v20 =	vld [tilespmem:s20+$0x8980]  }
0x19f: {  	v37 =	vld [tilespmem:s20+$0x8F0]  }
0x1a0: {  	v33 =	vld [tilespmem:s20+$0x88F0]  }
0x1a1: {  	v25 =	vld [tilespmem:s20+$0x920];
	v3 =	vmul.f32 v3, v32;
	v32 =	vmul.f32 v1, v5  }
0x1a2: {  	v2 =	vld [tilespmem:s20+$0x8920];
	v5 =	vmul.f32 v4, v0;
	v0 =	vmul.f32 v15, v6  }
0x1a3: {  	v44 =	vld [tilespmem:s20+$0x8E0]  }
0x1a4: {  	[tilespmem:$0x1FCC0] =	vst v0;
	v0 =	vld [tilespmem:s20+$0x106C0]  }
0x1a5: {  	v39 =	vld [tilespmem:s20+$0x88E0]  }
0x1a6: {  	v40 =	vld [tilespmem:s20+$0x900]  }
0x1a7: {  	v47 =	vld [tilespmem:s20+$0x8900]  }
0x1a8: {  	v41 =	vld [tilespmem:s20+$0x910]  }
0x1a9: {  	[tilespmem:$0x1FFE0] =	vst v0;
	v0 =	vld [tilespmem:$0x1FCD0]  }
0x1aa: {  	v35 =	vld [tilespmem:s20+$0x8910]  }
0x1ab: {  	v30 =	vld [tilespmem:s20+$0x870]  }
0x1ac: {  	v52 =	vld [tilespmem:s20+$0x8870]  }
0x1ad: {  	v42 =	vld [tilespmem:s20+$0x88A0]  }
0x1ae: {  	v6 =	vmul.f32 v0, v3;
	v0 =	vld [tilespmem:s20+$0x106D0]  }
0x1af: {  	v56 =	vld [tilespmem:s20+$0x88C0]  }
0x1b0: {  	v58 =	vld [tilespmem:s20+$0x88D0]  }
0x1b1: {  	v59 =	vld [tilespmem:s20+$0x830]  }
0x1b2: {  	v1 =	vld [tilespmem:$0x1FCF0]  }
0x1b3: {  	[tilespmem:$0x1FFF0] =	vst v0;
	v0 =	vld [tilespmem:$0x1FCE0]  }
0x1b4: {  	v63 =	vld [tilespmem:s20+$0x8830]  }
0x1b5: {  	v51 =	vld [tilespmem:s20+$0x860]  }
0x1b6: {  	v26 =	vld [tilespmem:s20+$0x8860]  }
0x1b7: {  	v43 =	vld [tilespmem:s20+$0x8880]  }
0x1b8: {  	v16 =	vld [tilespmem:s20+$0x820];
	v0 =	vmul.f32 v1, v0  }
0x1b9: {  	v13 =	vld [tilespmem:s20+$0x8820]  }
0x1ba: {  	[tilespmem:$0x1FD00] =	vst v0;
	v0 =	vld [tilespmem:$0x1FD10]  }
0x1bb: {  	v11 =	vld [tilespmem:s20+$0x840]  }
0x1bc: {  	v10 =	vld [tilespmem:s20+$0x8840]  }
0x1bd: {  	v22 =	vld [tilespmem:s20+$0x850]  }
0x1be: {  	v18 =	vld [tilespmem:s20+$0x8850]  }
0x1bf: {  	v9 =	vld [tilespmem:s20+$0x7B0];
	v0 =	vmul.f32 v20, v0  }
0x1c0: {  	v7 =	vld [tilespmem:s20+$0x87B0];
	v4 =	vmul.f32 v8, v32;
	v32 =	vmul.f32 v33, v37  }
0x1c1: {  	v37 =	vmul.f32 v2, v25;
	v2 =	vmul.f32 v49, v0;
	v0 =	vld [tilespmem:$0x1FD40]  }
0x1c2: {  	v29 =	vld [tilespmem:s20+$0x7E0]  }
0x1c3: {  	v3 =	vld [tilespmem:$0x1FD30]  }
0x1c4: {  	v1 =	vld [tilespmem:$0x1FD20]  }
0x1c5: {  	v36 =	vld [tilespmem:s20+$0x87E0]  }
0x1c6: {  	v8 =	vmul.f32 v0, v32;
	v0 =	vld [tilespmem:$0x1FD50]  }
0x1c7: {  	v38 =	vld [tilespmem:s20+$0x800]  }
0x1c8: {  	v31 =	vld [tilespmem:s20+$0x8800]  }
0x1c9: {  	v55 =	vld [tilespmem:s20+$0x810];
	v33 =	vmul.f32 v3, v1  }
0x1ca: {  	v50 =	vld [tilespmem:s20+$0x8810]  }
0x1cb: {  	v1 =	vmul.f32 v0, v33;
	v0 =	vld [tilespmem:$0x1FD60]  }
0x1cc: {  	v21 =	vld [tilespmem:s20+$0x770]  }
0x1cd: {  	v17 =	vld [tilespmem:s20+$0x8770]  }
0x1ce: {  	v23 =	vld [tilespmem:s20+$0x7A0]  }
0x1cf: {  	v19 =	vld [tilespmem:s20+$0x87A0]  }
0x1d0: {  	v3 =	vmul.f32 v0, v37;
	v0 =	vld [tilespmem:$0x1FD70]  }
0x1d1: {  	v37 =	vld [tilespmem:$0x1FD80]  }
0x1d2: {  	v45 =	vld [tilespmem:s20+$0x760]  }
0x1d3: {  	v34 =	vld [tilespmem:s20+$0x8760]  }
0x1d4: {  	v57 =	vld [tilespmem:s20+$0x780]  }
0x1d5: {  	v27 =	vld [tilespmem:s20+$0x8780]  }
0x1d6: {  	v53 =	vld [tilespmem:s20+$0x790];
	v0 =	vmul.f32 v37, v0  }
0x1d7: {  	v46 =	vld [tilespmem:s20+$0x8790]  }
0x1d8: {  	[tilespmem:$0x1FD90] =	vst v0;
	v0 =	vld [tilespmem:s20+$0x710]  }
0x1d9: {  	v14 =	vld [tilespmem:s20+$0x6F0]  }
0x1da: {  	v12 =	vld [tilespmem:s20+$0x86F0]  }
0x1db: {  	v61 =	vld [tilespmem:s20+$0x8740]  }
0x1dc: {  	v33 =	vld [tilespmem:$0x1FDC0]  }
0x1dd: {  	v1 =	vadd.f32 v1, v2;
	[tilespmem:$0x1FDA0] =	vst v0;
	v0 =	vmul.f32 v39, v44;
	v39 =	vmul.f32 v47, v40;
	v47 =	vld [tilespmem:s20+$0x8710]  }
0x1de: {  	v28 =	vld [tilespmem:s20+$0x750]  }
0x1df: {  	v1 =	vadd.f32 v4, v1;
	v4 =	vld [tilespmem:$0x1FEB0]  }
0x1e0: {  	v54 =	vld [tilespmem:s20+$0x8750]  }
0x1e1: {  	v62 =	vld [tilespmem:s20+$0x106A0]  }
0x1e2: {  	v2 =	vmul.f32 v7, v9;
	[tilespmem:$0x1FDB0] =	vst v47;
	v47 =	vmul.f32 v33, v0;
	v0 =	vld [tilespmem:$0x1FDD0]  }
0x1e3: {  	v10 =	vmul.f32 v10, v11;
	v11 =	vld [tilespmem:$0x1FE90]  }
0x1e4: {  	v7 =	vmul.f32 v18, v22;
	v22 =	vmul.f32 v4, v2;
	v2 =	vld [tilespmem:$0x1FEC0]  }
0x1e5: {  	v48 =	vld [tilespmem:s20+$0x6B0]  }
0x1e6: {  	v13 =	vmul.f32 v13, v16;
	v16 =	vadd.f32 v5, v1;
	v5 =	vld [tilespmem:$0x1FED0]  }
0x1e7: {  	v52 =	vmul.f32 v52, v30;
	v30 =	vmul.f32 v0, v39;
	v0 =	vld [tilespmem:$0x1FDE0]  }
0x1e8: {  	v35 =	vmul.f32 v35, v41;
	v41 =	vld [tilespmem:$0x1FE00];
	v11 =	vmul.f32 v11, v13  }
0x1e9: {  	v13 =	vld [tilespmem:$0x1FEA0];
	v4 =	vmul.f32 v2, v7;
	v7 =	vmul.f32 v31, v38  }
0x1ea: {  	v24 =	vld [tilespmem:s20+$0x86B0]  }
0x1eb: {  	v1 =	vmul.f32 v17, v21;
	v21 =	vmul.f32 v5, v7;
	v7 =	vld [tilespmem:$0x1FEE0]  }
0x1ec: {  	v52 =	vmul.f32 v0, v52;
	v0 =	vld [tilespmem:$0x1FDF0]  }
0x1ed: {  	v44 =	vld [tilespmem:$0x1FE20]  }
0x1ee: {  	v15 =	vld [tilespmem:s20+$0x86E0]  }
0x1ef: {  	v25 =	vld [tilespmem:s20+$0x8700]  }
0x1f0: {  	v13 =	vmul.f32 v13, v10;
	v20 =	vld [tilespmem:s20+$0x6E0]  }
0x1f1: {  	v10 =	vmul.f32 v7, v1;
	v1 =	vld [tilespmem:$0x1FEF0];
	v0 =	vmul.f32 v0, v35  }
0x1f2: {  	v32 =	vmul.f32 v42, v41;
	v42 =	vmul.f32 v56, v44;
	v56 =	vld [tilespmem:$0x1FE30]  }
0x1f3: {  	v44 =	vmul.f32 v63, v59;
	v63 =	vld [tilespmem:$0x1FE50];
	v2 =	vadd.f32 v0, v30  }
0x1f4: {  	v49 =	vld [tilespmem:s20+$0x700];
	v17 =	vmul.f32 v50, v55  }
0x1f5: {  	v15 =	vmul.f32 v15, v20;
	v20 =	vld [tilespmem:$0x1FFE0];
	v3 =	vadd.f32 v3, v2  }
0x1f6: {  	v17 =	vmul.f32 v1, v17;
	v1 =	vld [tilespmem:$0x1FF00]  }
0x1f7: {  	v59 =	vld [tilespmem:$0x1FE40];
	v3 =	vadd.f32 v6, v3  }
0x1f8: {  	[tilespmem:$0x1FE10] =	vst v32;
	(xrf2) =	vadd.scan.msk.f32 $0xffff, v16;
	v32 =	vmul.f32 v58, v56;
	v56 =	vmul.f32 v63, v44;
	v44 =	vld [tilespmem:$0x1FE60]  }
0x1f9: {  	v19 =	vmul.f32 v19, v23;
	(xrf2) =	vadd.scan.msk.f32 $0xffff, v3;
	v3 =	vmul.f32 v12, v14;
	v12 =	vld [tilespmem:$0x1FF30]  }
0x1fa: {  	v41 =	vld [tilespmem:s20+$0x10680]  }
0x1fb: {  	v6 =	vmul.f32 v1, v19;
	v1 =	vld [tilespmem:$0x1FF10]  }
0x1fc: {  	v26 =	vmul.f32 v26, v51;
	v16 =	vmul.f32 v34, v45;
	v19 =	vld [tilespmem:$0x1FF20]  }
0x1fd: {  	v9 =	vld [tilespmem:s20+$0x86C0];
	v51 =	vmul.f32 v59, v42;
	v32 =	vmul.f32 v44, v32  }
0x1fe: {  	v55 =	vmul.f32 v12, v16;
	v12 =	vld [tilespmem:$0x1FF40]  }
0x1ff: {  	v18 =	vld [tilespmem:s20+$0x6D0];
	v23 =	vadd.f32 v32, v51  }
0x200: {  	v37 =	vld [tilespmem:s20+$0x10620]  }
0x201: {  	v5 =	vld [tilespmem:s20+$0x620];
	v38 =	vmul.f32 v19, v1;
	v19 =	vadd.f32 v47, v23;
	v23 =	vmul.f32 v27, v57  }
0x202: {  	v13 =	vadd.f32 v4, v13;
	v4 =	vld [tilespmem:s20+$0x660]  }
0x203: {  	v16 =	vmul.f32 v12, v23;
	v12 =	vld [tilespmem:$0x1FF50]  }
0x204: {  	v40 =	vld [tilespmem:s20+$0x8630]  }
0x205: {  	v7 =	vld [tilespmem:s20+$0x8620]  }
0x206: {  	v33 =	vld [tilespmem:s20+$0x6C0]  }
0x207: {  	v39 =	vld [tilespmem:s20+$0x630]  }
0x208: {  	v12 =	vmul.f32 v12, v3;
	v3 =	vld [tilespmem:$0x1FF60]  }
0x209: {  	v42 =	vld [tilespmem:s20+$0x10690]  }
0x20a: {  	v58 =	vld [tilespmem:$0x1FE70]  }
0x20b: {  	v59 =	vld [tilespmem:$0x1FE80];
	v14 =	vmul.f32 v46, v53  }
0x20c: {  	v63 =	vld [tilespmem:s20+$0x86D0];
	v17 =	vadd.f32 v17, v21  }
0x20d: {  	v14 =	vmul.f32 v3, v14;
	v3 =	vld [tilespmem:$0x1FF70]  }
0x20e: {  	v17 =	vadd.f32 v11, v17;
	v11 =	vld [tilespmem:$0x1FFA0]  }
0x20f: {  	v44 =	vld [tilespmem:s20+$0x6A0]  }
0x210: {  	v26 =	vmul.f32 v58, v26;
	v58 =	vmul.f32 v43, v59;
	v43 =	vld [tilespmem:s20+$0x86A0]  }
0x211: {  	v59 =	vld [tilespmem:s20+$0x8690]  }
0x212: {  	v63 =	vmul.f32 v63, v18;
	v18 =	vld [tilespmem:s20+$0x8610];
	v8 =	vadd.f32 v8, v19;
	v19 =	vmul.f32 v61, v3  }
0x213: {  	v13 =	vadd.f32 v26, v13;
	v26 =	vld [tilespmem:s20+$0x690]  }
0x214: {  	v61 =	vmul.f32 v11, v19;
	v11 =	vld [tilespmem:$0x1FFB0]  }
0x215: {  	v35 =	vld [tilespmem:s20+$0x10660]  }
0x216: {  	v0 =	vld [tilespmem:s20+$0x10600]  }
0x217: {  	v21 =	vmul.f32 v54, v28;
	v2 =	vld [tilespmem:s20+$0x10610]  }
0x218: {  	v1 =	vld [tilespmem:s20+$0x10640]  }
0x219: {  	v21 =	vmul.f32 v11, v21;
	v11 =	vld [tilespmem:$0x1FFC0]  }
0x21a: {  	v27 =	vld [tilespmem:s20+$0x680]  }
0x21b: {  	v57 =	vadd.f32 v52, v13;
	v13 =	vld [tilespmem:$0x1FF90]  }
0x21c: {  	v24 =	vmul.f32 v24, v48;
	(xrf2) =	vadd.scan.msk.f32 $0xffff, v8;
	v8 =	vld [tilespmem:$0x1FFD0]  }
0x21d: {  	v23 =	vld [tilespmem:s20+$0x8680]  }
0x21e: {  	v3 =	vld [tilespmem:$0x1FF80];
	v11 =	vmul.f32 v11, v24;
	v24 =	vadd.f32 v56, v17;
	v17 =	vmul.f32 v9, v33  }
0x21f: {  	v19 =	vadd.f32 v14, v16;
	v14 =	vld [tilespmem:s20+$0x600]  }
0x220: {  	v20 =	vmul.f32 v20, v17;
	v17 =	vld [tilespmem:$0x1FFF0]  }
0x221: {  	v16 =	vld [tilespmem:s20+$0x610];
	v6 =	vadd.f32 v6, v19  }
0x222: {  	v19 =	vmul.f32 v8, v15;
	v15 =	vld [tilespmem:s20+$0x640];
	v8 =	vadd.f32 v21, v61  }
0x223: {  	v36 =	vmul.f32 v36, v29;
	(xrf2) =	vadd.scan.msk.f32 $0xffff, v57;
	v3 =	vmul.f32 v13, v3;
	v13 =	vld [tilespmem:s20+$0x8600];
	v6 =	vadd.f32 v22, v6  }
0x224: {  	v45, _, _ =	vpop (xrf2);
	v22 =	vmul.f32 v23, v27;
	v23 =	vmul.f32 v59, v26;
	(xrf2) =	vadd.scan.msk.f32 $0xffff, v24;
	v24 =	vadd.f32 v55, v8;
	v8 =	vld [tilespmem:s20+$0x650]  }
0x225: {  	s22 =	simm.s32 $0x2000;
	s21 =	simm.s32 $0x18600;
	v34, _, _ =	vpop (xrf2);
	v9 =	vmul.f32 v25, v49;
	v21 =	vmul.f32 v17, v63;
	v17 =	vld [tilespmem:s20+$0x8640]  }
.LBB2_2:
0x226: {  	_ =	sdelay $0x1  }
0x227: {  	v10 =	vadd.f32 v10, v24;
	v13 =	vmul.f32 v13, v14;
	v14 =	vmul.f32 v18, v16  }
0x228: {  	(xrf2) =	vadd.scan.msk.f32 $0xffff, v6;
	v5 =	vmul.f32 v7, v5  }
0x229: {  	v6, _, _ =	vpop (xrf2);
	(xrf2) =	vadd.scan.msk.f32 $0xffff, v10;
	v10 =	vmul.f32 v0, v13;
	v2 =	vmul.f32 v2, v14  }
0x22a: {  	v26 =	vld [tilespmem:s20+$0x8650]  }
0x22b: {  	v27 =	vmul.f32 v43, v44;
	v5 =	vmul.f32 v37, v5;
	v2 =	vadd.f32 v2, v10  }
0x22c: {  	v20 =	vadd.f32 v21, v20;
	v22 =	vmul.f32 v41, v22;
	v23 =	vmul.f32 v42, v23;
	v16 =	vld [tilespmem:s20+$0x10650]  }
0x22d: {  	v2 =	vadd.f32 v5, v2;
	v5 =	vld [tilespmem:$0x1FCA0]  }
0x22e: {  	v21 =	vld [tilespmem:s20+$0x8660];
	v18 =	vadd.f32 v19, v20;
	v19 =	vadd.f32 v23, v22;
	v20 =	vmul.f32 v62, v27  }
0x22f: {  	v25 =	vmul.f32 v40, v39;
	v7 =	vld [tilespmem:s20+$0x670];
	v8 =	vmul.f32 v26, v8  }
0x230: {  	v13 =	vld [tilespmem:s20+$0x8670];
	v12 =	vadd.f32 v12, v18;
	v18 =	vmul.f32 v17, v15;
	v15 =	vadd.f32 v20, v19  }
0x231: {  	v8 =	vmul.f32 v16, v8;
	v16 =	vld [tilespmem:$0x1FDB0]  }
0x232: {  	v11 =	vadd.f32 v11, v15;
	v15 =	vld [tilespmem:$0x1FDA0];
	v5 =	vmul.f32 v5, v25  }
0x233: {  	v17 =	vld [tilespmem:s20+$0x10710]  }
0x234: {  	v2 =	vadd.f32 v5, v2;
	v5 =	vld [tilespmem:$0x1FC90]  }
0x235: {  	v10 =	vld [tilespmem:s20+$0x10670]  }
0x236: {  	v4 =	vmul.f32 v21, v4;
	v1 =	vmul.f32 v1, v18  }
0x237: {  	v15 =	vmul.f32 v16, v15  }
0x238: {  	v4 =	vmul.f32 v35, v4;
	v1 =	vadd.f32 v8, v1;
	v7 =	vmul.f32 v13, v7  }
0x239: {  	v5 =	vmul.f32 v5, v9;
	v9 =	vmul.f32 v17, v15  }
0x23a: {  	v1 =	vadd.f32 v4, v1;
	v4 =	vmul.f32 v10, v7;
	v7 =	vld [tilespmem:$0x1FC50]  }
0x23b: {  	v5 =	vadd.f32 v9, v5;
	v9 =	vld [tilespmem:$0x1FC70]  }
0x23c: {  	v0, _, _ =	vpop (xrf2);
	(xrf2) =	vadd.scan.msk.f32 $0xffff, v12;
	v10 =	vld [tilespmem:$0x1FC60]  }
0x23d: {  	v14, _, _ =	vpop (xrf2);
	(xrf2) =	vadd.scan.msk.f32 $0xffff, v11;
	v16 =	vld [tilespmem:s20+$0x107D0]  }
0x23e: {  	v13, _, _ =	vpop (xrf2);
	(xrf2) =	vadd.scan.msk.f32 $0xffff, v2;
	v2 =	vld [tilespmem:$0x1FC40]  }
0x23f: {  	v12 =	vld [tilespmem:s20+$0x8730]  }
0x240: {  	v3 =	vmul.f32 v9, v3;
	v9 =	vld [tilespmem:$0x1FC80]  }
0x241: {  	v7 =	vmul.f32 v10, v7  }
0x242: {  	v8 =	vld [tilespmem:s20+$0x10730]  }
0x243: {  	v11 =	vld [tilespmem:s20+$0x87F0];
	v1 =	vadd.f32 v4, v1;
	v4 =	vmul.f32 v16, v7;
	v2 =	vmul.f32 v2, v38  }
0x244: {  	v16 =	vld [tilespmem:$0x1FC30]  }
0x245: {  	v2 =	vadd.f32 v4, v2;
	v4 =	vld [tilespmem:$0x1FC20];
	v9 =	vmul.f32 v12, v9  }
0x246: {  	v12 =	vld [tilespmem:s20+$0x107F0]  }
0x247: {  	v3 =	vadd.f32 v3, v5;
	v5 =	vmul.f32 v8, v9;
	v8 =	vld [tilespmem:$0x1FC00]  }
0x248: {  	v9 =	vld [tilespmem:$0x1FC10]  }
0x249: {  	v10 =	vld [tilespmem:s20+$0x10890]  }
0x24a: {  	v15, _, _ =	vpop (xrf2);
	(xrf2) =	vadd.scan.msk.f32 $0xffff, v1;
	v1 =	vadd.f32 v5, v3;
	v3 =	vld [tilespmem:$0x1FBF0]  }
0x24b: {  	v11 =	vmul.f32 v11, v16;
	v4 =	vmul.f32 v4, v36  }
0x24c: {  	v17 =	vld [tilespmem:$0x1FE10]  }
0x24d: {  	v2 =	vadd.f32 v4, v2;
	v4 =	vmul.f32 v12, v11;
	v11 =	vld [tilespmem:$0x1FBB0];
	v8 =	vmul.f32 v9, v8  }
0x24e: {  	v12 =	vld [tilespmem:$0x1FBC0]  }
0x24f: {  	v9 =	vld [tilespmem:s20+$0x10950];
	v3 =	vmul.f32 v3, v58;
	v5 =	vmul.f32 v10, v8  }
0x250: {  	v10, _, _ =	vpop (xrf2);
	(xrf2) =	vadd.scan.msk.f32 $0xffff, v1;
	v1 =	vadd.f32 v4, v2;
	v2 =	vld [tilespmem:$0x1FBA0]  }
0x251: {  	v3 =	vadd.f32 v5, v3;
	v5 =	vld [tilespmem:$0x1FBD0]  }
0x252: {  	v4 =	vld [tilespmem:$0x1FD90];
	_ =	sdelay $0x2  }
0x253: {  	v7 =	vld [tilespmem:s20+$0x88B0];
	v18 =	vmul.f32 v12, v11  }
0x254: {  	v5 =	vmul.f32 v5, v17;
	v17 =	vld [tilespmem:$0x1FBE0]  }
0x255: {  	v16 =	vld [tilespmem:s20+$0x108B0];
	v2 =	vmul.f32 v2, v4;
	v4 =	vmul.f32 v9, v18  }
0x256: {  	v18 =	vld [tilespmem:$0x1FD00]  }
0x257: {  	v2 =	vadd.f32 v4, v2;
	v4 =	vld [tilespmem:$0x1FB80];
	_ =	sdelay $0x1  }
0x258: {  	v7 =	vmul.f32 v7, v17;
	_ =	sdelay $0x1  }
0x259: {  	v8 =	vld [tilespmem:s20+$0x8970];
	v3 =	vadd.f32 v5, v3;
	v5 =	vmul.f32 v16, v7  }
0x25a: {  	v4 =	vmul.f32 v4, v18;
	v18 =	vld [tilespmem:$0x1FB90]  }
0x25b: {  	v11, _, _ =	vpop (xrf2);
	(xrf2) =	vadd.scan.msk.f32 $0xffff, v1;
	v1 =	vadd.f32 v5, v3;
	v3 =	vld [tilespmem:$0x1FB30]  }
0x25c: {  	v5 =	vld [tilespmem:$0x1FCC0]  }
0x25d: {  	v17 =	vld [tilespmem:s20+$0x10970]  }
0x25e: {  	v7 =	vld [tilespmem:$0x1FB60]  }
0x25f: {  	v16 =	vld [tilespmem:$0x1FB70]  }
0x260: {  	v12 =	vld [tilespmem:s20+$0x89E0];
	v8 =	vmul.f32 v8, v18  }
0x261: {  	v3 =	vmul.f32 v3, v5;
	v5 =	vld [tilespmem:$0x1FB50]  }
0x262: {  	v17 =	vmul.f32 v17, v8;
	v8 =	vld [tilespmem:$0x1FB40]  }
0x263: {  	v9 =	vld [tilespmem:s20+$0x89F0]  }
0x264: {  	v7 =	vmul.f32 v16, v7;
	v16 =	vld [tilespmem:s20+$0x109E0];
	_ =	sdelay $0x1  }
0x265: {  	v2 =	vadd.f32 v4, v2;
	v5 =	vmul.f32 v12, v5;
	v12 =	vld [tilespmem:s20+$0x109F0]  }
0x266: {  	v7 =	vmul.f32 v8, v7  }
0x267: {  	v18, _, _ =	vpop (xrf2);
	(xrf2) =	vadd.scan.msk.f32 $0xffff, v1;
	v1 =	vadd.f32 v17, v2  }
0x268: {  	v4, _, _ =	vpop (xrf2);
	v8 =	vmul.f32 v9, v60;
	v2 =	vadd.f32 v7, v3;
	v3 =	vmul.f32 v16, v5  }
0x269: {  	v4 =	vbroadcast v4, $0xF;
	v9 =	vbroadcast v18, $0xF  }
0x26a: {  	(xrf2) =	vadd.scan.msk.f32 $0xffff, v1;
	v7 =	vbroadcast v11, $0xF;
	v2 =	vadd.f32 v3, v2;
	v3 =	vmul.f32 v12, v8  }
0x26b: {  	v1 =	vsel vm0, v9, v4;
	v4 =	vbroadcast v10, $0xF;
	v5, _, _ =	vpop (xrf2)  }
0x26c: {  	v1 =	vsel vm1, v1, v7;
	v7 =	vbroadcast v5, $0xF;
	v2 =	vadd.f32 v3, v2  }
0x26d: {  	v1 =	vsel vm2, v1, v4;
	v3 =	vbroadcast v15, $0xF  }
0x26e: {  	v4 =	vbroadcast v13, $0xF;
	v5, _, _ =	vpop (xrf2);
	v1 =	vsel vm3, v1, v7;
	(xrf2) =	vadd.scan.msk.f32 $0xffff, v2  }
0x26f: {  	v5 =	vbroadcast v5, $0xF;
	v1 =	vsel vm4, v1, v3  }
0x270: {  	v3 =	vbroadcast v14, $0xF;
	v1 =	vsel vm5, v1, v4  }
0x271: {  	v0 =	vbroadcast v0, $0xF;
	v1 =	vsel vm6, v1, v5;
	v2, _, _ =	vpop (xrf2)  }
0x272: {  	v1 =	vsel vm7, v1, v3;
	v2 =	vbroadcast v2, $0xF  }
0x273: {  	v0 =	vsel vm8, v1, v0;
	v1 =	vbroadcast v6, $0xF  }
0x274: {  	v3, _, _ =	vpop (xrf2);
	v0 =	vsel vm9, v0, v2;
	v2 =	vbroadcast v34, $0xF  }
0x275: {  	v3 =	vbroadcast v3, $0xF;
	v0 =	vsel vm10, v0, v1  }
0x276: {  	v0 =	vsel vm11, v0, v2;
	v2 =	vbroadcast v45, $0xF  }
0x277: {  	v0 =	vsel vm12, v0, v3  }
0x278: {  	v0 =	vsel vm13, v0, v2;
	v1, _, _ =	vpop (xrf2)  }
0x279: {  	s21 =	sadd.s32 $0x10, s21;
	v0 =	vsel vm14, v0, v1  }
0x27a: {  	s20 =	sshra.s32 s22, $0x2;
	[tilespmem:s21+$0x0] =	vst v0  }
0x27b: {  	v0 =	vld [tilespmem:s20+$0x9F0];
	_ =	sdelay $0x4  }
0x27c: {  	[tilespmem:$0x1F5F0] =	vst v0;
	v0 =	vld [tilespmem:s20+$0x109C0];
	_ =	sdelay $0x4  }
0x27d: {  	[tilespmem:$0x1FB30] =	vst v0;
	v0 =	vld [tilespmem:s20+$0x109D0];
	_ =	sdelay $0x4  }
0x27e: {  	[tilespmem:$0x1FB40] =	vst v0;
	v0 =	vld [tilespmem:s20+$0x9E0];
	_ =	sdelay $0x4  }
0x27f: {  	[tilespmem:$0x1FB50] =	vst v0;
	v0 =	vld [tilespmem:s20+$0x9D0];
	_ =	sdelay $0x4  }
0x280: {  	[tilespmem:$0x1FB60] =	vst v0;
	v0 =	vld [tilespmem:s20+$0x89D0];
	_ =	sdelay $0x4  }
0x281: {  	[tilespmem:$0x1FB70] =	vst v0;
	v0 =	vld [tilespmem:s20+$0x10960];
	_ =	sdelay $0x4  }
0x282: {  	[tilespmem:$0x1FB80] =	vst v0;
	v0 =	vld [tilespmem:s20+$0x970];
	_ =	sdelay $0x4  }
0x283: {  	[tilespmem:$0x1FB90] =	vst v0;
	v0 =	vld [tilespmem:s20+$0x10940];
	_ =	sdelay $0x4  }
0x284: {  	[tilespmem:$0x1FBA0] =	vst v0;
	v0 =	vld [tilespmem:s20+$0x8960];
	_ =	sdelay $0x4  }
0x285: {  	[tilespmem:$0x1F3A0] =	vst v0;
	v0 =	vld [tilespmem:s20+$0x980];
	_ =	sdelay $0x4  }
0x286: {  	[tilespmem:$0x1F3B0] =	vst v0;
	v0 =	vld [tilespmem:s20+$0x8980];
	_ =	sdelay $0x4  }
0x287: {  	[tilespmem:$0x1F3C0] =	vst v0;
	v0 =	vld [tilespmem:s20+$0x990];
	_ =	sdelay $0x4  }
0x288: {  	[tilespmem:$0x1F3F0] =	vst v0;
	v0 =	vld [tilespmem:s20+$0x8990];
	_ =	sdelay $0x4  }
0x289: {  	[tilespmem:$0x1F400] =	vst v0;
	v0 =	vld [tilespmem:s20+$0x8F0];
	_ =	sdelay $0x4  }
0x28a: {  	[tilespmem:$0x1F3D0] =	vst v0;
	v0 =	vld [tilespmem:s20+$0x88F0];
	_ =	sdelay $0x4  }
0x28b: {  	[tilespmem:$0x1F3E0] =	vst v0;
	v0 =	vld [tilespmem:s20+$0x940];
	_ =	sdelay $0x4  }
0x28c: {  	[tilespmem:$0x1F410] =	vst v0;
	v0 =	vld [tilespmem:s20+$0x8940];
	_ =	sdelay $0x4  }
0x28d: {  	[tilespmem:$0x1F420] =	vst v0;
	v0 =	vld [tilespmem:s20+$0x950];
	_ =	sdelay $0x4  }
0x28e: {  	[tilespmem:$0x1FBB0] =	vst v0;
	v0 =	vld [tilespmem:s20+$0x8950];
	_ =	sdelay $0x4  }
0x28f: {  	[tilespmem:$0x1FBC0] =	vst v0;
	v0 =	vld [tilespmem:s20+$0x108A0];
	_ =	sdelay $0x4  }
0x290: {  	[tilespmem:$0x1FBD0] =	vst v0;
	v0 =	vld [tilespmem:s20+$0x8B0];
	_ =	sdelay $0x4  }
0x291: {  	[tilespmem:$0x1FBE0] =	vst v0;
	v0 =	vld [tilespmem:s20+$0x8E0];
	_ =	sdelay $0x4  }
0x292: {  	[tilespmem:$0x1F430] =	vst v0;
	v0 =	vld [tilespmem:s20+$0x88E0];
	_ =	sdelay $0x4  }
0x293: {  	[tilespmem:$0x1F440] =	vst v0;
	v0 =	vld [tilespmem:s20+$0x900];
	_ =	sdelay $0x4  }
0x294: {  	[tilespmem:$0x1F450] =	vst v0;
	v0 =	vld [tilespmem:s20+$0x910];
	_ =	sdelay $0x4  }
0x295: {  	[tilespmem:$0x1F460] =	vst v0;
	v0 =	vld [tilespmem:s20+$0x10830];
	_ =	sdelay $0x4  }
0x296: {  	[tilespmem:$0x1F4D0] =	vst v0;
	v0 =	vld [tilespmem:s20+$0x10860];
	_ =	sdelay $0x4  }
0x297: {  	[tilespmem:$0x1F4E0] =	vst v0;
	v0 =	vld [tilespmem:s20+$0x10880];
	_ =	sdelay $0x4  }
0x298: {  	[tilespmem:$0x1FBF0] =	vst v0;
	v0 =	vld [tilespmem:s20+$0x8A0];
	_ =	sdelay $0x4  }
0x299: {  	[tilespmem:$0x1F470] =	vst v0;
	v0 =	vld [tilespmem:s20+$0x88A0];
	_ =	sdelay $0x4  }
0x29a: {  	[tilespmem:$0x1F480] =	vst v0;
	v0 =	vld [tilespmem:s20+$0x8C0];
	_ =	sdelay $0x4  }
0x29b: {  	[tilespmem:$0x1F490] =	vst v0;
	v0 =	vld [tilespmem:s20+$0x8D0];
	_ =	sdelay $0x4  }
0x29c: {  	[tilespmem:$0x1F4B0] =	vst v0;
	v0 =	vld [tilespmem:s20+$0x88D0];
	_ =	sdelay $0x4  }
0x29d: {  	[tilespmem:$0x1F4C0] =	vst v0;
	v0 =	vld [tilespmem:s20+$0x10820];
	_ =	sdelay $0x4  }
0x29e: {  	[tilespmem:$0x1F550] =	vst v0;
	v0 =	vld [tilespmem:s20+$0x830];
	_ =	sdelay $0x4  }
0x29f: {  	[tilespmem:$0x1F4A0] =	vst v0;
	v0 =	vld [tilespmem:s20+$0x10840];
	_ =	sdelay $0x4  }
0x2a0: {  	[tilespmem:$0x1F560] =	vst v0;
	v0 =	vld [tilespmem:s20+$0x10850];
	_ =	sdelay $0x4  }
0x2a1: {  	[tilespmem:$0x1F580] =	vst v0;
	v0 =	vld [tilespmem:s20+$0x880];
	_ =	sdelay $0x4  }
0x2a2: {  	[tilespmem:$0x1F4F0] =	vst v0;
	v0 =	vld [tilespmem:s20+$0x8880];
	_ =	sdelay $0x4  }
0x2a3: {  	[tilespmem:$0x1F500] =	vst v0;
	v0 =	vld [tilespmem:s20+$0x890];
	_ =	sdelay $0x4  }
0x2a4: {  	[tilespmem:$0x1FC00] =	vst v0;
	v0 =	vld [tilespmem:s20+$0x8890];
	_ =	sdelay $0x4  }
0x2a5: {  	[tilespmem:$0x1FC10] =	vst v0;
	v0 =	vld [tilespmem:s20+$0x107B0];
	_ =	sdelay $0x4  }
0x2a6: {  	[tilespmem:$0x1F570] =	vst v0;
	v0 =	vld [tilespmem:s20+$0x107E0];
	_ =	sdelay $0x4  }
0x2a7: {  	[tilespmem:$0x1FC20] =	vst v0;
	v0 =	vld [tilespmem:s20+$0x7F0];
	_ =	sdelay $0x4  }
0x2a8: {  	[tilespmem:$0x1FC30] =	vst v0;
	v0 =	vld [tilespmem:s20+$0x10800];
	_ =	sdelay $0x4  }
0x2a9: {  	[tilespmem:$0x1F5B0] =	vst v0;
	v0 =	vld [tilespmem:s20+$0x10810];
	_ =	sdelay $0x4  }
0x2aa: {  	[tilespmem:$0x1F5D0] =	vst v0;
	v0 =	vld [tilespmem:s20+$0x820];
	_ =	sdelay $0x4  }
0x2ab: {  	[tilespmem:$0x1F510] =	vst v0;
	v0 =	vld [tilespmem:s20+$0x8820];
	_ =	sdelay $0x4  }
0x2ac: {  	[tilespmem:$0x1F520] =	vst v0;
	v0 =	vld [tilespmem:s20+$0x840];
	_ =	sdelay $0x4  }
0x2ad: {  	[tilespmem:$0x1F530] =	vst v0;
	v0 =	vld [tilespmem:s20+$0x850];
	_ =	sdelay $0x4  }
0x2ae: {  	[tilespmem:$0x1F540] =	vst v0;
	v0 =	vld [tilespmem:s20+$0x10770];
	_ =	sdelay $0x4  }
0x2af: {  	[tilespmem:$0x1F5C0] =	vst v0;
	v0 =	vld [tilespmem:s20+$0x107A0];
	_ =	sdelay $0x4  }
0x2b0: {  	[tilespmem:$0x1F5E0] =	vst v0;
	v0 =	vld [tilespmem:s20+$0x107C0];
	_ =	sdelay $0x4  }
0x2b1: {  	[tilespmem:$0x1FC40] =	vst v0;
	v0 =	vld [tilespmem:s20+$0x7E0];
	_ =	sdelay $0x4  }
0x2b2: {  	[tilespmem:$0x1F590] =	vst v0;
	v0 =	vld [tilespmem:s20+$0x810];
	_ =	sdelay $0x4  }
0x2b3: {  	[tilespmem:$0x1F5A0] =	vst v0;
	v0 =	vld [tilespmem:s20+$0x10760];
	_ =	sdelay $0x4  }
0x2b4: {  	[tilespmem:$0x1F600] =	vst v0;
	v0 =	vld [tilespmem:s20+$0x10780];
	_ =	sdelay $0x4  }
0x2b5: {  	[tilespmem:$0x1F610] =	vst v0;
	v0 =	vld [tilespmem:s20+$0x10790];
	_ =	sdelay $0x4  }
0x2b6: {  	[tilespmem:$0x1F630] =	vst v0;
	v0 =	vld [tilespmem:s20+$0x7D0];
	_ =	sdelay $0x4  }
0x2b7: {  	[tilespmem:$0x1FC50] =	vst v0;
	v0 =	vld [tilespmem:s20+$0x87D0];
	_ =	sdelay $0x4  }
0x2b8: {  	[tilespmem:$0x1FC60] =	vst v0;
	v0 =	vld [tilespmem:s20+$0x106F0];
	_ =	sdelay $0x4  }
0x2b9: {  	[tilespmem:$0x1F620] =	vst v0;
	v0 =	vld [tilespmem:s20+$0x10720];
	_ =	sdelay $0x4  }
0x2ba: {  	[tilespmem:$0x1FC70] =	vst v0;
	v0 =	vld [tilespmem:s20+$0x730];
	_ =	sdelay $0x4  }
0x2bb: {  	[tilespmem:$0x1FC80] =	vst v0;
	v0 =	vld [tilespmem:s20+$0x10740];
	_ =	sdelay $0x4  }
0x2bc: {  	[tilespmem:$0x1F640] =	vst v0;
	v0 =	vld [tilespmem:s20+$0x10750];
	_ =	sdelay $0x4  }
0x2bd: {  	[tilespmem:$0x1F650] =	vst v0;
	v0 =	vld [tilespmem:s20+$0x106B0];
	_ =	sdelay $0x4  }
0x2be: {  	[tilespmem:$0x1F660] =	vst v0;
	v0 =	vld [tilespmem:s20+$0x106E0];
	_ =	sdelay $0x4  }
0x2bf: {  	[tilespmem:$0x1F670] =	vst v0;
	v0 =	vld [tilespmem:s20+$0x10700];
	_ =	sdelay $0x4  }
0x2c0: {  	[tilespmem:$0x1FC90] =	vst v0;
	v0 =	vld [tilespmem:s20+$0x10630];
	_ =	sdelay $0x2  }
0x2c1: {  	v48 =	vld [tilespmem:s20+$0x9C0]  }
0x2c2: {  	v50 =	vld [tilespmem:s20+$0x89C0]  }
0x2c3: {  	[tilespmem:$0x1FCA0] =	vst v0;
	v0 =	vld [tilespmem:s20+$0x106C0];
	_ =	sdelay $0x4  }
0x2c4: {  	v8 =	vld [tilespmem:s20+$0x930];
	[tilespmem:$0x1F680] =	vst v0;
	v0 =	vmul.f32 v50, v48  }
0x2c5: {  	v52 =	vld [tilespmem:s20+$0x960]  }
0x2c6: {  	[tilespmem:$0x1FCC0] =	vst v0;
	v0 =	vld [tilespmem:$0x1F3A0]  }
0x2c7: {  	v3 =	vld [tilespmem:s20+$0x8930]  }
0x2c8: {  	v29 =	vld [tilespmem:s20+$0x109A0]  }
0x2c9: {  	v51 =	vld [tilespmem:s20+$0x10930]  }
0x2ca: {  	v47 =	vld [tilespmem:s20+$0x9A0]  }
0x2cb: {  	v49 =	vld [tilespmem:s20+$0x89A0];
	v0 =	vmul.f32 v0, v52  }
0x2cc: {  	v46 =	vmul.f32 v3, v8;
	v3 =	vld [tilespmem:$0x1F3C0]  }
0x2cd: {  	[tilespmem:$0x1FD00] =	vst v0;
	v0 =	vld [tilespmem:$0x1F3B0];
	_ =	sdelay $0x2  }
0x2ce: {  	v47 =	vmul.f32 v49, v47  }
0x2cf: {  	v50 =	vmul.f32 v51, v46  }
0x2d0: {  	v51 =	vmul.f32 v29, v47;
	v47 =	vmul.f32 v3, v0;
	v0 =	vld [tilespmem:$0x1F3D0]  }
0x2d1: {  	v3 =	vld [tilespmem:$0x1F3E0];
	_ =	sdelay $0x4  }
0x2d2: {  	v29 =	vmul.f32 v3, v0;
	v0 =	vld [tilespmem:$0x1F3F0]  }
0x2d3: {  	v3 =	vld [tilespmem:$0x1F400];
	_ =	sdelay $0x4  }
0x2d4: {  	v52 =	vmul.f32 v3, v0;
	v0 =	vld [tilespmem:s20+$0x710]  }
0x2d5: {  	v28 =	vld [tilespmem:s20+$0x109B0]  }
0x2d6: {  	v23 =	vld [tilespmem:s20+$0x9B0]  }
0x2d7: {  	v45 =	vld [tilespmem:s20+$0x89B0]  }
0x2d8: {  	v3 =	vld [tilespmem:$0x1F420]  }
0x2d9: {  	[tilespmem:$0x1FDA0] =	vst v0;
	v0 =	vld [tilespmem:$0x1F410]  }
0x2da: {  	v30 =	vld [tilespmem:s20+$0x10980]  }
0x2db: {  	v53 =	vld [tilespmem:s20+$0x10990]  }
0x2dc: {  	v55 =	vld [tilespmem:s20+$0x108F0]  }
0x2dd: {  	v54 =	vld [tilespmem:s20+$0x10920]  }
0x2de: {  	v56 =	vld [tilespmem:s20+$0x108E0];
	v0 =	vmul.f32 v3, v0  }
0x2df: {  	v58 =	vld [tilespmem:s20+$0x10900]  }
0x2e0: {  	[tilespmem:$0x1FD90] =	vst v0;
	v0 =	vld [tilespmem:s20+$0x8710]  }
0x2e1: {  	v57 =	vld [tilespmem:s20+$0x10910]  }
0x2e2: {  	v33 =	vld [tilespmem:s20+$0x920]  }
0x2e3: {  	v32 =	vld [tilespmem:s20+$0x8920]  }
0x2e4: {  	v3 =	vld [tilespmem:$0x1F440]  }
0x2e5: {  	[tilespmem:$0x1FDB0] =	vst v0;
	v0 =	vld [tilespmem:$0x1F430]  }
0x2e6: {  	v62 =	vld [tilespmem:s20+$0x10870]  }
0x2e7: {  	v60 =	vld [tilespmem:s20+$0x108C0]  }
0x2e8: {  	v59 =	vld [tilespmem:s20+$0x108D0];
	v33 =	vmul.f32 v32, v33  }
0x2e9: {  	v37 =	vld [tilespmem:s20+$0x8900];
	v52 =	vmul.f32 v53, v52  }
0x2ea: {  	v53 =	vmul.f32 v54, v33;
	v54 =	vmul.f32 v3, v0;
	v0 =	vld [tilespmem:$0x1F450]  }
0x2eb: {  	v40 =	vld [tilespmem:s20+$0x8910]  }
0x2ec: {  	v39 =	vld [tilespmem:s20+$0x870]  }
0x2ed: {  	v35 =	vld [tilespmem:s20+$0x8870];
	v23 =	vmul.f32 v45, v23  }
0x2ee: {  	v41 =	vld [tilespmem:s20+$0x88C0]  }
0x2ef: {  	v49 =	vmul.f32 v28, v23;
	v28 =	vmul.f32 v37, v0;
	v0 =	vld [tilespmem:$0x1F460]  }
0x2f0: {  	v42 =	vld [tilespmem:s20+$0x8830]  }
0x2f1: {  	v44 =	vld [tilespmem:s20+$0x860]  }
0x2f2: {  	v43 =	vld [tilespmem:s20+$0x8860]  }
0x2f3: {  	v36 =	vld [tilespmem:s20+$0x8840]  }
0x2f4: {  	v54 =	vmul.f32 v56, v54;
	v56 =	vld [tilespmem:$0x1F470];
	v0 =	vmul.f32 v40, v0  }
0x2f5: {  	v29 =	vmul.f32 v55, v29;
	v55 =	vmul.f32 v58, v28;
	v58 =	vld [tilespmem:$0x1F490]  }
0x2f6: {  	v0 =	vmul.f32 v57, v0;
	v57 =	vld [tilespmem:$0x1F480]  }
0x2f7: {  	v38 =	vld [tilespmem:s20+$0x8850]  }
0x2f8: {  	v61 =	vld [tilespmem:s20+$0x7B0];
	v35 =	vmul.f32 v35, v39  }
0x2f9: {  	v63 =	vld [tilespmem:s20+$0x87B0]  }
0x2fa: {  	v3 =	vmul.f32 v62, v35;
	v62 =	vmul.f32 v41, v58;
	v58 =	vld [tilespmem:$0x1F4C0]  }
0x2fb: {  	v28 =	vmul.f32 v57, v56;
	v56 =	vld [tilespmem:$0x1F4A0]  }
0x2fc: {  	v57 =	vld [tilespmem:$0x1F4B0]  }
0x2fd: {  	v33 =	vld [tilespmem:$0x1F4E0]  }
0x2fe: {  	v32 =	vmul.f32 v60, v62;
	v62 =	vld [tilespmem:$0x1F4D0]  }
0x2ff: {  	v34 =	vld [tilespmem:s20+$0x87E0]  }
0x300: {  	v7 =	vld [tilespmem:s20+$0x800];
	v56 =	vmul.f32 v42, v56  }
0x301: {  	v2 =	vld [tilespmem:s20+$0x8800];
	v57 =	vmul.f32 v58, v57;
	v58 =	vmul.f32 v43, v44  }
0x302: {  	v60 =	vld [tilespmem:$0x1F520]  }
0x303: {  	v56 =	vmul.f32 v62, v56;
	v62 =	vmul.f32 v33, v58;
	v58 =	vld [tilespmem:$0x1F4F0]  }
0x304: {  	v57 =	vmul.f32 v59, v57;
	v59 =	vld [tilespmem:$0x1F500]  }
0x305: {  	v33 =	vld [tilespmem:$0x1F510]  }
0x306: {  	v5 =	vld [tilespmem:s20+$0x8810]  }
0x307: {  	v1 =	vld [tilespmem:s20+$0x770]  }
0x308: {  	v27 =	vld [tilespmem:s20+$0x8770]  }
0x309: {  	v10 =	vld [tilespmem:s20+$0x7A0]  }
0x30a: {  	v58 =	vmul.f32 v59, v58;
	v59 =	vmul.f32 v60, v33;
	v60 =	vld [tilespmem:$0x1F530]  }
0x30b: {  	v12 =	vld [tilespmem:s20+$0x87A0]  }
0x30c: {  	v25 =	vld [tilespmem:s20+$0x7C0]  }
0x30d: {  	v4 =	vld [tilespmem:s20+$0x87C0]  }
0x30e: {  	v13 =	vld [tilespmem:s20+$0x760]  }
0x30f: {  	v36 =	vmul.f32 v36, v60;
	v60 =	vld [tilespmem:$0x1F550]  }
0x310: {  	v15 =	vld [tilespmem:s20+$0x8760]  }
0x311: {  	v31 =	vld [tilespmem:s20+$0x780]  }
0x312: {  	v18 =	vld [tilespmem:s20+$0x8780]  }
0x313: {  	v14 =	vld [tilespmem:s20+$0x790]  }
0x314: {  	v59 =	vmul.f32 v60, v59;
	v60 =	vld [tilespmem:$0x1F560]  }
0x315: {  	v16 =	vld [tilespmem:s20+$0x8790]  }
0x316: {  	v22 =	vld [tilespmem:s20+$0x6F0]  }
0x317: {  	v26 =	vld [tilespmem:s20+$0x86F0]  }
0x318: {  	v9 =	vld [tilespmem:s20+$0x720]  }
0x319: {  	v60 =	vmul.f32 v60, v36;
	v36 =	vld [tilespmem:$0x1F570]  }
0x31a: {  	v11 =	vld [tilespmem:s20+$0x8720]  }
0x31b: {  	v17 =	vld [tilespmem:s20+$0x740]  }
0x31c: {  	v61 =	vmul.f32 v63, v61;
	v63 =	vld [tilespmem:$0x1F540]  }
0x31d: {  	v20 =	vld [tilespmem:s20+$0x8740]  }
0x31e: {  	v61 =	vmul.f32 v36, v61;
	v36 =	vld [tilespmem:$0x1F580]  }
0x31f: {  	v19 =	vld [tilespmem:s20+$0x750]  }
0x320: {  	v21 =	vld [tilespmem:s20+$0x8750]  }
0x321: {  	v6 =	vld [tilespmem:s20+$0x106A0];
	v38 =	vmul.f32 v38, v63  }
0x322: {  	v24 =	vld [tilespmem:s20+$0x6B0]  }
0x323: {  	v45 =	vld [tilespmem:s20+$0x86B0];
	v33 =	vmul.f32 v36, v38;
	v38 =	vadd.f32 v0, v55  }
0x324: {  	v55 =	vld [tilespmem:$0x1F590]  }
0x325: {  	v38 =	vadd.f32 v53, v38;
	v53 =	vld [tilespmem:$0x1F5E0]  }
0x326: {  	v8 =	vld [tilespmem:s20+$0x106D0]  }
0x327: {  	v39 =	vld [tilespmem:s20+$0x630];
	v7 =	vmul.f32 v2, v7  }
0x328: {  	v2 =	vld [tilespmem:s20+$0x10610];
	v1 =	vmul.f32 v27, v1;
	v12 =	vmul.f32 v12, v10;
	v32 =	vadd.f32 v57, v32  }
0x329: {  	v22 =	vmul.f32 v26, v22;
	v26 =	vld [tilespmem:s20+$0x8680];
	v30 =	vmul.f32 v30, v47  }
0x32a: {  	v27 =	vld [tilespmem:$0x1F5A0];
	v36 =	vmul.f32 v34, v55;
	v34 =	vmul.f32 v53, v12;
	v12 =	vadd.f32 v54, v32  }
0x32b: {  	v10 =	vld [tilespmem:$0x1F5B0]  }
0x32c: {  	v14 =	vmul.f32 v16, v14;
	v30 =	vadd.f32 v52, v30;
	v16 =	vadd.f32 v29, v12;
	v12 =	vld [tilespmem:$0x1F600]  }
0x32d: {  	v23 =	vld [tilespmem:s20+$0x700]  }
0x32e: {  	v13 =	vmul.f32 v15, v13;
	v63 =	vld [tilespmem:s20+$0x6D0];
	v30 =	vadd.f32 v51, v30  }
0x32f: {  	v15 =	vmul.f32 v18, v31;
	v27 =	vmul.f32 v5, v27;
	v5 =	vld [tilespmem:s20+$0x620]  }
0x330: {  	v30 =	vadd.f32 v49, v30;
	v49 =	vmul.f32 v10, v7;
	v10 =	vld [tilespmem:$0x1F5C0];
	v18 =	vadd.f32 v33, v60  }
0x331: {  	v55 =	vmul.f32 v12, v13;
	v12 =	vld [tilespmem:$0x1F610]  }
0x332: {  	v13 =	vadd.f32 v62, v18;
	v62 =	vmov v6;
	v6 =	vld [tilespmem:$0x1F620]  }
0x333: {  	v46 =	vld [tilespmem:s20+$0x6E0]  }
0x334: {  	v48 =	vld [tilespmem:s20+$0x86E0]  }
0x335: {  	v47 =	vld [tilespmem:s20+$0x8700]  }
0x336: {  	v10 =	vmul.f32 v10, v1;
	v1 =	vld [tilespmem:$0x1F5D0]  }
0x337: {  	v15 =	vmul.f32 v12, v15;
	v12 =	vmul.f32 v6, v22;
	v6 =	vld [tilespmem:$0x1F630]  }
0x338: {  	v52 =	vld [tilespmem:s20+$0x86C0]  }
0x339: {  	v51 =	vld [tilespmem:s20+$0x86D0]  }
0x33a: {  	v7 =	vld [tilespmem:s20+$0x8620]  }
0x33b: {  	v27 =	vmul.f32 v1, v27;
	v1 =	vld [tilespmem:s20+$0x10640]  }
0x33c: {  	v50 =	vadd.f32 v50, v38;
	v18 =	vmul.f32 v6, v14;
	v6 =	vld [tilespmem:$0x1F640]  }
0x33d: {  	(xrf2) =	vadd.scan.msk.f32 $0xffff, v30;
	v35 =	vld [tilespmem:s20+$0x10660]  }
0x33e: {  	v37 =	vld [tilespmem:s20+$0x10620];
	(xrf2) =	vadd.scan.msk.f32 $0xffff, v50  }
0x33f: {  	v40 =	vld [tilespmem:s20+$0x8630];
	(xrf2) =	vadd.scan.msk.f32 $0xffff, v16;
	v16 =	vmul.f32 v20, v17  }
0x340: {  	v41 =	vld [tilespmem:s20+$0x10680]  }
0x341: {  	v17 =	vmul.f32 v21, v19;
	v21 =	vmul.f32 v6, v16;
	v6 =	vld [tilespmem:$0x1F650]  }
0x342: {  	[tilespmem:$0x1FE10] =	vst v28;
	v28 =	vld [tilespmem:s20+$0x6C0]  }
0x343: {  	v42 =	vld [tilespmem:s20+$0x10690]  }
0x344: {  	v44 =	vld [tilespmem:s20+$0x6A0]  }
0x345: {  	v43 =	vld [tilespmem:s20+$0x86A0]  }
0x346: {  	v17 =	vmul.f32 v6, v17;
	v6 =	vld [tilespmem:$0x1F660]  }
0x347: {  	v57 =	vld [tilespmem:s20+$0x690]  }
0x348: {  	v0 =	vld [tilespmem:s20+$0x10600]  }
0x349: {  	v60 =	vld [tilespmem:$0x1F5F0];
	v20 =	vmul.f32 v45, v24  }
0x34a: {  	v38 =	vmul.f32 v4, v25;
	v4 =	vld [tilespmem:s20+$0x660]  }
0x34b: {  	v19 =	vadd.f32 v3, v13;
	v3 =	vmul.f32 v11, v9;
	v11 =	vmul.f32 v6, v20;
	v6 =	vld [tilespmem:$0x1F670]  }
0x34c: {  	v25 =	vld [tilespmem:s20+$0x680]  }
0x34d: {  	v13 =	vld [tilespmem:s20+$0x8600];
	v14 =	vadd.f32 v27, v49  }
0x34e: {  	(xrf2) =	vadd.scan.msk.f32 $0xffff, v19;
	v19 =	vmul.f32 v48, v46;
	v27 =	vld [tilespmem:s20+$0x8690]  }
0x34f: {  	v9 =	vadd.f32 v59, v14;
	v14 =	vld [tilespmem:s20+$0x600]  }
0x350: {  	p0 =	sne.s32 s22, $0x1F000;
	v15 =	vadd.f32 v18, v15;
	v19 =	vmul.f32 v6, v19;
	v6 =	vld [tilespmem:$0x1F680]  }
.Ltmp0:
0x351: {  	v24 =	vmul.f32 v51, v63;
	v18 =	vld [tilespmem:s20+$0x8610];
	(pc) =	sbr.rel @p0 .LBB2_2-.Ltmp0, $4  }
0x352: {  	v59 =	vadd.f32 v34, v15;
	v15 =	vld [tilespmem:s20+$0x640];
	v63 =	vadd.f32 v17, v21  }
0x353: {  	v22 =	vmul.f32 v52, v28;
	v16 =	vld [tilespmem:s20+$0x610];
	v21 =	vmul.f32 v8, v24;
	v20 =	vadd.f32 v56, v9  }
0x354: {  	v45, _, _ =	vpop (xrf2);
	v17 =	vld [tilespmem:s20+$0x8640];
	v24 =	vadd.f32 v55, v63;
	v9 =	vmul.f32 v47, v23;
	v23 =	vmul.f32 v27, v57  }
0x355: {  	s22 =	sadd.s32 $0x1000, s22;
	v34, _, _ =	vpop (xrf2);
	v8 =	vld [tilespmem:s20+$0x650];
	(xrf2) =	vadd.scan.msk.f32 $0xffff, v20;
	v20 =	vmul.f32 v6, v22;
	v6 =	vadd.f32 v61, v59;
	v22 =	vmul.f32 v26, v25  }
0x356: {  	v51 =	vld [tilespmem:s20+$0x8650]  }
0x357: {  	v52 =	vld [tilespmem:s20+$0x8660]  }
0x358: {  	v55 =	vld [tilespmem:s20+$0x10650]  }
0x359: {  	v59 =	vld [tilespmem:s20+$0x670]  }
0x35a: {  	v61 =	vld [tilespmem:s20+$0x8670]  }
0x35b: {  	v63 =	vld [tilespmem:s20+$0x10710]  }
0x35c: {  	v10 =	vadd.f32 v10, v24;
	v24 =	vld [tilespmem:$0x1FDA0]  }
0x35d: {  	v28 =	vld [tilespmem:s20+$0x10730]  }
0x35e: {  	v29 =	vld [tilespmem:$0x1FC90]  }
0x35f: {  	v31 =	vld [tilespmem:s20+$0x87F0]  }
0x360: {  	v33 =	vld [tilespmem:$0x1FC50]  }
0x361: {  	v25 =	vmul.f32 v40, v39;
	v39 =	vld [tilespmem:$0x1FC70]  }
0x362: {  	v40 =	vld [tilespmem:$0x1FC80]  }
0x363: {  	v23 =	vmul.f32 v42, v23;
	v42 =	vld [tilespmem:$0x1FC40]  }
0x364: {  	v26 =	vmul.f32 v43, v44;
	v43 =	vld [tilespmem:s20+$0x88B0]  }
0x365: {  	v47 =	vld [tilespmem:$0x1FC00]  }
0x366: {  	v48 =	vld [tilespmem:$0x1FC10]  }
0x367: {  	v49 =	vld [tilespmem:s20+$0x10950]  }
0x368: {  	v50 =	vld [tilespmem:$0x1FC20]  }
0x369: {  	v20 =	vadd.f32 v21, v20;
	v21 =	vld [tilespmem:s20+$0x10670]  }
0x36a: {  	v22 =	vmul.f32 v41, v22;
	v41 =	vld [tilespmem:s20+$0x107F0]  }
0x36b: {  	v57 =	vmul.f32 v62, v26;
	v26 =	vld [tilespmem:s20+$0x107D0]  }
0x36c: {  	v5 =	vmul.f32 v7, v5;
	v56 =	vadd.f32 v23, v22;
	v22 =	vld [tilespmem:s20+$0x8730]  }
0x36d: {  	v23 =	vld [tilespmem:$0x1FCA0]  }
0x36e: {  	v53 =	vmul.f32 v18, v16;
	v54 =	vadd.f32 v19, v20;
	v19 =	vmul.f32 v37, v5;
	v37 =	vld [tilespmem:s20+$0x10890]  }
0x36f: {  	v20 =	vld [tilespmem:s20+$0x10970]  }
0x370: {  	v2 =	vmul.f32 v2, v53;
	v53 =	vld [tilespmem:$0x1FBF0]  }
0x371: {  	v8 =	vmul.f32 v51, v8;
	v51 =	vld [tilespmem:$0x1FC30]  }
0x372: {  	v4 =	vmul.f32 v52, v4;
	v52 =	vld [tilespmem:s20+$0x108B0]  }
0x373: {  	v13 =	vmul.f32 v13, v14;
	v12 =	vadd.f32 v12, v54;
	v54 =	vld [tilespmem:s20+$0x8970]  }
0x374: {  	v7 =	vadd.f32 v57, v56;
	v56 =	vld [tilespmem:$0x1FBB0]  }
0x375: {  	v0 =	vmul.f32 v0, v13;
	v57 =	vld [tilespmem:$0x1FBC0]  }
0x376: {  	v27 =	vmul.f32 v61, v59;
	v59 =	vld [tilespmem:$0x1FBD0]  }
0x377: {  	v62 =	vmul.f32 v17, v15;
	v0 =	vadd.f32 v2, v0;
	v2 =	vmul.f32 v23, v25;
	v25 =	vld [tilespmem:$0x1FDB0]  }
0x378: {  	v61 =	vld [tilespmem:$0x1FE10]  }
0x379: {  	v1 =	vmul.f32 v1, v62;
	v62 =	vld [tilespmem:$0x1FBE0]  }
0x37a: {  	v4 =	vmul.f32 v35, v4;
	v35 =	vld [tilespmem:$0x1FC60]  }
0x37b: {  	v3 =	vmul.f32 v39, v3;
	v39 =	vld [tilespmem:$0x1FB40];
	v8 =	vmul.f32 v55, v8  }
0x37c: {  	v32 =	vmul.f32 v21, v27;
	v21 =	vld [tilespmem:$0x1FBA0];
	v0 =	vadd.f32 v19, v0;
	v14 =	vmul.f32 v25, v24  }
0x37d: {  	(xrf2) =	vadd.scan.msk.f32 $0xffff, v6;
	v7 =	vadd.f32 v11, v7;
	v27 =	vld [tilespmem:$0x1FB70];
	v6 =	vmul.f32 v22, v40;
	v1 =	vadd.f32 v8, v1  }
0x37e: {  	v22 =	vld [tilespmem:$0x1FD90];
	v0 =	vadd.f32 v2, v0;
	v2 =	vmul.f32 v29, v9;
	v30 =	vmul.f32 v63, v14  }
0x37f: {  	(xrf2) =	vadd.scan.msk.f32 $0xffff, v10;
	v46 =	vmul.f32 v28, v6;
	v29 =	vld [tilespmem:$0x1FB80];
	v1 =	vadd.f32 v4, v1;
	v5 =	vmul.f32 v35, v33  }
0x380: {  	(xrf2) =	vadd.scan.msk.f32 $0xffff, v12;
	v9 =	vmul.f32 v31, v51;
	v10 =	vmul.f32 v57, v56;
	v31 =	vld [tilespmem:$0x1FB90];
	v2 =	vadd.f32 v30, v2  }
0x381: {  	(xrf2) =	vadd.scan.msk.f32 $0xffff, v7;
	v4 =	vmul.f32 v42, v38;
	v33 =	vld [tilespmem:$0x1FB30];
	v1 =	vadd.f32 v32, v1;
	v5 =	vmul.f32 v26, v5  }
0x382: {  	v7 =	vmul.f32 v43, v62;
	(xrf2) =	vadd.scan.msk.f32 $0xffff, v0;
	v26 =	vld [tilespmem:$0x1FB60];
	v44 =	vadd.f32 v3, v2;
	v3 =	vmul.f32 v48, v47  }
0x383: {  	v55 =	vmul.f32 v41, v9;
	(xrf2) =	vadd.scan.msk.f32 $0xffff, v1;
	v4 =	vadd.f32 v5, v4;
	v5 =	vmul.f32 v50, v36;
	v30 =	vld [tilespmem:$0x1FD00]  }
0x384: {  	v35 =	vld [tilespmem:$0x1FCC0];
	v2 =	vmul.f32 v53, v58;
	v0 =	vadd.f32 v46, v44;
	v3 =	vmul.f32 v37, v3  }
0x385: {  	v6 =	vmul.f32 v49, v10;
	v9, _, _ =	vpop (xrf2);
	v1 =	vmul.f32 v52, v7;
	v4 =	vadd.f32 v5, v4;
	v58 =	vld [tilespmem:s20+$0x89E0]  }
0x386: {  	v63, _, _ =	vpop (xrf2);
	v5 =	vmul.f32 v21, v22;
	v37 =	vld [tilespmem:$0x1FB50];
	v2 =	vadd.f32 v3, v2;
	v3 =	vmul.f32 v59, v61;
	(xrf2) =	vadd.scan.msk.f32 $0xffff, v0  }
0x387: {  	v24 =	vld [tilespmem:s20+$0x89F0];
	v8 =	vmul.f32 v54, v31;
	v23, _, _ =	vpop (xrf2);
	v7 =	vmul.f32 v27, v26;
	v4 =	vadd.f32 v55, v4  }
0x388: {  	v28 =	vld [tilespmem:s20+$0x109E0];
	v25, _, _ =	vpop (xrf2);
	v5 =	vadd.f32 v6, v5;
	v6 =	vmul.f32 v29, v30;
	v2 =	vadd.f32 v3, v2  }
0x389: {  	v32, _, _ =	vpop (xrf2);
	v0 =	vmul.f32 v20, v8;
	(xrf2) =	vadd.scan.msk.f32 $0xffff, v4  }
0x38a: {  	v38 =	vld [tilespmem:s20+$0x109F0];
	v36, _, _ =	vpop (xrf2);
	v5 =	vadd.f32 v6, v5;
	v6 =	vmul.f32 v39, v7;
	v1 =	vadd.f32 v1, v2  }
0x38b: {  	v40, _, _ =	vpop (xrf2);
	v11 =	vmul.f32 v58, v37;
	v2 =	vmul.f32 v33, v35  }
0x38c: {  	v41 =	vmul.f32 v24, v60;
	v42, _, _ =	vpop (xrf2);
	(xrf2) =	vadd.scan.msk.f32 $0xffff, v1  }
0x38d: {  	v44, _, _ =	vpop (xrf2);
	v0 =	vadd.f32 v0, v5;
	v43 =	vmul.f32 v28, v11;
	v2 =	vadd.f32 v6, v2  }
0x38e: {  	v1 =	vbroadcast v42, $0xF;
	v6 =	vbroadcast v44, $0xF  }
0x38f: {  	v46 =	vmul.f32 v38, v41;
	v47 =	vbroadcast v40, $0xF;
	(xrf2) =	vadd.scan.msk.f32 $0xffff, v0;
	v2 =	vadd.f32 v43, v2  }
0x390: {  	v48 =	vbroadcast v36, $0xF;
	v1 =	vsel vm0, v1, v6;
	v49, _, _ =	vpop (xrf2)  }
0x391: {  	v0 =	vsel vm1, v1, v47;
	v50 =	vadd.f32 v46, v2;
	v51 =	vbroadcast v49, $0xF  }
0x392: {  	v4 =	vbroadcast v32, $0xF;
	v0 =	vsel vm2, v0, v48  }
0x393: {  	v52 =	vbroadcast v25, $0xF;
	v53, _, _ =	vpop (xrf2);
	(xrf2) =	vadd.scan.msk.f32 $0xffff, v50;
	v0 =	vsel vm3, v0, v51  }
0x394: {  	v1 =	vbroadcast v53, $0xF;
	v0 =	vsel vm4, v0, v4  }
0x395: {  	v54 =	vbroadcast v23, $0xF;
	v0 =	vsel vm5, v0, v52  }
0x396: {  	v55 =	vbroadcast v63, $0xF;
	v0 =	vsel vm6, v0, v1;
	v56, _, _ =	vpop (xrf2)  }
0x397: {  	v0 =	vsel vm7, v0, v54;
	v57 =	vbroadcast v56, $0xF  }
0x398: {  	v58 =	vbroadcast v9, $0xF;
	v0 =	vsel vm8, v0, v55  }
0x399: {  	v59 =	vbroadcast v34, $0xF;
	v60, _, _ =	vpop (xrf2);
	v0 =	vsel vm9, v0, v57  }
0x39a: {  	v61 =	vbroadcast v60, $0xF;
	v0 =	vsel vm10, v0, v58  }
0x39b: {  	v62 =	vbroadcast v45, $0xF;
	v0 =	vsel vm11, v0, v59  }
0x39c: {  	v0 =	vsel vm12, v0, v61  }
0x39d: {  	s19 =	sadd.s32 $0x1, s19;
	v63, _, _ =	vpop (xrf2);
	v0 =	vsel vm13, v0, v62  }
0x39e: {  	s31 =	sadd.s32 $0x10, s21;
	p0 =	sne.s32 s19, s10;
	v0 =	vsel vm14, v0, v63  }
.Ltmp1:
0x39f: {  	[tilespmem:s31+$0x0] =	vst v0;
	(pc) =	sbr.rel @p0 .LBB2_1-.Ltmp1, $4  }
0x3a0: {  	[hbm4b:s9+s1] =	stream.linear.scatter [tilespmem:s18], [sflag:$0x2], $0x200, $0x38;
	[tilespmem:$0x18800] =	vst v63  }
0x3a1: {  	_ =	swait.ge [sflag:s11], $0x200  }
0x3a2: {  	[sflag:s11] =	ssyncset.done $0x0  }
0x3a3: {  	[sflag:s11] =	ssyncadd.s32 $0xFFFFFE00  }
0x3a4: {  	_ =	sfence.sel $0x180000  }
0x3a5: {  	[bflag:$0x0] =	sbarrier.arrive $0xFFFF  }
0x3a6: {  	p0 =	sne.s32 s2, $0x0;
	_ =	strace $0x90000047  }
0x3a7: {  	s0 =	sadd.s32 @!p0 $0x100000, s0;
	[bflag:$0x2] =	sbarrier.arrive $0xFFFF  }
0x3a8: {  	[sflag:s0] =	ssyncadd.tile.s32 @!p0 $0x1;
	_ =	shalt  }
.Lfunc_end2:
_tile_overlayer_lowered:
.L_overlay_start_2:
0x3a9: {  	(tag) =	ssettag $0x2  }
0x3aa: {  	s0 =	rddreg [dreg:$0x0];
	s2 =	stileid.u32  }
0x3ab: {  	s1 =	rddreg [dreg:$0x1];
	p0 =	sne.s32 s2, $0x0  }
0x3ac: {  	s3 =	rddreg [dreg:$0x2];
	[bflag:$0x3] =	sbarrier.arrive $0xFFFF;
	s2 =	simm.s32 @!p0 $0x1C02  }
0x3ad: {  	[timem:s3], [sflag:s2] =	dma.local @!p0 [hbm:s0], s1  }
0x3ae: {  	s0 =	simm.s32 @!p0 $0x2  }
0x3af: {  	_ =	swait.ge @!p0 [sflag:s0], s1  }
0x3b0: {  	s1 =	ssub.s32 @!p0 $0x0, s1;
	[sflag:s0] =	ssyncset.done @!p0 $0x0  }
0x3b1: {  	[sflag:s0] =	ssyncadd.s32 @!p0 s1  }
0x3b2: {  	[bflag:$0x3] =	sbarrier.arrive $0xFFFF  }
0x3b3: {  	_ =	shalt  }

</sc_bundles>
